<compile_context>
chip_gen: v7x
topology: tpu7x:2x2x1
jax: 0.10.2.dev20260603
libtpu: 0.0.44.dev20260713+nightly
codegen_flags: <defaults>
</compile_context>

<pallas_src>
import functools

import jax
import jax.numpy as jnp
from jax import lax
from jax.experimental import pallas as pl
from jax.experimental.pallas import tpu as pltpu
from jax.experimental.pallas import tpu_sc as plsc

B, T, C = 4096, 50, 20
ED = 16
NC, NS = 2, 16
NW = NC * NS
BP = B // NW


def _tree_sum(vals):
    while len(vals) > 1:
        nxt = [vals[i] + vals[i + 1] for i in range(0, len(vals) - 1, 2)]
        if len(vals) % 2:
            nxt.append(vals[-1])
        vals = nxt
    return vals[0]


def _emb_body(idx_hbm, table_hbm, out_hbm,
              idx0, idx1, rows0, rows1, out0, out1,
              gsem0, gsem1, osem0, osem1):
    wid = lax.axis_index("s") * NC + lax.axis_index("c")
    b0 = wid * BP
    idx_b = (idx0, idx1)
    rows_b = (rows0, rows1)
    out_b = (out0, out1)
    gsem = (gsem0, gsem1)
    osem = (osem0, osem1)

    def _fire_gather(b, t):
        pltpu.sync_copy(idx_hbm.at[:, t // 8, wid, t % 8], idx_b[b])
        for c in range(C):
            pltpu.async_copy(
                table_hbm.at[idx_b[b].at[c]], rows_b[b].at[c], gsem[b])

    def _wait_gather(b):
        for c in range(C):
            pltpu.make_async_copy(
                table_hbm.at[idx_b[b].at[c]], rows_b[b].at[c], gsem[b]).wait()

    for b in range(2):
        _fire_gather(b, b)

    @pl.loop(0, T, step=2)
    def _chunk(t0):
        for b in range(2):
            t = t0 + b
            _wait_gather(b)
            @pl.when(t >= 2)
            def _():
                pltpu.make_async_copy(
                    out_b[b], out_hbm.at[pl.ds(b0, BP), pl.ds(0, 1)],
                    osem[b]).wait()

            @pl.loop(0, BP)
            def _pos(p):
                out_b[b][p, 0] = _tree_sum([rows_b[b][c, p] for c in range(C)])

            pltpu.async_copy(
                out_b[b], out_hbm.at[pl.ds(b0, BP), pl.ds(t, 1)], osem[b])

            @pl.when(t + 2 < T)
            def _():
                _fire_gather(b, t + 2)

    for b in range(2):
        pltpu.make_async_copy(
            out_b[b], out_hbm.at[pl.ds(b0, BP), pl.ds(0, 1)], osem[b]).wait()


TR = (T + 7) // 8
BTILES = B // 128


def _repack_body(x_ref, o_ref):
    for i in range(TR):
        h = min(8, T - 8 * i)
        for j in range(BTILES):
            o_ref[0, i, j, 0:h, :] = x_ref[0, 8 * i:8 * i + h, 128 * j:128 * (j + 1)]


def _repack_idx(idx_ctb):
    return pl.pallas_call(
        _repack_body,
        grid=(C,),
        in_specs=[pl.BlockSpec((1, T, B), lambda c: (c, 0, 0))],
        out_specs=pl.BlockSpec((1, TR, BTILES, 8, 128), lambda c: (c, 0, 0, 0, 0)),
        out_shape=jax.ShapeDtypeStruct((C, TR, BTILES, 8, 128), jnp.int32),
    )(idx_ctb)


@jax.jit
def _embed_sum(idx_ctb, embed_table):
    mesh = plsc.VectorSubcoreMesh(core_axis_name="c", subcore_axis_name="s")
    return pl.kernel(
        _emb_body,
        out_type=jax.ShapeDtypeStruct((B, T, ED), jnp.float32),
        mesh=mesh,
        compiler_params=pltpu.CompilerParams(use_tc_tiling_on_sc=False),
        scratch_types=[
            pltpu.VMEM((C, BP), jnp.int32),
            pltpu.VMEM((C, BP), jnp.int32),
            pltpu.VMEM((C, BP, ED), jnp.float32),
            pltpu.VMEM((C, BP, ED), jnp.float32),
            pltpu.VMEM((BP, 1, ED), jnp.float32),
            pltpu.VMEM((BP, 1, ED), jnp.float32),
            pltpu.SemaphoreType.DMA,
            pltpu.SemaphoreType.DMA,
            pltpu.SemaphoreType.DMA,
            pltpu.SemaphoreType.DMA,
        ],
    )(idx_ctb, embed_table)


def kernel(ContTensor, CatTensor, LabelTensor, MaskTensor, DoseTensor, TimeDiffTensor, VTensor, VancoClTensor, PtList, LengList, embed_table):
    idx_ctb = _repack_idx(CatTensor.transpose(2, 1, 0))
    emb = _embed_sum(idx_ctb, embed_table)
    outEmb = jnp.concatenate((emb, ContTensor), axis=2)
    return (outEmb, LabelTensor, LengList, MaskTensor, DoseTensor, TimeDiffTensor, VTensor, VancoClTensor, PtList)

# --- scband reference (transcript-rebuilt; emitter-appended) ---
"""Pipeline reference for scband-ehrembeddings-36146444763935 (READ-ONLY COPY).

The authoritative reference and input builder live on the scoring server;
editing this copy changes nothing except your own understanding.
"""

import jax, jax.numpy as jnp
import numpy as np

B, T, C = 4096, 50, 20
VOCAB, ED, NCONT = 1000000, 16, 2


def setup_inputs(seed: int = 0) -> dict:
    key = jax.random.key(seed)
    ks = jax.random.split(key, 10)
    CatTensor = jax.random.randint(ks[0], (B, T, C), 0, VOCAB, dtype=jnp.int64 if jax.config.jax_enable_x64 else jnp.int32).astype(jnp.int32)
    ContTensor = jax.random.normal(ks[1], (B, T, NCONT), dtype=jnp.float32)
    LabelTensor = jax.random.normal(ks[2], (B, 4), dtype=jnp.float32)
    MaskTensor = jnp.ones((B, T), dtype=jnp.float32)
    DoseTensor = jax.random.uniform(ks[3], (B, T), dtype=jnp.float32)
    TimeDiffTensor = jax.random.uniform(ks[4], (B, T), dtype=jnp.float32)
    VTensor = jax.random.uniform(ks[5], (B, T), dtype=jnp.float32)
    VancoClTensor = jax.random.uniform(ks[6], (B,), dtype=jnp.float32)
    PtList = jnp.arange(B, dtype=jnp.int32)
    LengList = jax.random.randint(ks[7], (B,), 1, T + 1, dtype=jnp.int32)
    # learned embedding table, padding_idx=0 row zeroed (nn.Embedding padding_idx semantics)
    embed_table = jax.random.normal(ks[8], (VOCAB, ED), dtype=jnp.float32) * 0.02
    embed_table = embed_table.at[0].set(0.0)
    return {
        'ContTensor': ContTensor, 'CatTensor': CatTensor, 'LabelTensor': LabelTensor,
        'MaskTensor': MaskTensor, 'DoseTensor': DoseTensor, 'TimeDiffTensor': TimeDiffTensor,
        'VTensor': VTensor, 'VancoClTensor': VancoClTensor, 'PtList': PtList,
        'LengList': LengList, 'embed_table': embed_table,
    }


def reference(ContTensor, CatTensor, LabelTensor, MaskTensor, DoseTensor, TimeDiffTensor, VTensor, VancoClTensor, PtList, LengList, embed_table):
    # EmbedPatients_MB with embed_dim != 0 path
    catEmb = jnp.take(embed_table, CatTensor, axis=0)          # [B, T, C, ED] gather
    outEmb = jnp.sum(catEmb, axis=2)                            # sum multi-hot codes -> [B, T, ED]
    outEmb = jnp.concatenate((outEmb, ContTensor), axis=2)      # [B, T, ED + n_cont]
    return (outEmb, LabelTensor, LengList, MaskTensor, DoseTensor, TimeDiffTensor, VTensor, VancoClTensor, PtList)

if __name__ == "__main__":
    import jax
    _d = setup_inputs()
    print(jax.jit(kernel)(*tuple(_d.values())))

</pallas_src>

<mosaic_0001>
#map = affine_map<(d0, d1) -> (0, 0, 0, 0, 0)>
#map1 = affine_map<(d0, d1) -> (0, 0)>
#map2 = affine_map<(d0, d1) -> (0, 0, 0)>
module attributes {stable_mosaic.version = 14 : i64} {
  func.func @_emb_body(%arg0: i32, %arg1: i32, %arg2: memref<20x7x32x8x128xi32, #tpu.memory_space<hbm>>, %arg3: memref<1000000x16xf32, #tpu.memory_space<hbm>>, %arg4: memref<4096x50x16xf32, #tpu.memory_space<hbm>>, %arg5: memref<20x128xi32, #tpu.memory_space<vmem>>, %arg6: memref<20x128xi32, #tpu.memory_space<vmem>>, %arg7: memref<20x128x16xf32, #tpu.memory_space<vmem>>, %arg8: memref<20x128x16xf32, #tpu.memory_space<vmem>>, %arg9: memref<128x1x16xf32, #tpu.memory_space<vmem>>, %arg10: memref<128x1x16xf32, #tpu.memory_space<vmem>>, %arg11: memref<!tpu.dma_semaphore, #tpu.memory_space<semaphore_mem>>, %arg12: memref<!tpu.dma_semaphore, #tpu.memory_space<semaphore_mem>>, %arg13: memref<!tpu.dma_semaphore, #tpu.memory_space<semaphore_mem>>, %arg14: memref<!tpu.dma_semaphore, #tpu.memory_space<semaphore_mem>>) attributes {dimension_semantics = [#tpu.dimension_semantics<core_parallel>, #tpu.dimension_semantics<subcore_parallel>], iteration_bounds = array<i64: 2, 16>, scalar_prefetch = 0 : i64, scratch_operands = 10 : i64, tpu.core_type = #tpu.core_type<sc_vector_subcore>, window_params = [{transform_indices = #map}, {transform_indices = #map1}, {transform_indices = #map2}]} {
    %mul3A = arith.constant 2 : i32
    %mul3A_0 = arith.muli %arg1, %mul3A : i32
    %add3A = arith.addi %mul3A_0, %arg0 : i32
    %mul3A_1 = arith.constant 128 : i32
    %mul3A_2 = arith.muli %add3A, %mul3A_1 : i32
    %run_scoped3A = arith.constant 0 : i32
    %run_scoped3A_3 = arith.constant 0 : i32
    "tpu.region"() ({
      %run_scoped3A_500 = tpu.sem_alloc : memref<!tpu.dma_semaphore, #tpu.memory_space<semaphore_mem>>
      %dma_start3A_501 = arith.constant 0 : i32
      %dma_start3A_502 = arith.constant 0 : i32
      %dma_start3A_503 = tpu.memref_slice %arg2[%dma_start3A_501, %run_scoped3A, %add3A, %run_scoped3A_3, %dma_start3A_502] : memref<20x7x32x8x128xi32, #tpu.memory_space<hbm>> -> memref<20x1x1x1x128xi32, #tpu.memory_space<hbm>>
      %dma_start3A_504 = tpu.memref_squeeze %dma_start3A_503 : memref<20x1x1x1x128xi32, #tpu.memory_space<hbm>> -> memref<20x128xi32, #tpu.memory_space<hbm>>
      %dma_start3A_505 = arith.constant 0 : i32
      %dma_start3A_506 = arith.constant 0 : i32
      %dma_start3A_507 = tpu.memref_slice %arg2[%dma_start3A_505, %run_scoped3A, %add3A, %run_scoped3A_3, %dma_start3A_506] : memref<20x7x32x8x128xi32, #tpu.memory_space<hbm>> -> memref<20x1x1x1x128xi32, #tpu.memory_space<hbm>>
      %dma_start3A_508 = tpu.memref_squeeze %dma_start3A_507 : memref<20x1x1x1x128xi32, #tpu.memory_space<hbm>> -> memref<20x128xi32, #tpu.memory_space<hbm>>
      tpu.enqueue_dma source(%dma_start3A_508 : memref<20x128xi32, #tpu.memory_space<hbm>>) target(%arg5 : memref<20x128xi32, #tpu.memory_space<vmem>>) target_semaphore(%run_scoped3A_500 : memref<!tpu.dma_semaphore, #tpu.memory_space<semaphore_mem>>)
      %dma_wait3A_509 = arith.constant 0 : i32
      %dma_wait3A_510 = arith.constant 0 : i32
      %dma_wait3A_511 = tpu.memref_slice %arg2[%dma_wait3A_509, %run_scoped3A, %add3A, %run_scoped3A_3, %dma_wait3A_510] : memref<20x7x32x8x128xi32, #tpu.memory_space<hbm>> -> memref<20x1x1x1x128xi32, #tpu.memory_space<hbm>>
      %dma_wait3A_512 = tpu.memref_squeeze %dma_wait3A_511 : memref<20x1x1x1x128xi32, #tpu.memory_space<hbm>> -> memref<20x128xi32, #tpu.memory_space<hbm>>
      %dma_wait3A_513 = arith.constant 0 : i32
      %dma_wait3A_514 = arith.constant 0 : i32
      %dma_wait3A_515 = tpu.memref_slice %arg2[%dma_wait3A_513, %run_scoped3A, %add3A, %run_scoped3A_3, %dma_wait3A_514] : memref<20x7x32x8x128xi32, #tpu.memory_space<hbm>> -> memref<20x1x1x1x128xi32, #tpu.memory_space<hbm>>
      %dma_wait3A_516 = tpu.memref_squeeze %dma_wait3A_515 : memref<20x1x1x1x128xi32, #tpu.memory_space<hbm>> -> memref<20x128xi32, #tpu.memory_space<hbm>>
      tpu.wait_dma2 semaphore(%run_scoped3A_500 : memref<!tpu.dma_semaphore, #tpu.memory_space<semaphore_mem>>) src(%dma_wait3A_516 : memref<20x128xi32, #tpu.memory_space<hbm>>) dst(%arg5 : memref<20x128xi32, #tpu.memory_space<vmem>>)
      tpu.yield
    }) : () -> ()
    %dma_start3A = arith.constant 0 : i32
    %dma_start3A_4 = arith.constant 0 : i32
    %dma_start3A_5 = arith.constant 0 : i32
    %dma_start3A_6 = arith.constant 0 : i32
    %dma_start3A_7 = tpu.memref_slice %arg7[%dma_start3A_4, %dma_start3A_5, %dma_start3A_6] : memref<20x128x16xf32, #tpu.memory_space<vmem>> -> memref<1x128x16xf32, #tpu.memory_space<vmem>>
    %dma_start3A_8 = tpu.memref_squeeze %dma_start3A_7 : memref<1x128x16xf32, #tpu.memory_space<vmem>> -> memref<128x16xf32, #tpu.memory_space<vmem>>
    %dma_start3A_9 = arith.constant 0 : i32
    %dma_start3A_10 = tpu.memref_slice %arg5[%dma_start3A, %dma_start3A_9] : memref<20x128xi32, #tpu.memory_space<vmem>> -> memref<1x128xi32, #tpu.memory_space<vmem>>
    %dma_start3A_11 = tpu.memref_squeeze %dma_start3A_10 : memref<1x128xi32, #tpu.memory_space<vmem>> -> memref<128xi32, #tpu.memory_space<vmem>>
    %dma_start3A_12 = arith.constant 0 : i32
    %dma_start3A_13 = arith.constant 0 : i32
    %dma_start3A_14 = tpu.memref_slice %arg3[%dma_start3A_12, %dma_start3A_13] : memref<1000000x16xf32, #tpu.memory_space<hbm>> -> memref<1000000x16xf32, #tpu.memory_space<hbm>>
    tpu.enqueue_indirect_dma source(%dma_start3A_14 : memref<1000000x16xf32, #tpu.memory_space<hbm>>) target(%dma_start3A_8 : memref<128x16xf32, #tpu.memory_space<vmem>>) offsets(%dma_start3A_11 : memref<128xi32, #tpu.memory_space<vmem>>) semaphore(%arg11 : memref<!tpu.dma_semaphore, #tpu.memory_space<semaphore_mem>>)
    %dma_start3A_15 = arith.constant 1 : i32
    %dma_start3A_16 = arith.constant 1 : i32
    %dma_start3A_17 = arith.constant 0 : i32
    %dma_start3A_18 = arith.constant 0 : i32
    %dma_start3A_19 = tpu.memref_slice %arg7[%dma_start3A_16, %dma_start3A_17, %dma_start3A_18] : memref<20x128x16xf32, #tpu.memory_space<vmem>> -> memref<1x128x16xf32, #tpu.memory_space<vmem>>
    %dma_start3A_20 = tpu.memref_squeeze %dma_start3A_19 : memref<1x128x16xf32, #tpu.memory_space<vmem>> -> memref<128x16xf32, #tpu.memory_space<vmem>>
    %dma_start3A_21 = arith.constant 0 : i32
    %dma_start3A_22 = tpu.memref_slice %arg5[%dma_start3A_15, %dma_start3A_21] : memref<20x128xi32, #tpu.memory_space<vmem>> -> memref<1x128xi32, #tpu.memory_space<vmem>>
    %dma_start3A_23 = tpu.memref_squeeze %dma_start3A_22 : memref<1x128xi32, #tpu.memory_space<vmem>> -> memref<128xi32, #tpu.memory_space<vmem>>
    %dma_start3A_24 = arith.constant 0 : i32
    %dma_start3A_25 = arith.constant 0 : i32
    %dma_start3A_26 = tpu.memref_slice %arg3[%dma_start3A_24, %dma_start3A_25] : memref<1000000x16xf32, #tpu.memory_space<hbm>> -> memref<1000000x16xf32, #tpu.memory_space<hbm>>
    tpu.enqueue_indirect_dma source(%dma_start3A_26 : memref<1000000x16xf32, #tpu.memory_space<hbm>>) target(%dma_start3A_20 : memref<128x16xf32, #tpu.memory_space<vmem>>) offsets(%dma_start3A_23 : memref<128xi32, #tpu.memory_space<vmem>>) semaphore(%arg11 : memref<!tpu.dma_semaphore, #tpu.memory_space<semaphore_mem>>)
    %dma_start3A_27 = arith.constant 2 : i32
    %dma_start3A_28 = arith.constant 2 : i32
    %dma_start3A_29 = arith.constant 0 : i32
    %dma_start3A_30 = arith.constant 0 : i32
    %dma_start3A_31 = tpu.memref_slice %arg7[%dma_start3A_28, %dma_start3A_29, %dma_start3A_30] : memref<20x128x16xf32, #tpu.memory_space<vmem>> -> memref<1x128x16xf32, #tpu.memory_space<vmem>>
    %dma_start3A_32 = tpu.memref_squeeze %dma_start3A_31 : memref<1x128x16xf32, #tpu.memory_space<vmem>> -> memref<128x16xf32, #tpu.memory_space<vmem>>
    %dma_start3A_33 = arith.constant 0 : i32
    %dma_start3A_34 = tpu.memref_slice %arg5[%dma_start3A_27, %dma_start3A_33] : memref<20x128xi32, #tpu.memory_space<vmem>> -> memref<1x128xi32, #tpu.memory_space<vmem>>
    %dma_start3A_35 = tpu.memref_squeeze %dma_start3A_34 : memref<1x128xi32, #tpu.memory_space<vmem>> -> memref<128xi32, #tpu.memory_space<vmem>>
    %dma_start3A_36 = arith.constant 0 : i32
    %dma_start3A_37 = arith.constant 0 : i32
    %dma_start3A_38 = tpu.memref_slice %arg3[%dma_start3A_36, %dma_start3A_37] : memref<1000000x16xf32, #tpu.memory_space<hbm>> -> memref<1000000x16xf32, #tpu.memory_space<hbm>>
    tpu.enqueue_indirect_dma source(%dma_start3A_38 : memref<1000000x16xf32, #tpu.memory_space<hbm>>) target(%dma_start3A_32 : memref<128x16xf32, #tpu.memory_space<vmem>>) offsets(%dma_start3A_35 : memref<128xi32, #tpu.memory_space<vmem>>) semaphore(%arg11 : memref<!tpu.dma_semaphore, #tpu.memory_space<semaphore_mem>>)
    %dma_start3A_39 = arith.constant 3 : i32
    %dma_start3A_40 = arith.constant 3 : i32
    %dma_start3A_41 = arith.constant 0 : i32
    %dma_start3A_42 = arith.constant 0 : i32
    %dma_start3A_43 = tpu.memref_slice %arg7[%dma_start3A_40, %dma_start3A_41, %dma_start3A_42] : memref<20x128x16xf32, #tpu.memory_space<vmem>> -> memref<1x128x16xf32, #tpu.memory_space<vmem>>
    %dma_start3A_44 = tpu.memref_squeeze %dma_start3A_43 : memref<1x128x16xf32, #tpu.memory_space<vmem>> -> memref<128x16xf32, #tpu.memory_space<vmem>>
    %dma_start3A_45 = arith.constant 0 : i32
    %dma_start3A_46 = tpu.memref_slice %arg5[%dma_start3A_39, %dma_start3A_45] : memref<20x128xi32, #tpu.memory_space<vmem>> -> memref<1x128xi32, #tpu.memory_space<vmem>>
    %dma_start3A_47 = tpu.memref_squeeze %dma_start3A_46 : memref<1x128xi32, #tpu.memory_space<vmem>> -> memref<128xi32, #tpu.memory_space<vmem>>
    %dma_start3A_48 = arith.constant 0 : i32
    %dma_start3A_49 = arith.constant 0 : i32
    %dma_start3A_50 = tpu.memref_slice %arg3[%dma_start3A_48, %dma_start3A_49] : memref<1000000x16xf32, #tpu.memory_space<hbm>> -> memref<1000000x16xf32, #tpu.memory_space<hbm>>
    tpu.enqueue_indirect_dma source(%dma_start3A_50 : memref<1000000x16xf32, #tpu.memory_space<hbm>>) target(%dma_start3A_44 : memref<128x16xf32, #tpu.memory_space<vmem>>) offsets(%dma_start3A_47 : memref<128xi32, #tpu.memory_space<vmem>>) semaphore(%arg11 : memref<!tpu.dma_semaphore, #tpu.memory_space<semaphore_mem>>)
    %dma_start3A_51 = arith.constant 4 : i32
    %dma_start3A_52 = arith.constant 4 : i32
    %dma_start3A_53 = arith.constant 0 : i32
    %dma_start3A_54 = arith.constant 0 : i32
    %dma_start3A_55 = tpu.memref_slice %arg7[%dma_start3A_52, %dma_start3A_53, %dma_start3A_54] : memref<20x128x16xf32, #tpu.memory_space<vmem>> -> memref<1x128x16xf32, #tpu.memory_space<vmem>>
    %dma_start3A_56 = tpu.memref_squeeze %dma_start3A_55 : memref<1x128x16xf32, #tpu.memory_space<vmem>> -> memref<128x16xf32, #tpu.memory_space<vmem>>
    %dma_start3A_57 = arith.constant 0 : i32
    %dma_start3A_58 = tpu.memref_slice %arg5[%dma_start3A_51, %dma_start3A_57] : memref<20x128xi32, #tpu.memory_space<vmem>> -> memref<1x128xi32, #tpu.memory_space<vmem>>
    %dma_start3A_59 = tpu.memref_squeeze %dma_start3A_58 : memref<1x128xi32, #tpu.memory_space<vmem>> -> memref<128xi32, #tpu.memory_space<vmem>>
    %dma_start3A_60 = arith.constant 0 : i32
    %dma_start3A_61 = arith.constant 0 : i32
    %dma_start3A_62 = tpu.memref_slice %arg3[%dma_start3A_60, %dma_start3A_61] : memref<1000000x16xf32, #tpu.memory_space<hbm>> -> memref<1000000x16xf32, #tpu.memory_space<hbm>>
    tpu.enqueue_indirect_dma source(%dma_start3A_62 : memref<1000000x16xf32, #tpu.memory_space<hbm>>) target(%dma_start3A_56 : memref<128x16xf32, #tpu.memory_space<vmem>>) offsets(%dma_start3A_59 : memref<128xi32, #tpu.memory_space<vmem>>) semaphore(%arg11 : memref<!tpu.dma_semaphore, #tpu.memory_space<semaphore_mem>>)
    %dma_start3A_63 = arith.constant 5 : i32
    %dma_start3A_64 = arith.constant 5 : i32
    %dma_start3A_65 = arith.constant 0 : i32
    %dma_start3A_66 = arith.constant 0 : i32
    %dma_start3A_67 = tpu.memref_slice %arg7[%dma_start3A_64, %dma_start3A_65, %dma_start3A_66] : memref<20x128x16xf32, #tpu.memory_space<vmem>> -> memref<1x128x16xf32, #tpu.memory_space<vmem>>
    %dma_start3A_68 = tpu.memref_squeeze %dma_start3A_67 : memref<1x128x16xf32, #tpu.memory_space<vmem>> -> memref<128x16xf32, #tpu.memory_space<vmem>>
    %dma_start3A_69 = arith.constant 0 : i32
    %dma_start3A_70 = tpu.memref_slice %arg5[%dma_start3A_63, %dma_start3A_69] : memref<20x128xi32, #tpu.memory_space<vmem>> -> memref<1x128xi32, #tpu.memory_space<vmem>>
    %dma_start3A_71 = tpu.memref_squeeze %dma_start3A_70 : memref<1x128xi32, #tpu.memory_space<vmem>> -> memref<128xi32, #tpu.memory_space<vmem>>
    %dma_start3A_72 = arith.constant 0 : i32
    %dma_start3A_73 = arith.constant 0 : i32
    %dma_start3A_74 = tpu.memref_slice %arg3[%dma_start3A_72, %dma_start3A_73] : memref<1000000x16xf32, #tpu.memory_space<hbm>> -> memref<1000000x16xf32, #tpu.memory_space<hbm>>
    tpu.enqueue_indirect_dma source(%dma_start3A_74 : memref<1000000x16xf32, #tpu.memory_space<hbm>>) target(%dma_start3A_68 : memref<128x16xf32, #tpu.memory_space<vmem>>) offsets(%dma_start3A_71 : memref<128xi32, #tpu.memory_space<vmem>>) semaphore(%arg11 : memref<!tpu.dma_semaphore, #tpu.memory_space<semaphore_mem>>)
    %dma_start3A_75 = arith.constant 6 : i32
    %dma_start3A_76 = arith.constant 6 : i32
    %dma_start3A_77 = arith.constant 0 : i32
    %dma_start3A_78 = arith.constant 0 : i32
    %dma_start3A_79 = tpu.memref_slice %arg7[%dma_start3A_76, %dma_start3A_77, %dma_start3A_78] : memref<20x128x16xf32, #tpu.memory_space<vmem>> -> memref<1x128x16xf32, #tpu.memory_space<vmem>>
    %dma_start3A_80 = tpu.memref_squeeze %dma_start3A_79 : memref<1x128x16xf32, #tpu.memory_space<vmem>> -> memref<128x16xf32, #tpu.memory_space<vmem>>
    %dma_start3A_81 = arith.constant 0 : i32
    %dma_start3A_82 = tpu.memref_slice %arg5[%dma_start3A_75, %dma_start3A_81] : memref<20x128xi32, #tpu.memory_space<vmem>> -> memref<1x128xi32, #tpu.memory_space<vmem>>
    %dma_start3A_83 = tpu.memref_squeeze %dma_start3A_82 : memref<1x128xi32, #tpu.memory_space<vmem>> -> memref<128xi32, #tpu.memory_space<vmem>>
    %dma_start3A_84 = arith.constant 0 : i32
    %dma_start3A_85 = arith.constant 0 : i32
    %dma_start3A_86 = tpu.memref_slice %arg3[%dma_start3A_84, %dma_start3A_85] : memref<1000000x16xf32, #tpu.memory_space<hbm>> -> memref<1000000x16xf32, #tpu.memory_space<hbm>>
    tpu.enqueue_indirect_dma source(%dma_start3A_86 : memref<1000000x16xf32, #tpu.memory_space<hbm>>) target(%dma_start3A_80 : memref<128x16xf32, #tpu.memory_space<vmem>>) offsets(%dma_start3A_83 : memref<128xi32, #tpu.memory_space<vmem>>) semaphore(%arg11 : memref<!tpu.dma_semaphore, #tpu.memory_space<semaphore_mem>>)
    %dma_start3A_87 = arith.constant 7 : i32
    %dma_start3A_88 = arith.constant 7 : i32
    %dma_start3A_89 = arith.constant 0 : i32
    %dma_start3A_90 = arith.constant 0 : i32
    %dma_start3A_91 = tpu.memref_slice %arg7[%dma_start3A_88, %dma_start3A_89, %dma_start3A_90] : memref<20x128x16xf32, #tpu.memory_space<vmem>> -> memref<1x128x16xf32, #tpu.memory_space<vmem>>
    %dma_start3A_92 = tpu.memref_squeeze %dma_start3A_91 : memref<1x128x16xf32, #tpu.memory_space<vmem>> -> memref<128x16xf32, #tpu.memory_space<vmem>>
    %dma_start3A_93 = arith.constant 0 : i32
    %dma_start3A_94 = tpu.memref_slice %arg5[%dma_start3A_87, %dma_start3A_93] : memref<20x128xi32, #tpu.memory_space<vmem>> -> memref<1x128xi32, #tpu.memory_space<vmem>>
    %dma_start3A_95 = tpu.memref_squeeze %dma_start3A_94 : memref<1x128xi32, #tpu.memory_space<vmem>> -> memref<128xi32, #tpu.memory_space<vmem>>
    %dma_start3A_96 = arith.constant 0 : i32
    %dma_start3A_97 = arith.constant 0 : i32
    %dma_start3A_98 = tpu.memref_slice %arg3[%dma_start3A_96, %dma_start3A_97] : memref<1000000x16xf32, #tpu.memory_space<hbm>> -> memref<1000000x16xf32, #tpu.memory_space<hbm>>
    tpu.enqueue_indirect_dma source(%dma_start3A_98 : memref<1000000x16xf32, #tpu.memory_space<hbm>>) target(%dma_start3A_92 : memref<128x16xf32, #tpu.memory_space<vmem>>) offsets(%dma_start3A_95 : memref<128xi32, #tpu.memory_space<vmem>>) semaphore(%arg11 : memref<!tpu.dma_semaphore, #tpu.memory_space<semaphore_mem>>)
    %dma_start3A_99 = arith.constant 8 : i32
    %dma_start3A_100 = arith.constant 8 : i32
    %dma_start3A_101 = arith.constant 0 : i32
    %dma_start3A_102 = arith.constant 0 : i32
    %dma_start3A_103 = tpu.memref_slice %arg7[%dma_start3A_100, %dma_start3A_101, %dma_start3A_102] : memref<20x128x16xf32, #tpu.memory_space<vmem>> -> memref<1x128x16xf32, #tpu.memory_space<vmem>>
    %dma_start3A_104 = tpu.memref_squeeze %dma_start3A_103 : memref<1x128x16xf32, #tpu.memory_space<vmem>> -> memref<128x16xf32, #tpu.memory_space<vmem>>
    %dma_start3A_105 = arith.constant 0 : i32
    %dma_start3A_106 = tpu.memref_slice %arg5[%dma_start3A_99, %dma_start3A_105] : memref<20x128xi32, #tpu.memory_space<vmem>> -> memref<1x128xi32, #tpu.memory_space<vmem>>
    %dma_start3A_107 = tpu.memref_squeeze %dma_start3A_106 : memref<1x128xi32, #tpu.memory_space<vmem>> -> memref<128xi32, #tpu.memory_space<vmem>>
    %dma_start3A_108 = arith.constant 0 : i32
    %dma_start3A_109 = arith.constant 0 : i32
    %dma_start3A_110 = tpu.memref_slice %arg3[%dma_start3A_108, %dma_start3A_109] : memref<1000000x16xf32, #tpu.memory_space<hbm>> -> memref<1000000x16xf32, #tpu.memory_space<hbm>>
    tpu.enqueue_indirect_dma source(%dma_start3A_110 : memref<1000000x16xf32, #tpu.memory_space<hbm>>) target(%dma_start3A_104 : memref<128x16xf32, #tpu.memory_space<vmem>>) offsets(%dma_start3A_107 : memref<128xi32, #tpu.memory_space<vmem>>) semaphore(%arg11 : memref<!tpu.dma_semaphore, #tpu.memory_space<semaphore_mem>>)
    %dma_start3A_111 = arith.constant 9 : i32
    %dma_start3A_112 = arith.constant 9 : i32
    %dma_start3A_113 = arith.constant 0 : i32
    %dma_start3A_114 = arith.constant 0 : i32
    %dma_start3A_115 = tpu.memref_slice %arg7[%dma_start3A_112, %dma_start3A_113, %dma_start3A_114] : memref<20x128x16xf32, #tpu.memory_space<vmem>> -> memref<1x128x16xf32, #tpu.memory_space<vmem>>
    %dma_start3A_116 = tpu.memref_squeeze %dma_start3A_115 : memref<1x128x16xf32, #tpu.memory_space<vmem>> -> memref<128x16xf32, #tpu.memory_space<vmem>>
    %dma_start3A_117 = arith.constant 0 : i32
    %dma_start3A_118 = tpu.memref_slice %arg5[%dma_start3A_111, %dma_start3A_117] : memref<20x128xi32, #tpu.memory_space<vmem>> -> memref<1x128xi32, #tpu.memory_space<vmem>>
    %dma_start3A_119 = tpu.memref_squeeze %dma_start3A_118 : memref<1x128xi32, #tpu.memory_space<vmem>> -> memref<128xi32, #tpu.memory_space<vmem>>
    %dma_start3A_120 = arith.constant 0 : i32
    %dma_start3A_121 = arith.constant 0 : i32
    %dma_start3A_122 = tpu.memref_slice %arg3[%dma_start3A_120, %dma_start3A_121] : memref<1000000x16xf32, #tpu.memory_space<hbm>> -> memref<1000000x16xf32, #tpu.memory_space<hbm>>
    tpu.enqueue_indirect_dma source(%dma_start3A_122 : memref<1000000x16xf32, #tpu.memory_space<hbm>>) target(%dma_start3A_116 : memref<128x16xf32, #tpu.memory_space<vmem>>) offsets(%dma_start3A_119 : memref<128xi32, #tpu.memory_space<vmem>>) semaphore(%arg11 : memref<!tpu.dma_semaphore, #tpu.memory_space<semaphore_mem>>)
    %dma_start3A_123 = arith.constant 10 : i32
    %dma_start3A_124 = arith.constant 10 : i32
    %dma_start3A_125 = arith.constant 0 : i32
    %dma_start3A_126 = arith.constant 0 : i32
    %dma_start3A_127 = tpu.memref_slice %arg7[%dma_start3A_124, %dma_start3A_125, %dma_start3A_126] : memref<20x128x16xf32, #tpu.memory_space<vmem>> -> memref<1x128x16xf32, #tpu.memory_space<vmem>>
    %dma_start3A_128 = tpu.memref_squeeze %dma_start3A_127 : memref<1x128x16xf32, #tpu.memory_space<vmem>> -> memref<128x16xf32, #tpu.memory_space<vmem>>
    %dma_start3A_129 = arith.constant 0 : i32
    %dma_start3A_130 = tpu.memref_slice %arg5[%dma_start3A_123, %dma_start3A_129] : memref<20x128xi32, #tpu.memory_space<vmem>> -> memref<1x128xi32, #tpu.memory_space<vmem>>
    %dma_start3A_131 = tpu.memref_squeeze %dma_start3A_130 : memref<1x128xi32, #tpu.memory_space<vmem>> -> memref<128xi32, #tpu.memory_space<vmem>>
    %dma_start3A_132 = arith.constant 0 : i32
    %dma_start3A_133 = arith.constant 0 : i32
    %dma_start3A_134 = tpu.memref_slice %arg3[%dma_start3A_132, %dma_start3A_133] : memref<1000000x16xf32, #tpu.memory_space<hbm>> -> memref<1000000x16xf32, #tpu.memory_space<hbm>>
    tpu.enqueue_indirect_dma source(%dma_start3A_134 : memref<1000000x16xf32, #tpu.memory_space<hbm>>) target(%dma_start3A_128 : memref<128x16xf32, #tpu.memory_space<vmem>>) offsets(%dma_start3A_131 : memref<128xi32, #tpu.memory_space<vmem>>) semaphore(%arg11 : memref<!tpu.dma_semaphore, #tpu.memory_space<semaphore_mem>>)
    %dma_start3A_135 = arith.constant 11 : i32
    %dma_start3A_136 = arith.constant 11 : i32
    %dma_start3A_137 = arith.constant 0 : i32
    %dma_start3A_138 = arith.constant 0 : i32
    %dma_start3A_139 = tpu.memref_slice %arg7[%dma_start3A_136, %dma_start3A_137, %dma_start3A_138] : memref<20x128x16xf32, #tpu.memory_space<vmem>> -> memref<1x128x16xf32, #tpu.memory_space<vmem>>
    %dma_start3A_140 = tpu.memref_squeeze %dma_start3A_139 : memref<1x128x16xf32, #tpu.memory_space<vmem>> -> memref<128x16xf32, #tpu.memory_space<vmem>>
    %dma_start3A_141 = arith.constant 0 : i32
    %dma_start3A_142 = tpu.memref_slice %arg5[%dma_start3A_135, %dma_start3A_141] : memref<20x128xi32, #tpu.memory_space<vmem>> -> memref<1x128xi32, #tpu.memory_space<vmem>>
    %dma_start3A_143 = tpu.memref_squeeze %dma_start3A_142 : memref<1x128xi32, #tpu.memory_space<vmem>> -> memref<128xi32, #tpu.memory_space<vmem>>
    %dma_start3A_144 = arith.constant 0 : i32
    %dma_start3A_145 = arith.constant 0 : i32
    %dma_start3A_146 = tpu.memref_slice %arg3[%dma_start3A_144, %dma_start3A_145] : memref<1000000x16xf32, #tpu.memory_space<hbm>> -> memref<1000000x16xf32, #tpu.memory_space<hbm>>
    tpu.enqueue_indirect_dma source(%dma_start3A_146 : memref<1000000x16xf32, #tpu.memory_space<hbm>>) target(%dma_start3A_140 : memref<128x16xf32, #tpu.memory_space<vmem>>) offsets(%dma_start3A_143 : memref<128xi32, #tpu.memory_space<vmem>>) semaphore(%arg11 : memref<!tpu.dma_semaphore, #tpu.memory_space<semaphore_mem>>)
    %dma_start3A_147 = arith.constant 12 : i32
    %dma_start3A_148 = arith.constant 12 : i32
    %dma_start3A_149 = arith.constant 0 : i32
    %dma_start3A_150 = arith.constant 0 : i32
    %dma_start3A_151 = tpu.memref_slice %arg7[%dma_start3A_148, %dma_start3A_149, %dma_start3A_150] : memref<20x128x16xf32, #tpu.memory_space<vmem>> -> memref<1x128x16xf32, #tpu.memory_space<vmem>>
    %dma_start3A_152 = tpu.memref_squeeze %dma_start3A_151 : memref<1x128x16xf32, #tpu.memory_space<vmem>> -> memref<128x16xf32, #tpu.memory_space<vmem>>
    %dma_start3A_153 = arith.constant 0 : i32
    %dma_start3A_154 = tpu.memref_slice %arg5[%dma_start3A_147, %dma_start3A_153] : memref<20x128xi32, #tpu.memory_space<vmem>> -> memref<1x128xi32, #tpu.memory_space<vmem>>
    %dma_start3A_155 = tpu.memref_squeeze %dma_start3A_154 : memref<1x128xi32, #tpu.memory_space<vmem>> -> memref<128xi32, #tpu.memory_space<vmem>>
    %dma_start3A_156 = arith.constant 0 : i32
    %dma_start3A_157 = arith.constant 0 : i32
    %dma_start3A_158 = tpu.memref_slice %arg3[%dma_start3A_156, %dma_start3A_157] : memref<1000000x16xf32, #tpu.memory_space<hbm>> -> memref<1000000x16xf32, #tpu.memory_space<hbm>>
    tpu.enqueue_indirect_dma source(%dma_start3A_158 : memref<1000000x16xf32, #tpu.memory_space<hbm>>) target(%dma_start3A_152 : memref<128x16xf32, #tpu.memory_space<vmem>>) offsets(%dma_start3A_155 : memref<128xi32, #tpu.memory_space<vmem>>) semaphore(%arg11 : memref<!tpu.dma_semaphore, #tpu.memory_space<semaphore_mem>>)
    %dma_start3A_159 = arith.constant 13 : i32
    %dma_start3A_160 = arith.constant 13 : i32
    %dma_start3A_161 = arith.constant 0 : i32
    %dma_start3A_162 = arith.constant 0 : i32
    %dma_start3A_163 = tpu.memref_slice %arg7[%dma_start3A_160, %dma_start3A_161, %dma_start3A_162] : memref<20x128x16xf32, #tpu.memory_space<vmem>> -> memref<1x128x16xf32, #tpu.memory_space<vmem>>
    %dma_start3A_164 = tpu.memref_squeeze %dma_start3A_163 : memref<1x128x16xf32, #tpu.memory_space<vmem>> -> memref<128x16xf32, #tpu.memory_space<vmem>>
    %dma_start3A_165 = arith.constant 0 : i32
    %dma_start3A_166 = tpu.memref_slice %arg5[%dma_start3A_159, %dma_start3A_165] : memref<20x128xi32, #tpu.memory_space<vmem>> -> memref<1x128xi32, #tpu.memory_space<vmem>>
    %dma_start3A_167 = tpu.memref_squeeze %dma_start3A_166 : memref<1x128xi32, #tpu.memory_space<vmem>> -> memref<128xi32, #tpu.memory_space<vmem>>
    %dma_start3A_168 = arith.constant 0 : i32
    %dma_start3A_169 = arith.constant 0 : i32
    %dma_start3A_170 = tpu.memref_slice %arg3[%dma_start3A_168, %dma_start3A_169] : memref<1000000x16xf32, #tpu.memory_space<hbm>> -> memref<1000000x16xf32, #tpu.memory_space<hbm>>
    tpu.enqueue_indirect_dma source(%dma_start3A_170 : memref<1000000x16xf32, #tpu.memory_space<hbm>>) target(%dma_start3A_164 : memref<128x16xf32, #tpu.memory_space<vmem>>) offsets(%dma_start3A_167 : memref<128xi32, #tpu.memory_space<vmem>>) semaphore(%arg11 : memref<!tpu.dma_semaphore, #tpu.memory_space<semaphore_mem>>)
    %dma_start3A_171 = arith.constant 14 : i32
    %dma_start3A_172 = arith.constant 14 : i32
    %dma_start3A_173 = arith.constant 0 : i32
    %dma_start3A_174 = arith.constant 0 : i32
    %dma_start3A_175 = tpu.memref_slice %arg7[%dma_start3A_172, %dma_start3A_173, %dma_start3A_174] : memref<20x128x16xf32, #tpu.memory_space<vmem>> -> memref<1x128x16xf32, #tpu.memory_space<vmem>>
    %dma_start3A_176 = tpu.memref_squeeze %dma_start3A_175 : memref<1x128x16xf32, #tpu.memory_space<vmem>> -> memref<128x16xf32, #tpu.memory_space<vmem>>
    %dma_start3A_177 = arith.constant 0 : i32
    %dma_start3A_178 = tpu.memref_slice %arg5[%dma_start3A_171, %dma_start3A_177] : memref<20x128xi32, #tpu.memory_space<vmem>> -> memref<1x128xi32, #tpu.memory_space<vmem>>
    %dma_start3A_179 = tpu.memref_squeeze %dma_start3A_178 : memref<1x128xi32, #tpu.memory_space<vmem>> -> memref<128xi32, #tpu.memory_space<vmem>>
    %dma_start3A_180 = arith.constant 0 : i32
    %dma_start3A_181 = arith.constant 0 : i32
    %dma_start3A_182 = tpu.memref_slice %arg3[%dma_start3A_180, %dma_start3A_181] : memref<1000000x16xf32, #tpu.memory_space<hbm>> -> memref<1000000x16xf32, #tpu.memory_space<hbm>>
    tpu.enqueue_indirect_dma source(%dma_start3A_182 : memref<1000000x16xf32, #tpu.memory_space<hbm>>) target(%dma_start3A_176 : memref<128x16xf32, #tpu.memory_space<vmem>>) offsets(%dma_start3A_179 : memref<128xi32, #tpu.memory_space<vmem>>) semaphore(%arg11 : memref<!tpu.dma_semaphore, #tpu.memory_space<semaphore_mem>>)
    %dma_start3A_183 = arith.constant 15 : i32
    %dma_start3A_184 = arith.constant 15 : i32
    %dma_start3A_185 = arith.constant 0 : i32
    %dma_start3A_186 = arith.constant 0 : i32
    %dma_start3A_187 = tpu.memref_slice %arg7[%dma_start3A_184, %dma_start3A_185, %dma_start3A_186] : memref<20x128x16xf32, #tpu.memory_space<vmem>> -> memref<1x128x16xf32, #tpu.memory_space<vmem>>
    %dma_start3A_188 = tpu.memref_squeeze %dma_start3A_187 : memref<1x128x16xf32, #tpu.memory_space<vmem>> -> memref<128x16xf32, #tpu.memory_space<vmem>>
    %dma_start3A_189 = arith.constant 0 : i32
    %dma_start3A_190 = tpu.memref_slice %arg5[%dma_start3A_183, %dma_start3A_189] : memref<20x128xi32, #tpu.memory_space<vmem>> -> memref<1x128xi32, #tpu.memory_space<vmem>>
    %dma_start3A_191 = tpu.memref_squeeze %dma_start3A_190 : memref<1x128xi32, #tpu.memory_space<vmem>> -> memref<128xi32, #tpu.memory_space<vmem>>
    %dma_start3A_192 = arith.constant 0 : i32
    %dma_start3A_193 = arith.constant 0 : i32
    %dma_start3A_194 = tpu.memref_slice %arg3[%dma_start3A_192, %dma_start3A_193] : memref<1000000x16xf32, #tpu.memory_space<hbm>> -> memref<1000000x16xf32, #tpu.memory_space<hbm>>
    tpu.enqueue_indirect_dma source(%dma_start3A_194 : memref<1000000x16xf32, #tpu.memory_space<hbm>>) target(%dma_start3A_188 : memref<128x16xf32, #tpu.memory_space<vmem>>) offsets(%dma_start3A_191 : memref<128xi32, #tpu.memory_space<vmem>>) semaphore(%arg11 : memref<!tpu.dma_semaphore, #tpu.memory_space<semaphore_mem>>)
    %dma_start3A_195 = arith.constant 16 : i32
    %dma_start3A_196 = arith.constant 16 : i32
    %dma_start3A_197 = arith.constant 0 : i32
    %dma_start3A_198 = arith.constant 0 : i32
    %dma_start3A_199 = tpu.memref_slice %arg7[%dma_start3A_196, %dma_start3A_197, %dma_start3A_198] : memref<20x128x16xf32, #tpu.memory_space<vmem>> -> memref<1x128x16xf32, #tpu.memory_space<vmem>>
    %dma_start3A_200 = tpu.memref_squeeze %dma_start3A_199 : memref<1x128x16xf32, #tpu.memory_space<vmem>> -> memref<128x16xf32, #tpu.memory_space<vmem>>
    %dma_start3A_201 = arith.constant 0 : i32
    %dma_start3A_202 = tpu.memref_slice %arg5[%dma_start3A_195, %dma_start3A_201] : memref<20x128xi32, #tpu.memory_space<vmem>> -> memref<1x128xi32, #tpu.memory_space<vmem>>
    %dma_start3A_203 = tpu.memref_squeeze %dma_start3A_202 : memref<1x128xi32, #tpu.memory_space<vmem>> -> memref<128xi32, #tpu.memory_space<vmem>>
    %dma_start3A_204 = arith.constant 0 : i32
    %dma_start3A_205 = arith.constant 0 : i32
    %dma_start3A_206 = tpu.memref_slice %arg3[%dma_start3A_204, %dma_start3A_205] : memref<1000000x16xf32, #tpu.memory_space<hbm>> -> memref<1000000x16xf32, #tpu.memory_space<hbm>>
    tpu.enqueue_indirect_dma source(%dma_start3A_206 : memref<1000000x16xf32, #tpu.memory_space<hbm>>) target(%dma_start3A_200 : memref<128x16xf32, #tpu.memory_space<vmem>>) offsets(%dma_start3A_203 : memref<128xi32, #tpu.memory_space<vmem>>) semaphore(%arg11 : memref<!tpu.dma_semaphore, #tpu.memory_space<semaphore_mem>>)
    %dma_start3A_207 = arith.constant 17 : i32
    %dma_start3A_208 = arith.constant 17 : i32
    %dma_start3A_209 = arith.constant 0 : i32
    %dma_start3A_210 = arith.constant 0 : i32
    %dma_start3A_211 = tpu.memref_slice %arg7[%dma_start3A_208, %dma_start3A_209, %dma_start3A_210] : memref<20x128x16xf32, #tpu.memory_space<vmem>> -> memref<1x128x16xf32, #tpu.memory_space<vmem>>
    %dma_start3A_212 = tpu.memref_squeeze %dma_start3A_211 : memref<1x128x16xf32, #tpu.memory_space<vmem>> -> memref<128x16xf32, #tpu.memory_space<vmem>>
    %dma_start3A_213 = arith.constant 0 : i32
    %dma_start3A_214 = tpu.memref_slice %arg5[%dma_start3A_207, %dma_start3A_213] : memref<20x128xi32, #tpu.memory_space<vmem>> -> memref<1x128xi32, #tpu.memory_space<vmem>>
    %dma_start3A_215 = tpu.memref_squeeze %dma_start3A_214 : memref<1x128xi32, #tpu.memory_space<vmem>> -> memref<128xi32, #tpu.memory_space<vmem>>
    %dma_start3A_216 = arith.constant 0 : i32
    %dma_start3A_217 = arith.constant 0 : i32
    %dma_start3A_218 = tpu.memref_slice %arg3[%dma_start3A_216, %dma_start3A_217] : memref<1000000x16xf32, #tpu.memory_space<hbm>> -> memref<1000000x16xf32, #tpu.memory_space<hbm>>
    tpu.enqueue_indirect_dma source(%dma_start3A_218 : memref<1000000x16xf32, #tpu.memory_space<hbm>>) target(%dma_start3A_212 : memref<128x16xf32, #tpu.memory_space<vmem>>) offsets(%dma_start3A_215 : memref<128xi32, #tpu.memory_space<vmem>>) semaphore(%arg11 : memref<!tpu.dma_semaphore, #tpu.memory_space<semaphore_mem>>)
    %dma_start3A_219 = arith.constant 18 : i32
    %dma_start3A_220 = arith.constant 18 : i32
    %dma_start3A_221 = arith.constant 0 : i32
    %dma_start3A_222 = arith.constant 0 : i32
    %dma_start3A_223 = tpu.memref_slice %arg7[%dma_start3A_220, %dma_start3A_221, %dma_start3A_222] : memref<20x128x16xf32, #tpu.memory_space<vmem>> -> memref<1x128x16xf32, #tpu.memory_space<vmem>>
    %dma_start3A_224 = tpu.memref_squeeze %dma_start3A_223 : memref<1x128x16xf32, #tpu.memory_space<vmem>> -> memref<128x16xf32, #tpu.memory_space<vmem>>
    %dma_start3A_225 = arith.constant 0 : i32
    %dma_start3A_226 = tpu.memref_slice %arg5[%dma_start3A_219, %dma_start3A_225] : memref<20x128xi32, #tpu.memory_space<vmem>> -> memref<1x128xi32, #tpu.memory_space<vmem>>
    %dma_start3A_227 = tpu.memref_squeeze %dma_start3A_226 : memref<1x128xi32, #tpu.memory_space<vmem>> -> memref<128xi32, #tpu.memory_space<vmem>>
    %dma_start3A_228 = arith.constant 0 : i32
    %dma_start3A_229 = arith.constant 0 : i32
    %dma_start3A_230 = tpu.memref_slice %arg3[%dma_start3A_228, %dma_start3A_229] : memref<1000000x16xf32, #tpu.memory_space<hbm>> -> memref<1000000x16xf32, #tpu.memory_space<hbm>>
    tpu.enqueue_indirect_dma source(%dma_start3A_230 : memref<1000000x16xf32, #tpu.memory_space<hbm>>) target(%dma_start3A_224 : memref<128x16xf32, #tpu.memory_space<vmem>>) offsets(%dma_start3A_227 : memref<128xi32, #tpu.memory_space<vmem>>) semaphore(%arg11 : memref<!tpu.dma_semaphore, #tpu.memory_space<semaphore_mem>>)
    %dma_start3A_231 = arith.constant 19 : i32
    %dma_start3A_232 = arith.constant 19 : i32
    %dma_start3A_233 = arith.constant 0 : i32
    %dma_start3A_234 = arith.constant 0 : i32
    %dma_start3A_235 = tpu.memref_slice %arg7[%dma_start3A_232, %dma_start3A_233, %dma_start3A_234] : memref<20x128x16xf32, #tpu.memory_space<vmem>> -> memref<1x128x16xf32, #tpu.memory_space<vmem>>
    %dma_start3A_236 = tpu.memref_squeeze %dma_start3A_235 : memref<1x128x16xf32, #tpu.memory_space<vmem>> -> memref<128x16xf32, #tpu.memory_space<vmem>>
    %dma_start3A_237 = arith.constant 0 : i32
    %dma_start3A_238 = tpu.memref_slice %arg5[%dma_start3A_231, %dma_start3A_237] : memref<20x128xi32, #tpu.memory_space<vmem>> -> memref<1x128xi32, #tpu.memory_space<vmem>>
    %dma_start3A_239 = tpu.memref_squeeze %dma_start3A_238 : memref<1x128xi32, #tpu.memory_space<vmem>> -> memref<128xi32, #tpu.memory_space<vmem>>
    %dma_start3A_240 = arith.constant 0 : i32
    %dma_start3A_241 = arith.constant 0 : i32
    %dma_start3A_242 = tpu.memref_slice %arg3[%dma_start3A_240, %dma_start3A_241] : memref<1000000x16xf32, #tpu.memory_space<hbm>> -> memref<1000000x16xf32, #tpu.memory_space<hbm>>
    tpu.enqueue_indirect_dma source(%dma_start3A_242 : memref<1000000x16xf32, #tpu.memory_space<hbm>>) target(%dma_start3A_236 : memref<128x16xf32, #tpu.memory_space<vmem>>) offsets(%dma_start3A_239 : memref<128xi32, #tpu.memory_space<vmem>>) semaphore(%arg11 : memref<!tpu.dma_semaphore, #tpu.memory_space<semaphore_mem>>)
    %run_scoped3A_243 = arith.constant 0 : i32
    %run_scoped3A_244 = arith.constant 1 : i32
    "tpu.region"() ({
      %run_scoped3A_500 = tpu.sem_alloc : memref<!tpu.dma_semaphore, #tpu.memory_space<semaphore_mem>>
      %dma_start3A_501 = arith.constant 0 : i32
      %dma_start3A_502 = arith.constant 0 : i32
      %dma_start3A_503 = tpu.memref_slice %arg2[%dma_start3A_501, %run_scoped3A_243, %add3A, %run_scoped3A_244, %dma_start3A_502] : memref<20x7x32x8x128xi32, #tpu.memory_space<hbm>> -> memref<20x1x1x1x128xi32, #tpu.memory_space<hbm>>
      %dma_start3A_504 = tpu.memref_squeeze %dma_start3A_503 : memref<20x1x1x1x128xi32, #tpu.memory_space<hbm>> -> memref<20x128xi32, #tpu.memory_space<hbm>>
      %dma_start3A_505 = arith.constant 0 : i32
      %dma_start3A_506 = arith.constant 0 : i32
      %dma_start3A_507 = tpu.memref_slice %arg2[%dma_start3A_505, %run_scoped3A_243, %add3A, %run_scoped3A_244, %dma_start3A_506] : memref<20x7x32x8x128xi32, #tpu.memory_space<hbm>> -> memref<20x1x1x1x128xi32, #tpu.memory_space<hbm>>
      %dma_start3A_508 = tpu.memref_squeeze %dma_start3A_507 : memref<20x1x1x1x128xi32, #tpu.memory_space<hbm>> -> memref<20x128xi32, #tpu.memory_space<hbm>>
      tpu.enqueue_dma source(%dma_start3A_508 : memref<20x128xi32, #tpu.memory_space<hbm>>) target(%arg6 : memref<20x128xi32, #tpu.memory_space<vmem>>) target_semaphore(%run_scoped3A_500 : memref<!tpu.dma_semaphore, #tpu.memory_space<semaphore_mem>>)
      %dma_wait3A_509 = arith.constant 0 : i32
      %dma_wait3A_510 = arith.constant 0 : i32
      %dma_wait3A_511 = tpu.memref_slice %arg2[%dma_wait3A_509, %run_scoped3A_243, %add3A, %run_scoped3A_244, %dma_wait3A_510] : memref<20x7x32x8x128xi32, #tpu.memory_space<hbm>> -> memref<20x1x1x1x128xi32, #tpu.memory_space<hbm>>
      %dma_wait3A_512 = tpu.memref_squeeze %dma_wait3A_511 : memref<20x1x1x1x128xi32, #tpu.memory_space<hbm>> -> memref<20x128xi32, #tpu.memory_space<hbm>>
      %dma_wait3A_513 = arith.constant 0 : i32
      %dma_wait3A_514 = arith.constant 0 : i32
      %dma_wait3A_515 = tpu.memref_slice %arg2[%dma_wait3A_513, %run_scoped3A_243, %add3A, %run_scoped3A_244, %dma_wait3A_514] : memref<20x7x32x8x128xi32, #tpu.memory_space<hbm>> -> memref<20x1x1x1x128xi32, #tpu.memory_space<hbm>>
      %dma_wait3A_516 = tpu.memref_squeeze %dma_wait3A_515 : memref<20x1x1x1x128xi32, #tpu.memory_space<hbm>> -> memref<20x128xi32, #tpu.memory_space<hbm>>
      tpu.wait_dma2 semaphore(%run_scoped3A_500 : memref<!tpu.dma_semaphore, #tpu.memory_space<semaphore_mem>>) src(%dma_wait3A_516 : memref<20x128xi32, #tpu.memory_space<hbm>>) dst(%arg6 : memref<20x128xi32, #tpu.memory_space<vmem>>)
      tpu.yield
    }) : () -> ()
    %dma_start3A_245 = arith.constant 0 : i32
    %dma_start3A_246 = arith.constant 0 : i32
    %dma_start3A_247 = arith.constant 0 : i32
    %dma_start3A_248 = arith.constant 0 : i32
    %dma_start3A_249 = tpu.memref_slice %arg8[%dma_start3A_246, %dma_start3A_247, %dma_start3A_248] : memref<20x128x16xf32, #tpu.memory_space<vmem>> -> memref<1x128x16xf32, #tpu.memory_space<vmem>>
    %dma_start3A_250 = tpu.memref_squeeze %dma_start3A_249 : memref<1x128x16xf32, #tpu.memory_space<vmem>> -> memref<128x16xf32, #tpu.memory_space<vmem>>
    %dma_start3A_251 = arith.constant 0 : i32
    %dma_start3A_252 = tpu.memref_slice %arg6[%dma_start3A_245, %dma_start3A_251] : memref<20x128xi32, #tpu.memory_space<vmem>> -> memref<1x128xi32, #tpu.memory_space<vmem>>
    %dma_start3A_253 = tpu.memref_squeeze %dma_start3A_252 : memref<1x128xi32, #tpu.memory_space<vmem>> -> memref<128xi32, #tpu.memory_space<vmem>>
    %dma_start3A_254 = arith.constant 0 : i32
    %dma_start3A_255 = arith.constant 0 : i32
    %dma_start3A_256 = tpu.memref_slice %arg3[%dma_start3A_254, %dma_start3A_255] : memref<1000000x16xf32, #tpu.memory_space<hbm>> -> memref<1000000x16xf32, #tpu.memory_space<hbm>>
    tpu.enqueue_indirect_dma source(%dma_start3A_256 : memref<1000000x16xf32, #tpu.memory_space<hbm>>) target(%dma_start3A_250 : memref<128x16xf32, #tpu.memory_space<vmem>>) offsets(%dma_start3A_253 : memref<128xi32, #tpu.memory_space<vmem>>) semaphore(%arg12 : memref<!tpu.dma_semaphore, #tpu.memory_space<semaphore_mem>>)
    %dma_start3A_257 = arith.constant 1 : i32
    %dma_start3A_258 = arith.constant 1 : i32
    %dma_start3A_259 = arith.constant 0 : i32
    %dma_start3A_260 = arith.constant 0 : i32
    %dma_start3A_261 = tpu.memref_slice %arg8[%dma_start3A_258, %dma_start3A_259, %dma_start3A_260] : memref<20x128x16xf32, #tpu.memory_space<vmem>> -> memref<1x128x16xf32, #tpu.memory_space<vmem>>
    %dma_start3A_262 = tpu.memref_squeeze %dma_start3A_261 : memref<1x128x16xf32, #tpu.memory_space<vmem>> -> memref<128x16xf32, #tpu.memory_space<vmem>>
    %dma_start3A_263 = arith.constant 0 : i32
    %dma_start3A_264 = tpu.memref_slice %arg6[%dma_start3A_257, %dma_start3A_263] : memref<20x128xi32, #tpu.memory_space<vmem>> -> memref<1x128xi32, #tpu.memory_space<vmem>>
    %dma_start3A_265 = tpu.memref_squeeze %dma_start3A_264 : memref<1x128xi32, #tpu.memory_space<vmem>> -> memref<128xi32, #tpu.memory_space<vmem>>
    %dma_start3A_266 = arith.constant 0 : i32
    %dma_start3A_267 = arith.constant 0 : i32
    %dma_start3A_268 = tpu.memref_slice %arg3[%dma_start3A_266, %dma_start3A_267] : memref<1000000x16xf32, #tpu.memory_space<hbm>> -> memref<1000000x16xf32, #tpu.memory_space<hbm>>
    tpu.enqueue_indirect_dma source(%dma_start3A_268 : memref<1000000x16xf32, #tpu.memory_space<hbm>>) target(%dma_start3A_262 : memref<128x16xf32, #tpu.memory_space<vmem>>) offsets(%dma_start3A_265 : memref<128xi32, #tpu.memory_space<vmem>>) semaphore(%arg12 : memref<!tpu.dma_semaphore, #tpu.memory_space<semaphore_mem>>)
    %dma_start3A_269 = arith.constant 2 : i32
    %dma_start3A_270 = arith.constant 2 : i32
    %dma_start3A_271 = arith.constant 0 : i32
    %dma_start3A_272 = arith.constant 0 : i32
    %dma_start3A_273 = tpu.memref_slice %arg8[%dma_start3A_270, %dma_start3A_271, %dma_start3A_272] : memref<20x128x16xf32, #tpu.memory_space<vmem>> -> memref<1x128x16xf32, #tpu.memory_space<vmem>>
    %dma_start3A_274 = tpu.memref_squeeze %dma_start3A_273 : memref<1x128x16xf32, #tpu.memory_space<vmem>> -> memref<128x16xf32, #tpu.memory_space<vmem>>
    %dma_start3A_275 = arith.constant 0 : i32
    %dma_start3A_276 = tpu.memref_slice %arg6[%dma_start3A_269, %dma_start3A_275] : memref<20x128xi32, #tpu.memory_space<vmem>> -> memref<1x128xi32, #tpu.memory_space<vmem>>
    %dma_start3A_277 = tpu.memref_squeeze %dma_start3A_276 : memref<1x128xi32, #tpu.memory_space<vmem>> -> memref<128xi32, #tpu.memory_space<vmem>>
    %dma_start3A_278 = arith.constant 0 : i32
    %dma_start3A_279 = arith.constant 0 : i32
    %dma_start3A_280 = tpu.memref_slice %arg3[%dma_start3A_278, %dma_start3A_279] : memref<1000000x16xf32, #tpu.memory_space<hbm>> -> memref<1000000x16xf32, #tpu.memory_space<hbm>>
    tpu.enqueue_indirect_dma source(%dma_start3A_280 : memref<1000000x16xf32, #tpu.memory_space<hbm>>) target(%dma_start3A_274 : memref<128x16xf32, #tpu.memory_space<vmem>>) offsets(%dma_start3A_277 : memref<128xi32, #tpu.memory_space<vmem>>) semaphore(%arg12 : memref<!tpu.dma_semaphore, #tpu.memory_space<semaphore_mem>>)
    %dma_start3A_281 = arith.constant 3 : i32
    %dma_start3A_282 = arith.constant 3 : i32
    %dma_start3A_283 = arith.constant 0 : i32
    %dma_start3A_284 = arith.constant 0 : i32
    %dma_start3A_285 = tpu.memref_slice %arg8[%dma_start3A_282, %dma_start3A_283, %dma_start3A_284] : memref<20x128x16xf32, #tpu.memory_space<vmem>> -> memref<1x128x16xf32, #tpu.memory_space<vmem>>
    %dma_start3A_286 = tpu.memref_squeeze %dma_start3A_285 : memref<1x128x16xf32, #tpu.memory_space<vmem>> -> memref<128x16xf32, #tpu.memory_space<vmem>>
    %dma_start3A_287 = arith.constant 0 : i32
    %dma_start3A_288 = tpu.memref_slice %arg6[%dma_start3A_281, %dma_start3A_287] : memref<20x128xi32, #tpu.memory_space<vmem>> -> memref<1x128xi32, #tpu.memory_space<vmem>>
    %dma_start3A_289 = tpu.memref_squeeze %dma_start3A_288 : memref<1x128xi32, #tpu.memory_space<vmem>> -> memref<128xi32, #tpu.memory_space<vmem>>
    %dma_start3A_290 = arith.constant 0 : i32
    %dma_start3A_291 = arith.constant 0 : i32
    %dma_start3A_292 = tpu.memref_slice %arg3[%dma_start3A_290, %dma_start3A_291] : memref<1000000x16xf32, #tpu.memory_space<hbm>> -> memref<1000000x16xf32, #tpu.memory_space<hbm>>
    tpu.enqueue_indirect_dma source(%dma_start3A_292 : memref<1000000x16xf32, #tpu.memory_space<hbm>>) target(%dma_start3A_286 : memref<128x16xf32, #tpu.memory_space<vmem>>) offsets(%dma_start3A_289 : memref<128xi32, #tpu.memory_space<vmem>>) semaphore(%arg12 : memref<!tpu.dma_semaphore, #tpu.memory_space<semaphore_mem>>)
    %dma_start3A_293 = arith.constant 4 : i32
    %dma_start3A_294 = arith.constant 4 : i32
    %dma_start3A_295 = arith.constant 0 : i32
    %dma_start3A_296 = arith.constant 0 : i32
    %dma_start3A_297 = tpu.memref_slice %arg8[%dma_start3A_294, %dma_start3A_295, %dma_start3A_296] : memref<20x128x16xf32, #tpu.memory_space<vmem>> -> memref<1x128x16xf32, #tpu.memory_space<vmem>>
    %dma_start3A_298 = tpu.memref_squeeze %dma_start3A_297 : memref<1x128x16xf32, #tpu.memory_space<vmem>> -> memref<128x16xf32, #tpu.memory_space<vmem>>
    %dma_start3A_299 = arith.constant 0 : i32
    %dma_start3A_300 = tpu.memref_slice %arg6[%dma_start3A_293, %dma_start3A_299] : memref<20x128xi32, #tpu.memory_space<vmem>> -> memref<1x128xi32, #tpu.memory_space<vmem>>
    %dma_start3A_301 = tpu.memref_squeeze %dma_start3A_300 : memref<1x128xi32, #tpu.memory_space<vmem>> -> memref<128xi32, #tpu.memory_space<vmem>>
    %dma_start3A_302 = arith.constant 0 : i32
    %dma_start3A_303 = arith.constant 0 : i32
    %dma_start3A_304 = tpu.memref_slice %arg3[%dma_start3A_302, %dma_start3A_303] : memref<1000000x16xf32, #tpu.memory_space<hbm>> -> memref<1000000x16xf32, #tpu.memory_space<hbm>>
    tpu.enqueue_indirect_dma source(%dma_start3A_304 : memref<1000000x16xf32, #tpu.memory_space<hbm>>) target(%dma_start3A_298 : memref<128x16xf32, #tpu.memory_space<vmem>>) offsets(%dma_start3A_301 : memref<128xi32, #tpu.memory_space<vmem>>) semaphore(%arg12 : memref<!tpu.dma_semaphore, #tpu.memory_space<semaphore_mem>>)
    %dma_start3A_305 = arith.constant 5 : i32
    %dma_start3A_306 = arith.constant 5 : i32
    %dma_start3A_307 = arith.constant 0 : i32
    %dma_start3A_308 = arith.constant 0 : i32
    %dma_start3A_309 = tpu.memref_slice %arg8[%dma_start3A_306, %dma_start3A_307, %dma_start3A_308] : memref<20x128x16xf32, #tpu.memory_space<vmem>> -> memref<1x128x16xf32, #tpu.memory_space<vmem>>
    %dma_start3A_310 = tpu.memref_squeeze %dma_start3A_309 : memref<1x128x16xf32, #tpu.memory_space<vmem>> -> memref<128x16xf32, #tpu.memory_space<vmem>>
    %dma_start3A_311 = arith.constant 0 : i32
    %dma_start3A_312 = tpu.memref_slice %arg6[%dma_start3A_305, %dma_start3A_311] : memref<20x128xi32, #tpu.memory_space<vmem>> -> memref<1x128xi32, #tpu.memory_space<vmem>>
    %dma_start3A_313 = tpu.memref_squeeze %dma_start3A_312 : memref<1x128xi32, #tpu.memory_space<vmem>> -> memref<128xi32, #tpu.memory_space<vmem>>
    %dma_start3A_314 = arith.constant 0 : i32
    %dma_start3A_315 = arith.constant 0 : i32
    %dma_start3A_316 = tpu.memref_slice %arg3[%dma_start3A_314, %dma_start3A_315] : memref<1000000x16xf32, #tpu.memory_space<hbm>> -> memref<1000000x16xf32, #tpu.memory_space<hbm>>
    tpu.enqueue_indirect_dma source(%dma_start3A_316 : memref<1000000x16xf32, #tpu.memory_space<hbm>>) target(%dma_start3A_310 : memref<128x16xf32, #tpu.memory_space<vmem>>) offsets(%dma_start3A_313 : memref<128xi32, #tpu.memory_space<vmem>>) semaphore(%arg12 : memref<!tpu.dma_semaphore, #tpu.memory_space<semaphore_mem>>)
    %dma_start3A_317 = arith.constant 6 : i32
    %dma_start3A_318 = arith.constant 6 : i32
    %dma_start3A_319 = arith.constant 0 : i32
    %dma_start3A_320 = arith.constant 0 : i32
    %dma_start3A_321 = tpu.memref_slice %arg8[%dma_start3A_318, %dma_start3A_319, %dma_start3A_320] : memref<20x128x16xf32, #tpu.memory_space<vmem>> -> memref<1x128x16xf32, #tpu.memory_space<vmem>>
    %dma_start3A_322 = tpu.memref_squeeze %dma_start3A_321 : memref<1x128x16xf32, #tpu.memory_space<vmem>> -> memref<128x16xf32, #tpu.memory_space<vmem>>
    %dma_start3A_323 = arith.constant 0 : i32
    %dma_start3A_324 = tpu.memref_slice %arg6[%dma_start3A_317, %dma_start3A_323] : memref<20x128xi32, #tpu.memory_space<vmem>> -> memref<1x128xi32, #tpu.memory_space<vmem>>
    %dma_start3A_325 = tpu.memref_squeeze %dma_start3A_324 : memref<1x128xi32, #tpu.memory_space<vmem>> -> memref<128xi32, #tpu.memory_space<vmem>>
    %dma_start3A_326 = arith.constant 0 : i32
    %dma_start3A_327 = arith.constant 0 : i32
    %dma_start3A_328 = tpu.memref_slice %arg3[%dma_start3A_326, %dma_start3A_327] : memref<1000000x16xf32, #tpu.memory_space<hbm>> -> memref<1000000x16xf32, #tpu.memory_space<hbm>>
    tpu.enqueue_indirect_dma source(%dma_start3A_328 : memref<1000000x16xf32, #tpu.memory_space<hbm>>) target(%dma_start3A_322 : memref<128x16xf32, #tpu.memory_space<vmem>>) offsets(%dma_start3A_325 : memref<128xi32, #tpu.memory_space<vmem>>) semaphore(%arg12 : memref<!tpu.dma_semaphore, #tpu.memory_space<semaphore_mem>>)
    %dma_start3A_329 = arith.constant 7 : i32
    %dma_start3A_330 = arith.constant 7 : i32
    %dma_start3A_331 = arith.constant 0 : i32
    %dma_start3A_332 = arith.constant 0 : i32
    %dma_start3A_333 = tpu.memref_slice %arg8[%dma_start3A_330, %dma_start3A_331, %dma_start3A_332] : memref<20x128x16xf32, #tpu.memory_space<vmem>> -> memref<1x128x16xf32, #tpu.memory_space<vmem>>
    %dma_start3A_334 = tpu.memref_squeeze %dma_start3A_333 : memref<1x128x16xf32, #tpu.memory_space<vmem>> -> memref<128x16xf32, #tpu.memory_space<vmem>>
    %dma_start3A_335 = arith.constant 0 : i32
    %dma_start3A_336 = tpu.memref_slice %arg6[%dma_start3A_329, %dma_start3A_335] : memref<20x128xi32, #tpu.memory_space<vmem>> -> memref<1x128xi32, #tpu.memory_space<vmem>>
    %dma_start3A_337 = tpu.memref_squeeze %dma_start3A_336 : memref<1x128xi32, #tpu.memory_space<vmem>> -> memref<128xi32, #tpu.memory_space<vmem>>
    %dma_start3A_338 = arith.constant 0 : i32
    %dma_start3A_339 = arith.constant 0 : i32
    %dma_start3A_340 = tpu.memref_slice %arg3[%dma_start3A_338, %dma_start3A_339] : memref<1000000x16xf32, #tpu.memory_space<hbm>> -> memref<1000000x16xf32, #tpu.memory_space<hbm>>
    tpu.enqueue_indirect_dma source(%dma_start3A_340 : memref<1000000x16xf32, #tpu.memory_space<hbm>>) target(%dma_start3A_334 : memref<128x16xf32, #tpu.memory_space<vmem>>) offsets(%dma_start3A_337 : memref<128xi32, #tpu.memory_space<vmem>>) semaphore(%arg12 : memref<!tpu.dma_semaphore, #tpu.memory_space<semaphore_mem>>)
    %dma_start3A_341 = arith.constant 8 : i32
    %dma_start3A_342 = arith.constant 8 : i32
    %dma_start3A_343 = arith.constant 0 : i32
    %dma_start3A_344 = arith.constant 0 : i32
    %dma_start3A_345 = tpu.memref_slice %arg8[%dma_start3A_342, %dma_start3A_343, %dma_start3A_344] : memref<20x128x16xf32, #tpu.memory_space<vmem>> -> memref<1x128x16xf32, #tpu.memory_space<vmem>>
    %dma_start3A_346 = tpu.memref_squeeze %dma_start3A_345 : memref<1x128x16xf32, #tpu.memory_space<vmem>> -> memref<128x16xf32, #tpu.memory_space<vmem>>
    %dma_start3A_347 = arith.constant 0 : i32
    %dma_start3A_348 = tpu.memref_slice %arg6[%dma_start3A_341, %dma_start3A_347] : memref<20x128xi32, #tpu.memory_space<vmem>> -> memref<1x128xi32, #tpu.memory_space<vmem>>
    %dma_start3A_349 = tpu.memref_squeeze %dma_start3A_348 : memref<1x128xi32, #tpu.memory_space<vmem>> -> memref<128xi32, #tpu.memory_space<vmem>>
    %dma_start3A_350 = arith.constant 0 : i32
    %dma_start3A_351 = arith.constant 0 : i32
    %dma_start3A_352 = tpu.memref_slice %arg3[%dma_start3A_350, %dma_start3A_351] : memref<1000000x16xf32, #tpu.memory_space<hbm>> -> memref<1000000x16xf32, #tpu.memory_space<hbm>>
    tpu.enqueue_indirect_dma source(%dma_start3A_352 : memref<1000000x16xf32, #tpu.memory_space<hbm>>) target(%dma_start3A_346 : memref<128x16xf32, #tpu.memory_space<vmem>>) offsets(%dma_start3A_349 : memref<128xi32, #tpu.memory_space<vmem>>) semaphore(%arg12 : memref<!tpu.dma_semaphore, #tpu.memory_space<semaphore_mem>>)
    %dma_start3A_353 = arith.constant 9 : i32
    %dma_start3A_354 = arith.constant 9 : i32
    %dma_start3A_355 = arith.constant 0 : i32
    %dma_start3A_356 = arith.constant 0 : i32
    %dma_start3A_357 = tpu.memref_slice %arg8[%dma_start3A_354, %dma_start3A_355, %dma_start3A_356] : memref<20x128x16xf32, #tpu.memory_space<vmem>> -> memref<1x128x16xf32, #tpu.memory_space<vmem>>
    %dma_start3A_358 = tpu.memref_squeeze %dma_start3A_357 : memref<1x128x16xf32, #tpu.memory_space<vmem>> -> memref<128x16xf32, #tpu.memory_space<vmem>>
    %dma_start3A_359 = arith.constant 0 : i32
    %dma_start3A_360 = tpu.memref_slice %arg6[%dma_start3A_353, %dma_start3A_359] : memref<20x128xi32, #tpu.memory_space<vmem>> -> memref<1x128xi32, #tpu.memory_space<vmem>>
    %dma_start3A_361 = tpu.memref_squeeze %dma_start3A_360 : memref<1x128xi32, #tpu.memory_space<vmem>> -> memref<128xi32, #tpu.memory_space<vmem>>
    %dma_start3A_362 = arith.constant 0 : i32
    %dma_start3A_363 = arith.constant 0 : i32
    %dma_start3A_364 = tpu.memref_slice %arg3[%dma_start3A_362, %dma_start3A_363] : memref<1000000x16xf32, #tpu.memory_space<hbm>> -> memref<1000000x16xf32, #tpu.memory_space<hbm>>
    tpu.enqueue_indirect_dma source(%dma_start3A_364 : memref<1000000x16xf32, #tpu.memory_space<hbm>>) target(%dma_start3A_358 : memref<128x16xf32, #tpu.memory_space<vmem>>) offsets(%dma_start3A_361 : memref<128xi32, #tpu.memory_space<vmem>>) semaphore(%arg12 : memref<!tpu.dma_semaphore, #tpu.memory_space<semaphore_mem>>)
    %dma_start3A_365 = arith.constant 10 : i32
    %dma_start3A_366 = arith.constant 10 : i32
    %dma_start3A_367 = arith.constant 0 : i32
    %dma_start3A_368 = arith.constant 0 : i32
    %dma_start3A_369 = tpu.memref_slice %arg8[%dma_start3A_366, %dma_start3A_367, %dma_start3A_368] : memref<20x128x16xf32, #tpu.memory_space<vmem>> -> memref<1x128x16xf32, #tpu.memory_space<vmem>>
    %dma_start3A_370 = tpu.memref_squeeze %dma_start3A_369 : memref<1x128x16xf32, #tpu.memory_space<vmem>> -> memref<128x16xf32, #tpu.memory_space<vmem>>
    %dma_start3A_371 = arith.constant 0 : i32
    %dma_start3A_372 = tpu.memref_slice %arg6[%dma_start3A_365, %dma_start3A_371] : memref<20x128xi32, #tpu.memory_space<vmem>> -> memref<1x128xi32, #tpu.memory_space<vmem>>
    %dma_start3A_373 = tpu.memref_squeeze %dma_start3A_372 : memref<1x128xi32, #tpu.memory_space<vmem>> -> memref<128xi32, #tpu.memory_space<vmem>>
    %dma_start3A_374 = arith.constant 0 : i32
    %dma_start3A_375 = arith.constant 0 : i32
    %dma_start3A_376 = tpu.memref_slice %arg3[%dma_start3A_374, %dma_start3A_375] : memref<1000000x16xf32, #tpu.memory_space<hbm>> -> memref<1000000x16xf32, #tpu.memory_space<hbm>>
    tpu.enqueue_indirect_dma source(%dma_start3A_376 : memref<1000000x16xf32, #tpu.memory_space<hbm>>) target(%dma_start3A_370 : memref<128x16xf32, #tpu.memory_space<vmem>>) offsets(%dma_start3A_373 : memref<128xi32, #tpu.memory_space<vmem>>) semaphore(%arg12 : memref<!tpu.dma_semaphore, #tpu.memory_space<semaphore_mem>>)
    %dma_start3A_377 = arith.constant 11 : i32
    %dma_start3A_378 = arith.constant 11 : i32
    %dma_start3A_379 = arith.constant 0 : i32
    %dma_start3A_380 = arith.constant 0 : i32
    %dma_start3A_381 = tpu.memref_slice %arg8[%dma_start3A_378, %dma_start3A_379, %dma_start3A_380] : memref<20x128x16xf32, #tpu.memory_space<vmem>> -> memref<1x128x16xf32, #tpu.memory_space<vmem>>
    %dma_start3A_382 = tpu.memref_squeeze %dma_start3A_381 : memref<1x128x16xf32, #tpu.memory_space<vmem>> -> memref<128x16xf32, #tpu.memory_space<vmem>>
    %dma_start3A_383 = arith.constant 0 : i32
    %dma_start3A_384 = tpu.memref_slice %arg6[%dma_start3A_377, %dma_start3A_383] : memref<20x128xi32, #tpu.memory_space<vmem>> -> memref<1x128xi32, #tpu.memory_space<vmem>>
    %dma_start3A_385 = tpu.memref_squeeze %dma_start3A_384 : memref<1x128xi32, #tpu.memory_space<vmem>> -> memref<128xi32, #tpu.memory_space<vmem>>
    %dma_start3A_386 = arith.constant 0 : i32
    %dma_start3A_387 = arith.constant 0 : i32
    %dma_start3A_388 = tpu.memref_slice %arg3[%dma_start3A_386, %dma_start3A_387] : memref<1000000x16xf32, #tpu.memory_space<hbm>> -> memref<1000000x16xf32, #tpu.memory_space<hbm>>
    tpu.enqueue_indirect_dma source(%dma_start3A_388 : memref<1000000x16xf32, #tpu.memory_space<hbm>>) target(%dma_start3A_382 : memref<128x16xf32, #tpu.memory_space<vmem>>) offsets(%dma_start3A_385 : memref<128xi32, #tpu.memory_space<vmem>>) semaphore(%arg12 : memref<!tpu.dma_semaphore, #tpu.memory_space<semaphore_mem>>)
    %dma_start3A_389 = arith.constant 12 : i32
    %dma_start3A_390 = arith.constant 12 : i32
    %dma_start3A_391 = arith.constant 0 : i32
    %dma_start3A_392 = arith.constant 0 : i32
    %dma_start3A_393 = tpu.memref_slice %arg8[%dma_start3A_390, %dma_start3A_391, %dma_start3A_392] : memref<20x128x16xf32, #tpu.memory_space<vmem>> -> memref<1x128x16xf32, #tpu.memory_space<vmem>>
    %dma_start3A_394 = tpu.memref_squeeze %dma_start3A_393 : memref<1x128x16xf32, #tpu.memory_space<vmem>> -> memref<128x16xf32, #tpu.memory_space<vmem>>
    %dma_start3A_395 = arith.constant 0 : i32
    %dma_start3A_396 = tpu.memref_slice %arg6[%dma_start3A_389, %dma_start3A_395] : memref<20x128xi32, #tpu.memory_space<vmem>> -> memref<1x128xi32, #tpu.memory_space<vmem>>
    %dma_start3A_397 = tpu.memref_squeeze %dma_start3A_396 : memref<1x128xi32, #tpu.memory_space<vmem>> -> memref<128xi32, #tpu.memory_space<vmem>>
    %dma_start3A_398 = arith.constant 0 : i32
    %dma_start3A_399 = arith.constant 0 : i32
    %dma_start3A_400 = tpu.memref_slice %arg3[%dma_start3A_398, %dma_start3A_399] : memref<1000000x16xf32, #tpu.memory_space<hbm>> -> memref<1000000x16xf32, #tpu.memory_space<hbm>>
    tpu.enqueue_indirect_dma source(%dma_start3A_400 : memref<1000000x16xf32, #tpu.memory_space<hbm>>) target(%dma_start3A_394 : memref<128x16xf32, #tpu.memory_space<vmem>>) offsets(%dma_start3A_397 : memref<128xi32, #tpu.memory_space<vmem>>) semaphore(%arg12 : memref<!tpu.dma_semaphore, #tpu.memory_space<semaphore_mem>>)
    %dma_start3A_401 = arith.constant 13 : i32
    %dma_start3A_402 = arith.constant 13 : i32
    %dma_start3A_403 = arith.constant 0 : i32
    %dma_start3A_404 = arith.constant 0 : i32
    %dma_start3A_405 = tpu.memref_slice %arg8[%dma_start3A_402, %dma_start3A_403, %dma_start3A_404] : memref<20x128x16xf32, #tpu.memory_space<vmem>> -> memref<1x128x16xf32, #tpu.memory_space<vmem>>
    %dma_start3A_406 = tpu.memref_squeeze %dma_start3A_405 : memref<1x128x16xf32, #tpu.memory_space<vmem>> -> memref<128x16xf32, #tpu.memory_space<vmem>>
    %dma_start3A_407 = arith.constant 0 : i32
    %dma_start3A_408 = tpu.memref_slice %arg6[%dma_start3A_401, %dma_start3A_407] : memref<20x128xi32, #tpu.memory_space<vmem>> -> memref<1x128xi32, #tpu.memory_space<vmem>>
    %dma_start3A_409 = tpu.memref_squeeze %dma_start3A_408 : memref<1x128xi32, #tpu.memory_space<vmem>> -> memref<128xi32, #tpu.memory_space<vmem>>
    %dma_start3A_410 = arith.constant 0 : i32
    %dma_start3A_411 = arith.constant 0 : i32
    %dma_start3A_412 = tpu.memref_slice %arg3[%dma_start3A_410, %dma_start3A_411] : memref<1000000x16xf32, #tpu.memory_space<hbm>> -> memref<1000000x16xf32, #tpu.memory_space<hbm>>
    tpu.enqueue_indirect_dma source(%dma_start3A_412 : memref<1000000x16xf32, #tpu.memory_space<hbm>>) target(%dma_start3A_406 : memref<128x16xf32, #tpu.memory_space<vmem>>) offsets(%dma_start3A_409 : memref<128xi32, #tpu.memory_space<vmem>>) semaphore(%arg12 : memref<!tpu.dma_semaphore, #tpu.memory_space<semaphore_mem>>)
    %dma_start3A_413 = arith.constant 14 : i32
    %dma_start3A_414 = arith.constant 14 : i32
    %dma_start3A_415 = arith.constant 0 : i32
    %dma_start3A_416 = arith.constant 0 : i32
    %dma_start3A_417 = tpu.memref_slice %arg8[%dma_start3A_414, %dma_start3A_415, %dma_start3A_416] : memref<20x128x16xf32, #tpu.memory_space<vmem>> -> memref<1x128x16xf32, #tpu.memory_space<vmem>>
    %dma_start3A_418 = tpu.memref_squeeze %dma_start3A_417 : memref<1x128x16xf32, #tpu.memory_space<vmem>> -> memref<128x16xf32, #tpu.memory_space<vmem>>
    %dma_start3A_419 = arith.constant 0 : i32
    %dma_start3A_420 = tpu.memref_slice %arg6[%dma_start3A_413, %dma_start3A_419] : memref<20x128xi32, #tpu.memory_space<vmem>> -> memref<1x128xi32, #tpu.memory_space<vmem>>
    %dma_start3A_421 = tpu.memref_squeeze %dma_start3A_420 : memref<1x128xi32, #tpu.memory_space<vmem>> -> memref<128xi32, #tpu.memory_space<vmem>>
    %dma_start3A_422 = arith.constant 0 : i32
    %dma_start3A_423 = arith.constant 0 : i32
    %dma_start3A_424 = tpu.memref_slice %arg3[%dma_start3A_422, %dma_start3A_423] : memref<1000000x16xf32, #tpu.memory_space<hbm>> -> memref<1000000x16xf32, #tpu.memory_space<hbm>>
    tpu.enqueue_indirect_dma source(%dma_start3A_424 : memref<1000000x16xf32, #tpu.memory_space<hbm>>) target(%dma_start3A_418 : memref<128x16xf32, #tpu.memory_space<vmem>>) offsets(%dma_start3A_421 : memref<128xi32, #tpu.memory_space<vmem>>) semaphore(%arg12 : memref<!tpu.dma_semaphore, #tpu.memory_space<semaphore_mem>>)
    %dma_start3A_425 = arith.constant 15 : i32
    %dma_start3A_426 = arith.constant 15 : i32
    %dma_start3A_427 = arith.constant 0 : i32
    %dma_start3A_428 = arith.constant 0 : i32
    %dma_start3A_429 = tpu.memref_slice %arg8[%dma_start3A_426, %dma_start3A_427, %dma_start3A_428] : memref<20x128x16xf32, #tpu.memory_space<vmem>> -> memref<1x128x16xf32, #tpu.memory_space<vmem>>
    %dma_start3A_430 = tpu.memref_squeeze %dma_start3A_429 : memref<1x128x16xf32, #tpu.memory_space<vmem>> -> memref<128x16xf32, #tpu.memory_space<vmem>>
    %dma_start3A_431 = arith.constant 0 : i32
    %dma_start3A_432 = tpu.memref_slice %arg6[%dma_start3A_425, %dma_start3A_431] : memref<20x128xi32, #tpu.memory_space<vmem>> -> memref<1x128xi32, #tpu.memory_space<vmem>>
    %dma_start3A_433 = tpu.memref_squeeze %dma_start3A_432 : memref<1x128xi32, #tpu.memory_space<vmem>> -> memref<128xi32, #tpu.memory_space<vmem>>
    %dma_start3A_434 = arith.constant 0 : i32
    %dma_start3A_435 = arith.constant 0 : i32
    %dma_start3A_436 = tpu.memref_slice %arg3[%dma_start3A_434, %dma_start3A_435] : memref<1000000x16xf32, #tpu.memory_space<hbm>> -> memref<1000000x16xf32, #tpu.memory_space<hbm>>
    tpu.enqueue_indirect_dma source(%dma_start3A_436 : memref<1000000x16xf32, #tpu.memory_space<hbm>>) target(%dma_start3A_430 : memref<128x16xf32, #tpu.memory_space<vmem>>) offsets(%dma_start3A_433 : memref<128xi32, #tpu.memory_space<vmem>>) semaphore(%arg12 : memref<!tpu.dma_semaphore, #tpu.memory_space<semaphore_mem>>)
    %dma_start3A_437 = arith.constant 16 : i32
    %dma_start3A_438 = arith.constant 16 : i32
    %dma_start3A_439 = arith.constant 0 : i32
    %dma_start3A_440 = arith.constant 0 : i32
    %dma_start3A_441 = tpu.memref_slice %arg8[%dma_start3A_438, %dma_start3A_439, %dma_start3A_440] : memref<20x128x16xf32, #tpu.memory_space<vmem>> -> memref<1x128x16xf32, #tpu.memory_space<vmem>>
    %dma_start3A_442 = tpu.memref_squeeze %dma_start3A_441 : memref<1x128x16xf32, #tpu.memory_space<vmem>> -> memref<128x16xf32, #tpu.memory_space<vmem>>
    %dma_start3A_443 = arith.constant 0 : i32
    %dma_start3A_444 = tpu.memref_slice %arg6[%dma_start3A_437, %dma_start3A_443] : memref<20x128xi32, #tpu.memory_space<vmem>> -> memref<1x128xi32, #tpu.memory_space<vmem>>
    %dma_start3A_445 = tpu.memref_squeeze %dma_start3A_444 : memref<1x128xi32, #tpu.memory_space<vmem>> -> memref<128xi32, #tpu.memory_space<vmem>>
    %dma_start3A_446 = arith.constant 0 : i32
    %dma_start3A_447 = arith.constant 0 : i32
    %dma_start3A_448 = tpu.memref_slice %arg3[%dma_start3A_446, %dma_start3A_447] : memref<1000000x16xf32, #tpu.memory_space<hbm>> -> memref<1000000x16xf32, #tpu.memory_space<hbm>>
    tpu.enqueue_indirect_dma source(%dma_start3A_448 : memref<1000000x16xf32, #tpu.memory_space<hbm>>) target(%dma_start3A_442 : memref<128x16xf32, #tpu.memory_space<vmem>>) offsets(%dma_start3A_445 : memref<128xi32, #tpu.memory_space<vmem>>) semaphore(%arg12 : memref<!tpu.dma_semaphore, #tpu.memory_space<semaphore_mem>>)
    %dma_start3A_449 = arith.constant 17 : i32
    %dma_start3A_450 = arith.constant 17 : i32
    %dma_start3A_451 = arith.constant 0 : i32
    %dma_start3A_452 = arith.constant 0 : i32
    %dma_start3A_453 = tpu.memref_slice %arg8[%dma_start3A_450, %dma_start3A_451, %dma_start3A_452] : memref<20x128x16xf32, #tpu.memory_space<vmem>> -> memref<1x128x16xf32, #tpu.memory_space<vmem>>
    %dma_start3A_454 = tpu.memref_squeeze %dma_start3A_453 : memref<1x128x16xf32, #tpu.memory_space<vmem>> -> memref<128x16xf32, #tpu.memory_space<vmem>>
    %dma_start3A_455 = arith.constant 0 : i32
    %dma_start3A_456 = tpu.memref_slice %arg6[%dma_start3A_449, %dma_start3A_455] : memref<20x128xi32, #tpu.memory_space<vmem>> -> memref<1x128xi32, #tpu.memory_space<vmem>>
    %dma_start3A_457 = tpu.memref_squeeze %dma_start3A_456 : memref<1x128xi32, #tpu.memory_space<vmem>> -> memref<128xi32, #tpu.memory_space<vmem>>
    %dma_start3A_458 = arith.constant 0 : i32
    %dma_start3A_459 = arith.constant 0 : i32
    %dma_start3A_460 = tpu.memref_slice %arg3[%dma_start3A_458, %dma_start3A_459] : memref<1000000x16xf32, #tpu.memory_space<hbm>> -> memref<1000000x16xf32, #tpu.memory_space<hbm>>
    tpu.enqueue_indirect_dma source(%dma_start3A_460 : memref<1000000x16xf32, #tpu.memory_space<hbm>>) target(%dma_start3A_454 : memref<128x16xf32, #tpu.memory_space<vmem>>) offsets(%dma_start3A_457 : memref<128xi32, #tpu.memory_space<vmem>>) semaphore(%arg12 : memref<!tpu.dma_semaphore, #tpu.memory_space<semaphore_mem>>)
    %dma_start3A_461 = arith.constant 18 : i32
    %dma_start3A_462 = arith.constant 18 : i32
    %dma_start3A_463 = arith.constant 0 : i32
    %dma_start3A_464 = arith.constant 0 : i32
    %dma_start3A_465 = tpu.memref_slice %arg8[%dma_start3A_462, %dma_start3A_463, %dma_start3A_464] : memref<20x128x16xf32, #tpu.memory_space<vmem>> -> memref<1x128x16xf32, #tpu.memory_space<vmem>>
    %dma_start3A_466 = tpu.memref_squeeze %dma_start3A_465 : memref<1x128x16xf32, #tpu.memory_space<vmem>> -> memref<128x16xf32, #tpu.memory_space<vmem>>
    %dma_start3A_467 = arith.constant 0 : i32
    %dma_start3A_468 = tpu.memref_slice %arg6[%dma_start3A_461, %dma_start3A_467] : memref<20x128xi32, #tpu.memory_space<vmem>> -> memref<1x128xi32, #tpu.memory_space<vmem>>
    %dma_start3A_469 = tpu.memref_squeeze %dma_start3A_468 : memref<1x128xi32, #tpu.memory_space<vmem>> -> memref<128xi32, #tpu.memory_space<vmem>>
    %dma_start3A_470 = arith.constant 0 : i32
    %dma_start3A_471 = arith.constant 0 : i32
    %dma_start3A_472 = tpu.memref_slice %arg3[%dma_start3A_470, %dma_start3A_471] : memref<1000000x16xf32, #tpu.memory_space<hbm>> -> memref<1000000x16xf32, #tpu.memory_space<hbm>>
    tpu.enqueue_indirect_dma source(%dma_start3A_472 : memref<1000000x16xf32, #tpu.memory_space<hbm>>) target(%dma_start3A_466 : memref<128x16xf32, #tpu.memory_space<vmem>>) offsets(%dma_start3A_469 : memref<128xi32, #tpu.memory_space<vmem>>) semaphore(%arg12 : memref<!tpu.dma_semaphore, #tpu.memory_space<semaphore_mem>>)
    %dma_start3A_473 = arith.constant 19 : i32
    %dma_start3A_474 = arith.constant 19 : i32
    %dma_start3A_475 = arith.constant 0 : i32
    %dma_start3A_476 = arith.constant 0 : i32
    %dma_start3A_477 = tpu.memref_slice %arg8[%dma_start3A_474, %dma_start3A_475, %dma_start3A_476] : memref<20x128x16xf32, #tpu.memory_space<vmem>> -> memref<1x128x16xf32, #tpu.memory_space<vmem>>
    %dma_start3A_478 = tpu.memref_squeeze %dma_start3A_477 : memref<1x128x16xf32, #tpu.memory_space<vmem>> -> memref<128x16xf32, #tpu.memory_space<vmem>>
    %dma_start3A_479 = arith.constant 0 : i32
    %dma_start3A_480 = tpu.memref_slice %arg6[%dma_start3A_473, %dma_start3A_479] : memref<20x128xi32, #tpu.memory_space<vmem>> -> memref<1x128xi32, #tpu.memory_space<vmem>>
    %dma_start3A_481 = tpu.memref_squeeze %dma_start3A_480 : memref<1x128xi32, #tpu.memory_space<vmem>> -> memref<128xi32, #tpu.memory_space<vmem>>
    %dma_start3A_482 = arith.constant 0 : i32
    %dma_start3A_483 = arith.constant 0 : i32
    %dma_start3A_484 = tpu.memref_slice %arg3[%dma_start3A_482, %dma_start3A_483] : memref<1000000x16xf32, #tpu.memory_space<hbm>> -> memref<1000000x16xf32, #tpu.memory_space<hbm>>
    tpu.enqueue_indirect_dma source(%dma_start3A_484 : memref<1000000x16xf32, #tpu.memory_space<hbm>>) target(%dma_start3A_478 : memref<128x16xf32, #tpu.memory_space<vmem>>) offsets(%dma_start3A_481 : memref<128xi32, #tpu.memory_space<vmem>>) semaphore(%arg12 : memref<!tpu.dma_semaphore, #tpu.memory_space<semaphore_mem>>)
    %scan3A = arith.constant 0 : i32
    %scan3A_485 = arith.constant 25 : i32
    %scan3A_486 = arith.addi %scan3A, %scan3A_485 : i32
    %scan3A_487 = arith.constant 1 : i32
    scf.for %scan3A_500 = %scan3A to %scan3A_486 step %scan3A_487  : i32 {
      %mul3A_501 = arith.constant 2 : i32
      %mul3A_502 = arith.muli %scan3A_500, %mul3A_501 : i32
      %add3A_503 = arith.constant 0 : i32
      %add3A_504 = arith.addi %add3A_503, %mul3A_502 : i32
      %add3A_505 = arith.constant 0 : i32
      %add3A_506 = arith.addi %add3A_504, %add3A_505 : i32
      %dma_wait3A_507 = arith.constant 0 : i32
      %dma_wait3A_508 = arith.constant 0 : i32
      %dma_wait3A_509 = arith.constant 0 : i32
      %dma_wait3A_510 = arith.constant 0 : i32
      %dma_wait3A_511 = tpu.memref_slice %arg7[%dma_wait3A_508, %dma_wait3A_509, %dma_wait3A_510] : memref<20x128x16xf32, #tpu.memory_space<vmem>> -> memref<1x128x16xf32, #tpu.memory_space<vmem>>
      %dma_wait3A_512 = tpu.memref_squeeze %dma_wait3A_511 : memref<1x128x16xf32, #tpu.memory_space<vmem>> -> memref<128x16xf32, #tpu.memory_space<vmem>>
      %dma_wait3A_513 = arith.constant 0 : i32
      %dma_wait3A_514 = tpu.memref_slice %arg5[%dma_wait3A_507, %dma_wait3A_513] : memref<20x128xi32, #tpu.memory_space<vmem>> -> memref<1x128xi32, #tpu.memory_space<vmem>>
      %dma_wait3A_515 = tpu.memref_squeeze %dma_wait3A_514 : memref<1x128xi32, #tpu.memory_space<vmem>> -> memref<128xi32, #tpu.memory_space<vmem>>
      %dma_wait3A_516 = arith.constant 0 : i32
      %dma_wait3A_517 = arith.constant 0 : i32
      %dma_wait3A_518 = tpu.memref_slice %arg3[%dma_wait3A_516, %dma_wait3A_517] : memref<1000000x16xf32, #tpu.memory_space<hbm>> -> memref<1000000x16xf32, #tpu.memory_space<hbm>>
      tpu.wait_indirect_dma semaphore(%arg11 : memref<!tpu.dma_semaphore, #tpu.memory_space<semaphore_mem>>) src(%dma_wait3A_518 : memref<1000000x16xf32, #tpu.memory_space<hbm>>) dst(%dma_wait3A_512 : memref<128x16xf32, #tpu.memory_space<vmem>>)
      %dma_wait3A_519 = arith.constant 1 : i32
      %dma_wait3A_520 = arith.constant 1 : i32
      %dma_wait3A_521 = arith.constant 0 : i32
      %dma_wait3A_522 = arith.constant 0 : i32
      %dma_wait3A_523 = tpu.memref_slice %arg7[%dma_wait3A_520, %dma_wait3A_521, %dma_wait3A_522] : memref<20x128x16xf32, #tpu.memory_space<vmem>> -> memref<1x128x16xf32, #tpu.memory_space<vmem>>
      %dma_wait3A_524 = tpu.memref_squeeze %dma_wait3A_523 : memref<1x128x16xf32, #tpu.memory_space<vmem>> -> memref<128x16xf32, #tpu.memory_space<vmem>>
      %dma_wait3A_525 = arith.constant 0 : i32
      %dma_wait3A_526 = tpu.memref_slice %arg5[%dma_wait3A_519, %dma_wait3A_525] : memref<20x128xi32, #tpu.memory_space<vmem>> -> memref<1x128xi32, #tpu.memory_space<vmem>>
      %dma_wait3A_527 = tpu.memref_squeeze %dma_wait3A_526 : memref<1x128xi32, #tpu.memory_space<vmem>> -> memref<128xi32, #tpu.memory_space<vmem>>
      %dma_wait3A_528 = arith.constant 0 : i32
      %dma_wait3A_529 = arith.constant 0 : i32
      %dma_wait3A_530 = tpu.memref_slice %arg3[%dma_wait3A_528, %dma_wait3A_529] : memref<1000000x16xf32, #tpu.memory_space<hbm>> -> memref<1000000x16xf32, #tpu.memory_space<hbm>>
      tpu.wait_indirect_dma semaphore(%arg11 : memref<!tpu.dma_semaphore, #tpu.memory_space<semaphore_mem>>) src(%dma_wait3A_530 : memref<1000000x16xf32, #tpu.memory_space<hbm>>) dst(%dma_wait3A_524 : memref<128x16xf32, #tpu.memory_space<vmem>>)
      %dma_wait3A_531 = arith.constant 2 : i32
      %dma_wait3A_532 = arith.constant 2 : i32
      %dma_wait3A_533 = arith.constant 0 : i32
      %dma_wait3A_534 = arith.constant 0 : i32
      %dma_wait3A_535 = tpu.memref_slice %arg7[%dma_wait3A_532, %dma_wait3A_533, %dma_wait3A_534] : memref<20x128x16xf32, #tpu.memory_space<vmem>> -> memref<1x128x16xf32, #tpu.memory_space<vmem>>
      %dma_wait3A_536 = tpu.memref_squeeze %dma_wait3A_535 : memref<1x128x16xf32, #tpu.memory_space<vmem>> -> memref<128x16xf32, #tpu.memory_space<vmem>>
      %dma_wait3A_537 = arith.constant 0 : i32
      %dma_wait3A_538 = tpu.memref_slice %arg5[%dma_wait3A_531, %dma_wait3A_537] : memref<20x128xi32, #tpu.memory_space<vmem>> -> memref<1x128xi32, #tpu.memory_space<vmem>>
      %dma_wait3A_539 = tpu.memref_squeeze %dma_wait3A_538 : memref<1x128xi32, #tpu.memory_space<vmem>> -> memref<128xi32, #tpu.memory_space<vmem>>
      %dma_wait3A_540 = arith.constant 0 : i32
      %dma_wait3A_541 = arith.constant 0 : i32
      %dma_wait3A_542 = tpu.memref_slice %arg3[%dma_wait3A_540, %dma_wait3A_541] : memref<1000000x16xf32, #tpu.memory_space<hbm>> -> memref<1000000x16xf32, #tpu.memory_space<hbm>>
      tpu.wait_indirect_dma semaphore(%arg11 : memref<!tpu.dma_semaphore, #tpu.memory_space<semaphore_mem>>) src(%dma_wait3A_542 : memref<1000000x16xf32, #tpu.memory_space<hbm>>) dst(%dma_wait3A_536 : memref<128x16xf32, #tpu.memory_space<vmem>>)
      %dma_wait3A_543 = arith.constant 3 : i32
      %dma_wait3A_544 = arith.constant 3 : i32
      %dma_wait3A_545 = arith.constant 0 : i32
      %dma_wait3A_546 = arith.constant 0 : i32
      %dma_wait3A_547 = tpu.memref_slice %arg7[%dma_wait3A_544, %dma_wait3A_545, %dma_wait3A_546] : memref<20x128x16xf32, #tpu.memory_space<vmem>> -> memref<1x128x16xf32, #tpu.memory_space<vmem>>
      %dma_wait3A_548 = tpu.memref_squeeze %dma_wait3A_547 : memref<1x128x16xf32, #tpu.memory_space<vmem>> -> memref<128x16xf32, #tpu.memory_space<vmem>>
      %dma_wait3A_549 = arith.constant 0 : i32
      %dma_wait3A_550 = tpu.memref_slice %arg5[%dma_wait3A_543, %dma_wait3A_549] : memref<20x128xi32, #tpu.memory_space<vmem>> -> memref<1x128xi32, #tpu.memory_space<vmem>>
      %dma_wait3A_551 = tpu.memref_squeeze %dma_wait3A_550 : memref<1x128xi32, #tpu.memory_space<vmem>> -> memref<128xi32, #tpu.memory_space<vmem>>
      %dma_wait3A_552 = arith.constant 0 : i32
      %dma_wait3A_553 = arith.constant 0 : i32
      %dma_wait3A_554 = tpu.memref_slice %arg3[%dma_wait3A_552, %dma_wait3A_553] : memref<1000000x16xf32, #tpu.memory_space<hbm>> -> memref<1000000x16xf32, #tpu.memory_space<hbm>>
      tpu.wait_indirect_dma semaphore(%arg11 : memref<!tpu.dma_semaphore, #tpu.memory_space<semaphore_mem>>) src(%dma_wait3A_554 : memref<1000000x16xf32, #tpu.memory_space<hbm>>) dst(%dma_wait3A_548 : memref<128x16xf32, #tpu.memory_space<vmem>>)
      %dma_wait3A_555 = arith.constant 4 : i32
      %dma_wait3A_556 = arith.constant 4 : i32
      %dma_wait3A_557 = arith.constant 0 : i32
      %dma_wait3A_558 = arith.constant 0 : i32
      %dma_wait3A_559 = tpu.memref_slice %arg7[%dma_wait3A_556, %dma_wait3A_557, %dma_wait3A_558] : memref<20x128x16xf32, #tpu.memory_space<vmem>> -> memref<1x128x16xf32, #tpu.memory_space<vmem>>
      %dma_wait3A_560 = tpu.memref_squeeze %dma_wait3A_559 : memref<1x128x16xf32, #tpu.memory_space<vmem>> -> memref<128x16xf32, #tpu.memory_space<vmem>>
      %dma_wait3A_561 = arith.constant 0 : i32
      %dma_wait3A_562 = tpu.memref_slice %arg5[%dma_wait3A_555, %dma_wait3A_561] : memref<20x128xi32, #tpu.memory_space<vmem>> -> memref<1x128xi32, #tpu.memory_space<vmem>>
      %dma_wait3A_563 = tpu.memref_squeeze %dma_wait3A_562 : memref<1x128xi32, #tpu.memory_space<vmem>> -> memref<128xi32, #tpu.memory_space<vmem>>
      %dma_wait3A_564 = arith.constant 0 : i32
      %dma_wait3A_565 = arith.constant 0 : i32
      %dma_wait3A_566 = tpu.memref_slice %arg3[%dma_wait3A_564, %dma_wait3A_565] : memref<1000000x16xf32, #tpu.memory_space<hbm>> -> memref<1000000x16xf32, #tpu.memory_space<hbm>>
      tpu.wait_indirect_dma semaphore(%arg11 : memref<!tpu.dma_semaphore, #tpu.memory_space<semaphore_mem>>) src(%dma_wait3A_566 : memref<1000000x16xf32, #tpu.memory_space<hbm>>) dst(%dma_wait3A_560 : memref<128x16xf32, #tpu.memory_space<vmem>>)
      %dma_wait3A_567 = arith.constant 5 : i32
      %dma_wait3A_568 = arith.constant 5 : i32
      %dma_wait3A_569 = arith.constant 0 : i32
      %dma_wait3A_570 = arith.constant 0 : i32
      %dma_wait3A_571 = tpu.memref_slice %arg7[%dma_wait3A_568, %dma_wait3A_569, %dma_wait3A_570] : memref<20x128x16xf32, #tpu.memory_space<vmem>> -> memref<1x128x16xf32, #tpu.memory_space<vmem>>
      %dma_wait3A_572 = tpu.memref_squeeze %dma_wait3A_571 : memref<1x128x16xf32, #tpu.memory_space<vmem>> -> memref<128x16xf32, #tpu.memory_space<vmem>>
      %dma_wait3A_573 = arith.constant 0 : i32
      %dma_wait3A_574 = tpu.memref_slice %arg5[%dma_wait3A_567, %dma_wait3A_573] : memref<20x128xi32, #tpu.memory_space<vmem>> -> memref<1x128xi32, #tpu.memory_space<vmem>>
      %dma_wait3A_575 = tpu.memref_squeeze %dma_wait3A_574 : memref<1x128xi32, #tpu.memory_space<vmem>> -> memref<128xi32, #tpu.memory_space<vmem>>
      %dma_wait3A_576 = arith.constant 0 : i32
      %dma_wait3A_577 = arith.constant 0 : i32
      %dma_wait3A_578 = tpu.memref_slice %arg3[%dma_wait3A_576, %dma_wait3A_577] : memref<1000000x16xf32, #tpu.memory_space<hbm>> -> memref<1000000x16xf32, #tpu.memory_space<hbm>>
      tpu.wait_indirect_dma semaphore(%arg11 : memref<!tpu.dma_semaphore, #tpu.memory_space<semaphore_mem>>) src(%dma_wait3A_578 : memref<1000000x16xf32, #tpu.memory_space<hbm>>) dst(%dma_wait3A_572 : memref<128x16xf32, #tpu.memory_space<vmem>>)
      %dma_wait3A_579 = arith.constant 6 : i32
      %dma_wait3A_580 = arith.constant 6 : i32
      %dma_wait3A_581 = arith.constant 0 : i32
      %dma_wait3A_582 = arith.constant 0 : i32
      %dma_wait3A_583 = tpu.memref_slice %arg7[%dma_wait3A_580, %dma_wait3A_581, %dma_wait3A_582] : memref<20x128x16xf32, #tpu.memory_space<vmem>> -> memref<1x128x16xf32, #tpu.memory_space<vmem>>
      %dma_wait3A_584 = tpu.memref_squeeze %dma_wait3A_583 : memref<1x128x16xf32, #tpu.memory_space<vmem>> -> memref<128x16xf32, #tpu.memory_space<vmem>>
      %dma_wait3A_585 = arith.constant 0 : i32
      %dma_wait3A_586 = tpu.memref_slice %arg5[%dma_wait3A_579, %dma_wait3A_585] : memref<20x128xi32, #tpu.memory_space<vmem>> -> memref<1x128xi32, #tpu.memory_space<vmem>>
      %dma_wait3A_587 = tpu.memref_squeeze %dma_wait3A_586 : memref<1x128xi32, #tpu.memory_space<vmem>> -> memref<128xi32, #tpu.memory_space<vmem>>
      %dma_wait3A_588 = arith.constant 0 : i32
      %dma_wait3A_589 = arith.constant 0 : i32
      %dma_wait3A_590 = tpu.memref_slice %arg3[%dma_wait3A_588, %dma_wait3A_589] : memref<1000000x16xf32, #tpu.memory_space<hbm>> -> memref<1000000x16xf32, #tpu.memory_space<hbm>>
      tpu.wait_indirect_dma semaphore(%arg11 : memref<!tpu.dma_semaphore, #tpu.memory_space<semaphore_mem>>) src(%dma_wait3A_590 : memref<1000000x16xf32, #tpu.memory_space<hbm>>) dst(%dma_wait3A_584 : memref<128x16xf32, #tpu.memory_space<vmem>>)
      %dma_wait3A_591 = arith.constant 7 : i32
      %dma_wait3A_592 = arith.constant 7 : i32
      %dma_wait3A_593 = arith.constant 0 : i32
      %dma_wait3A_594 = arith.constant 0 : i32
      %dma_wait3A_595 = tpu.memref_slice %arg7[%dma_wait3A_592, %dma_wait3A_593, %dma_wait3A_594] : memref<20x128x16xf32, #tpu.memory_space<vmem>> -> memref<1x128x16xf32, #tpu.memory_space<vmem>>
      %dma_wait3A_596 = tpu.memref_squeeze %dma_wait3A_595 : memref<1x128x16xf32, #tpu.memory_space<vmem>> -> memref<128x16xf32, #tpu.memory_space<vmem>>
      %dma_wait3A_597 = arith.constant 0 : i32
      %dma_wait3A_598 = tpu.memref_slice %arg5[%dma_wait3A_591, %dma_wait3A_597] : memref<20x128xi32, #tpu.memory_space<vmem>> -> memref<1x128xi32, #tpu.memory_space<vmem>>
      %dma_wait3A_599 = tpu.memref_squeeze %dma_wait3A_598 : memref<1x128xi32, #tpu.memory_space<vmem>> -> memref<128xi32, #tpu.memory_space<vmem>>
      %dma_wait3A_600 = arith.constant 0 : i32
      %dma_wait3A_601 = arith.constant 0 : i32
      %dma_wait3A_602 = tpu.memref_slice %arg3[%dma_wait3A_600, %dma_wait3A_601] : memref<1000000x16xf32, #tpu.memory_space<hbm>> -> memref<1000000x16xf32, #tpu.memory_space<hbm>>
      tpu.wait_indirect_dma semaphore(%arg11 : memref<!tpu.dma_semaphore, #tpu.memory_space<semaphore_mem>>) src(%dma_wait3A_602 : memref<1000000x16xf32, #tpu.memory_space<hbm>>) dst(%dma_wait3A_596 : memref<128x16xf32, #tpu.memory_space<vmem>>)
      %dma_wait3A_603 = arith.constant 8 : i32
      %dma_wait3A_604 = arith.constant 8 : i32
      %dma_wait3A_605 = arith.constant 0 : i32
      %dma_wait3A_606 = arith.constant 0 : i32
      %dma_wait3A_607 = tpu.memref_slice %arg7[%dma_wait3A_604, %dma_wait3A_605, %dma_wait3A_606] : memref<20x128x16xf32, #tpu.memory_space<vmem>> -> memref<1x128x16xf32, #tpu.memory_space<vmem>>
      %dma_wait3A_608 = tpu.memref_squeeze %dma_wait3A_607 : memref<1x128x16xf32, #tpu.memory_space<vmem>> -> memref<128x16xf32, #tpu.memory_space<vmem>>
      %dma_wait3A_609 = arith.constant 0 : i32
      %dma_wait3A_610 = tpu.memref_slice %arg5[%dma_wait3A_603, %dma_wait3A_609] : memref<20x128xi32, #tpu.memory_space<vmem>> -> memref<1x128xi32, #tpu.memory_space<vmem>>
      %dma_wait3A_611 = tpu.memref_squeeze %dma_wait3A_610 : memref<1x128xi32, #tpu.memory_space<vmem>> -> memref<128xi32, #tpu.memory_space<vmem>>
      %dma_wait3A_612 = arith.constant 0 : i32
      %dma_wait3A_613 = arith.constant 0 : i32
      %dma_wait3A_614 = tpu.memref_slice %arg3[%dma_wait3A_612, %dma_wait3A_613] : memref<1000000x16xf32, #tpu.memory_space<hbm>> -> memref<1000000x16xf32, #tpu.memory_space<hbm>>
      tpu.wait_indirect_dma semaphore(%arg11 : memref<!tpu.dma_semaphore, #tpu.memory_space<semaphore_mem>>) src(%dma_wait3A_614 : memref<1000000x16xf32, #tpu.memory_space<hbm>>) dst(%dma_wait3A_608 : memref<128x16xf32, #tpu.memory_space<vmem>>)
      %dma_wait3A_615 = arith.constant 9 : i32
      %dma_wait3A_616 = arith.constant 9 : i32
      %dma_wait3A_617 = arith.constant 0 : i32
      %dma_wait3A_618 = arith.constant 0 : i32
      %dma_wait3A_619 = tpu.memref_slice %arg7[%dma_wait3A_616, %dma_wait3A_617, %dma_wait3A_618] : memref<20x128x16xf32, #tpu.memory_space<vmem>> -> memref<1x128x16xf32, #tpu.memory_space<vmem>>
      %dma_wait3A_620 = tpu.memref_squeeze %dma_wait3A_619 : memref<1x128x16xf32, #tpu.memory_space<vmem>> -> memref<128x16xf32, #tpu.memory_space<vmem>>
      %dma_wait3A_621 = arith.constant 0 : i32
      %dma_wait3A_622 = tpu.memref_slice %arg5[%dma_wait3A_615, %dma_wait3A_621] : memref<20x128xi32, #tpu.memory_space<vmem>> -> memref<1x128xi32, #tpu.memory_space<vmem>>
      %dma_wait3A_623 = tpu.memref_squeeze %dma_wait3A_622 : memref<1x128xi32, #tpu.memory_space<vmem>> -> memref<128xi32, #tpu.memory_space<vmem>>
      %dma_wait3A_624 = arith.constant 0 : i32
      %dma_wait3A_625 = arith.constant 0 : i32
      %dma_wait3A_626 = tpu.memref_slice %arg3[%dma_wait3A_624, %dma_wait3A_625] : memref<1000000x16xf32, #tpu.memory_space<hbm>> -> memref<1000000x16xf32, #tpu.memory_space<hbm>>
      tpu.wait_indirect_dma semaphore(%arg11 : memref<!tpu.dma_semaphore, #tpu.memory_space<semaphore_mem>>) src(%dma_wait3A_626 : memref<1000000x16xf32, #tpu.memory_space<hbm>>) dst(%dma_wait3A_620 : memref<128x16xf32, #tpu.memory_space<vmem>>)
      %dma_wait3A_627 = arith.constant 10 : i32
      %dma_wait3A_628 = arith.constant 10 : i32
      %dma_wait3A_629 = arith.constant 0 : i32
      %dma_wait3A_630 = arith.constant 0 : i32
      %dma_wait3A_631 = tpu.memref_slice %arg7[%dma_wait3A_628, %dma_wait3A_629, %dma_wait3A_630] : memref<20x128x16xf32, #tpu.memory_space<vmem>> -> memref<1x128x16xf32, #tpu.memory_space<vmem>>
      %dma_wait3A_632 = tpu.memref_squeeze %dma_wait3A_631 : memref<1x128x16xf32, #tpu.memory_space<vmem>> -> memref<128x16xf32, #tpu.memory_space<vmem>>
      %dma_wait3A_633 = arith.constant 0 : i32
      %dma_wait3A_634 = tpu.memref_slice %arg5[%dma_wait3A_627, %dma_wait3A_633] : memref<20x128xi32, #tpu.memory_space<vmem>> -> memref<1x128xi32, #tpu.memory_space<vmem>>
      %dma_wait3A_635 = tpu.memref_squeeze %dma_wait3A_634 : memref<1x128xi32, #tpu.memory_space<vmem>> -> memref<128xi32, #tpu.memory_space<vmem>>
      %dma_wait3A_636 = arith.constant 0 : i32
      %dma_wait3A_637 = arith.constant 0 : i32
      %dma_wait3A_638 = tpu.memref_slice %arg3[%dma_wait3A_636, %dma_wait3A_637] : memref<1000000x16xf32, #tpu.memory_space<hbm>> -> memref<1000000x16xf32, #tpu.memory_space<hbm>>
      tpu.wait_indirect_dma semaphore(%arg11 : memref<!tpu.dma_semaphore, #tpu.memory_space<semaphore_mem>>) src(%dma_wait3A_638 : memref<1000000x16xf32, #tpu.memory_space<hbm>>) dst(%dma_wait3A_632 : memref<128x16xf32, #tpu.memory_space<vmem>>)
      %dma_wait3A_639 = arith.constant 11 : i32
      %dma_wait3A_640 = arith.constant 11 : i32
      %dma_wait3A_641 = arith.constant 0 : i32
      %dma_wait3A_642 = arith.constant 0 : i32
      %dma_wait3A_643 = tpu.memref_slice %arg7[%dma_wait3A_640, %dma_wait3A_641, %dma_wait3A_642] : memref<20x128x16xf32, #tpu.memory_space<vmem>> -> memref<1x128x16xf32, #tpu.memory_space<vmem>>
      %dma_wait3A_644 = tpu.memref_squeeze %dma_wait3A_643 : memref<1x128x16xf32, #tpu.memory_space<vmem>> -> memref<128x16xf32, #tpu.memory_space<vmem>>
      %dma_wait3A_645 = arith.constant 0 : i32
      %dma_wait3A_646 = tpu.memref_slice %arg5[%dma_wait3A_639, %dma_wait3A_645] : memref<20x128xi32, #tpu.memory_space<vmem>> -> memref<1x128xi32, #tpu.memory_space<vmem>>
      %dma_wait3A_647 = tpu.memref_squeeze %dma_wait3A_646 : memref<1x128xi32, #tpu.memory_space<vmem>> -> memref<128xi32, #tpu.memory_space<vmem>>
      %dma_wait3A_648 = arith.constant 0 : i32
      %dma_wait3A_649 = arith.constant 0 : i32
      %dma_wait3A_650 = tpu.memref_slice %arg3[%dma_wait3A_648, %dma_wait3A_649] : memref<1000000x16xf32, #tpu.memory_space<hbm>> -> memref<1000000x16xf32, #tpu.memory_space<hbm>>
      tpu.wait_indirect_dma semaphore(%arg11 : memref<!tpu.dma_semaphore, #tpu.memory_space<semaphore_mem>>) src(%dma_wait3A_650 : memref<1000000x16xf32, #tpu.memory_space<hbm>>) dst(%dma_wait3A_644 : memref<128x16xf32, #tpu.memory_space<vmem>>)
      %dma_wait3A_651 = arith.constant 12 : i32
      %dma_wait3A_652 = arith.constant 12 : i32
      %dma_wait3A_653 = arith.constant 0 : i32
      %dma_wait3A_654 = arith.constant 0 : i32
      %dma_wait3A_655 = tpu.memref_slice %arg7[%dma_wait3A_652, %dma_wait3A_653, %dma_wait3A_654] : memref<20x128x16xf32, #tpu.memory_space<vmem>> -> memref<1x128x16xf32, #tpu.memory_space<vmem>>
      %dma_wait3A_656 = tpu.memref_squeeze %dma_wait3A_655 : memref<1x128x16xf32, #tpu.memory_space<vmem>> -> memref<128x16xf32, #tpu.memory_space<vmem>>
      %dma_wait3A_657 = arith.constant 0 : i32
      %dma_wait3A_658 = tpu.memref_slice %arg5[%dma_wait3A_651, %dma_wait3A_657] : memref<20x128xi32, #tpu.memory_space<vmem>> -> memref<1x128xi32, #tpu.memory_space<vmem>>
      %dma_wait3A_659 = tpu.memref_squeeze %dma_wait3A_658 : memref<1x128xi32, #tpu.memory_space<vmem>> -> memref<128xi32, #tpu.memory_space<vmem>>
      %dma_wait3A_660 = arith.constant 0 : i32
      %dma_wait3A_661 = arith.constant 0 : i32
      %dma_wait3A_662 = tpu.memref_slice %arg3[%dma_wait3A_660, %dma_wait3A_661] : memref<1000000x16xf32, #tpu.memory_space<hbm>> -> memref<1000000x16xf32, #tpu.memory_space<hbm>>
      tpu.wait_indirect_dma semaphore(%arg11 : memref<!tpu.dma_semaphore, #tpu.memory_space<semaphore_mem>>) src(%dma_wait3A_662 : memref<1000000x16xf32, #tpu.memory_space<hbm>>) dst(%dma_wait3A_656 : memref<128x16xf32, #tpu.memory_space<vmem>>)
      %dma_wait3A_663 = arith.constant 13 : i32
      %dma_wait3A_664 = arith.constant 13 : i32
      %dma_wait3A_665 = arith.constant 0 : i32
      %dma_wait3A_666 = arith.constant 0 : i32
      %dma_wait3A_667 = tpu.memref_slice %arg7[%dma_wait3A_664, %dma_wait3A_665, %dma_wait3A_666] : memref<20x128x16xf32, #tpu.memory_space<vmem>> -> memref<1x128x16xf32, #tpu.memory_space<vmem>>
      %dma_wait3A_668 = tpu.memref_squeeze %dma_wait3A_667 : memref<1x128x16xf32, #tpu.memory_space<vmem>> -> memref<128x16xf32, #tpu.memory_space<vmem>>
      %dma_wait3A_669 = arith.constant 0 : i32
      %dma_wait3A_670 = tpu.memref_slice %arg5[%dma_wait3A_663, %dma_wait3A_669] : memref<20x128xi32, #tpu.memory_space<vmem>> -> memref<1x128xi32, #tpu.memory_space<vmem>>
      %dma_wait3A_671 = tpu.memref_squeeze %dma_wait3A_670 : memref<1x128xi32, #tpu.memory_space<vmem>> -> memref<128xi32, #tpu.memory_space<vmem>>
      %dma_wait3A_672 = arith.constant 0 : i32
      %dma_wait3A_673 = arith.constant 0 : i32
      %dma_wait3A_674 = tpu.memref_slice %arg3[%dma_wait3A_672, %dma_wait3A_673] : memref<1000000x16xf32, #tpu.memory_space<hbm>> -> memref<1000000x16xf32, #tpu.memory_space<hbm>>
      tpu.wait_indirect_dma semaphore(%arg11 : memref<!tpu.dma_semaphore, #tpu.memory_space<semaphore_mem>>) src(%dma_wait3A_674 : memref<1000000x16xf32, #tpu.memory_space<hbm>>) dst(%dma_wait3A_668 : memref<128x16xf32, #tpu.memory_space<vmem>>)
      %dma_wait3A_675 = arith.constant 14 : i32
      %dma_wait3A_676 = arith.constant 14 : i32
      %dma_wait3A_677 = arith.constant 0 : i32
      %dma_wait3A_678 = arith.constant 0 : i32
      %dma_wait3A_679 = tpu.memref_slice %arg7[%dma_wait3A_676, %dma_wait3A_677, %dma_wait3A_678] : memref<20x128x16xf32, #tpu.memory_space<vmem>> -> memref<1x128x16xf32, #tpu.memory_space<vmem>>
      %dma_wait3A_680 = tpu.memref_squeeze %dma_wait3A_679 : memref<1x128x16xf32, #tpu.memory_space<vmem>> -> memref<128x16xf32, #tpu.memory_space<vmem>>
      %dma_wait3A_681 = arith.constant 0 : i32
      %dma_wait3A_682 = tpu.memref_slice %arg5[%dma_wait3A_675, %dma_wait3A_681] : memref<20x128xi32, #tpu.memory_space<vmem>> -> memref<1x128xi32, #tpu.memory_space<vmem>>
      %dma_wait3A_683 = tpu.memref_squeeze %dma_wait3A_682 : memref<1x128xi32, #tpu.memory_space<vmem>> -> memref<128xi32, #tpu.memory_space<vmem>>
      %dma_wait3A_684 = arith.constant 0 : i32
      %dma_wait3A_685 = arith.constant 0 : i32
      %dma_wait3A_686 = tpu.memref_slice %arg3[%dma_wait3A_684, %dma_wait3A_685] : memref<1000000x16xf32, #tpu.memory_space<hbm>> -> memref<1000000x16xf32, #tpu.memory_space<hbm>>
      tpu.wait_indirect_dma semaphore(%arg11 : memref<!tpu.dma_semaphore, #tpu.memory_space<semaphore_mem>>) src(%dma_wait3A_686 : memref<1000000x16xf32, #tpu.memory_space<hbm>>) dst(%dma_wait3A_680 : memref<128x16xf32, #tpu.memory_space<vmem>>)
      %dma_wait3A_687 = arith.constant 15 : i32
      %dma_wait3A_688 = arith.constant 15 : i32
      %dma_wait3A_689 = arith.constant 0 : i32
      %dma_wait3A_690 = arith.constant 0 : i32
      %dma_wait3A_691 = tpu.memref_slice %arg7[%dma_wait3A_688, %dma_wait3A_689, %dma_wait3A_690] : memref<20x128x16xf32, #tpu.memory_space<vmem>> -> memref<1x128x16xf32, #tpu.memory_space<vmem>>
      %dma_wait3A_692 = tpu.memref_squeeze %dma_wait3A_691 : memref<1x128x16xf32, #tpu.memory_space<vmem>> -> memref<128x16xf32, #tpu.memory_space<vmem>>
      %dma_wait3A_693 = arith.constant 0 : i32
      %dma_wait3A_694 = tpu.memref_slice %arg5[%dma_wait3A_687, %dma_wait3A_693] : memref<20x128xi32, #tpu.memory_space<vmem>> -> memref<1x128xi32, #tpu.memory_space<vmem>>
      %dma_wait3A_695 = tpu.memref_squeeze %dma_wait3A_694 : memref<1x128xi32, #tpu.memory_space<vmem>> -> memref<128xi32, #tpu.memory_space<vmem>>
      %dma_wait3A_696 = arith.constant 0 : i32
      %dma_wait3A_697 = arith.constant 0 : i32
      %dma_wait3A_698 = tpu.memref_slice %arg3[%dma_wait3A_696, %dma_wait3A_697] : memref<1000000x16xf32, #tpu.memory_space<hbm>> -> memref<1000000x16xf32, #tpu.memory_space<hbm>>
      tpu.wait_indirect_dma semaphore(%arg11 : memref<!tpu.dma_semaphore, #tpu.memory_space<semaphore_mem>>) src(%dma_wait3A_698 : memref<1000000x16xf32, #tpu.memory_space<hbm>>) dst(%dma_wait3A_692 : memref<128x16xf32, #tpu.memory_space<vmem>>)
      %dma_wait3A_699 = arith.constant 16 : i32
      %dma_wait3A_700 = arith.constant 16 : i32
      %dma_wait3A_701 = arith.constant 0 : i32
      %dma_wait3A_702 = arith.constant 0 : i32
      %dma_wait3A_703 = tpu.memref_slice %arg7[%dma_wait3A_700, %dma_wait3A_701, %dma_wait3A_702] : memref<20x128x16xf32, #tpu.memory_space<vmem>> -> memref<1x128x16xf32, #tpu.memory_space<vmem>>
      %dma_wait3A_704 = tpu.memref_squeeze %dma_wait3A_703 : memref<1x128x16xf32, #tpu.memory_space<vmem>> -> memref<128x16xf32, #tpu.memory_space<vmem>>
      %dma_wait3A_705 = arith.constant 0 : i32
      %dma_wait3A_706 = tpu.memref_slice %arg5[%dma_wait3A_699, %dma_wait3A_705] : memref<20x128xi32, #tpu.memory_space<vmem>> -> memref<1x128xi32, #tpu.memory_space<vmem>>
      %dma_wait3A_707 = tpu.memref_squeeze %dma_wait3A_706 : memref<1x128xi32, #tpu.memory_space<vmem>> -> memref<128xi32, #tpu.memory_space<vmem>>
      %dma_wait3A_708 = arith.constant 0 : i32
      %dma_wait3A_709 = arith.constant 0 : i32
      %dma_wait3A_710 = tpu.memref_slice %arg3[%dma_wait3A_708, %dma_wait3A_709] : memref<1000000x16xf32, #tpu.memory_space<hbm>> -> memref<1000000x16xf32, #tpu.memory_space<hbm>>
      tpu.wait_indirect_dma semaphore(%arg11 : memref<!tpu.dma_semaphore, #tpu.memory_space<semaphore_mem>>) src(%dma_wait3A_710 : memref<1000000x16xf32, #tpu.memory_space<hbm>>) dst(%dma_wait3A_704 : memref<128x16xf32, #tpu.memory_space<vmem>>)
      %dma_wait3A_711 = arith.constant 17 : i32
      %dma_wait3A_712 = arith.constant 17 : i32
      %dma_wait3A_713 = arith.constant 0 : i32
      %dma_wait3A_714 = arith.constant 0 : i32
      %dma_wait3A_715 = tpu.memref_slice %arg7[%dma_wait3A_712, %dma_wait3A_713, %dma_wait3A_714] : memref<20x128x16xf32, #tpu.memory_space<vmem>> -> memref<1x128x16xf32, #tpu.memory_space<vmem>>
      %dma_wait3A_716 = tpu.memref_squeeze %dma_wait3A_715 : memref<1x128x16xf32, #tpu.memory_space<vmem>> -> memref<128x16xf32, #tpu.memory_space<vmem>>
      %dma_wait3A_717 = arith.constant 0 : i32
      %dma_wait3A_718 = tpu.memref_slice %arg5[%dma_wait3A_711, %dma_wait3A_717] : memref<20x128xi32, #tpu.memory_space<vmem>> -> memref<1x128xi32, #tpu.memory_space<vmem>>
      %dma_wait3A_719 = tpu.memref_squeeze %dma_wait3A_718 : memref<1x128xi32, #tpu.memory_space<vmem>> -> memref<128xi32, #tpu.memory_space<vmem>>
      %dma_wait3A_720 = arith.constant 0 : i32
      %dma_wait3A_721 = arith.constant 0 : i32
      %dma_wait3A_722 = tpu.memref_slice %arg3[%dma_wait3A_720, %dma_wait3A_721] : memref<1000000x16xf32, #tpu.memory_space<hbm>> -> memref<1000000x16xf32, #tpu.memory_space<hbm>>
      tpu.wait_indirect_dma semaphore(%arg11 : memref<!tpu.dma_semaphore, #tpu.memory_space<semaphore_mem>>) src(%dma_wait3A_722 : memref<1000000x16xf32, #tpu.memory_space<hbm>>) dst(%dma_wait3A_716 : memref<128x16xf32, #tpu.memory_space<vmem>>)
      %dma_wait3A_723 = arith.constant 18 : i32
      %dma_wait3A_724 = arith.constant 18 : i32
      %dma_wait3A_725 = arith.constant 0 : i32
      %dma_wait3A_726 = arith.constant 0 : i32
      %dma_wait3A_727 = tpu.memref_slice %arg7[%dma_wait3A_724, %dma_wait3A_725, %dma_wait3A_726] : memref<20x128x16xf32, #tpu.memory_space<vmem>> -> memref<1x128x16xf32, #tpu.memory_space<vmem>>
      %dma_wait3A_728 = tpu.memref_squeeze %dma_wait3A_727 : memref<1x128x16xf32, #tpu.memory_space<vmem>> -> memref<128x16xf32, #tpu.memory_space<vmem>>
      %dma_wait3A_729 = arith.constant 0 : i32
      %dma_wait3A_730 = tpu.memref_slice %arg5[%dma_wait3A_723, %dma_wait3A_729] : memref<20x128xi32, #tpu.memory_space<vmem>> -> memref<1x128xi32, #tpu.memory_space<vmem>>
      %dma_wait3A_731 = tpu.memref_squeeze %dma_wait3A_730 : memref<1x128xi32, #tpu.memory_space<vmem>> -> memref<128xi32, #tpu.memory_space<vmem>>
      %dma_wait3A_732 = arith.constant 0 : i32
      %dma_wait3A_733 = arith.constant 0 : i32
      %dma_wait3A_734 = tpu.memref_slice %arg3[%dma_wait3A_732, %dma_wait3A_733] : memref<1000000x16xf32, #tpu.memory_space<hbm>> -> memref<1000000x16xf32, #tpu.memory_space<hbm>>
      tpu.wait_indirect_dma semaphore(%arg11 : memref<!tpu.dma_semaphore, #tpu.memory_space<semaphore_mem>>) src(%dma_wait3A_734 : memref<1000000x16xf32, #tpu.memory_space<hbm>>) dst(%dma_wait3A_728 : memref<128x16xf32, #tpu.memory_space<vmem>>)
      %dma_wait3A_735 = arith.constant 19 : i32
      %dma_wait3A_736 = arith.constant 19 : i32
      %dma_wait3A_737 = arith.constant 0 : i32
      %dma_wait3A_738 = arith.constant 0 : i32
      %dma_wait3A_739 = tpu.memref_slice %arg7[%dma_wait3A_736, %dma_wait3A_737, %dma_wait3A_738] : memref<20x128x16xf32, #tpu.memory_space<vmem>> -> memref<1x128x16xf32, #tpu.memory_space<vmem>>
      %dma_wait3A_740 = tpu.memref_squeeze %dma_wait3A_739 : memref<1x128x16xf32, #tpu.memory_space<vmem>> -> memref<128x16xf32, #tpu.memory_space<vmem>>
      %dma_wait3A_741 = arith.constant 0 : i32
      %dma_wait3A_742 = tpu.memref_slice %arg5[%dma_wait3A_735, %dma_wait3A_741] : memref<20x128xi32, #tpu.memory_space<vmem>> -> memref<1x128xi32, #tpu.memory_space<vmem>>
      %dma_wait3A_743 = tpu.memref_squeeze %dma_wait3A_742 : memref<1x128xi32, #tpu.memory_space<vmem>> -> memref<128xi32, #tpu.memory_space<vmem>>
      %dma_wait3A_744 = arith.constant 0 : i32
      %dma_wait3A_745 = arith.constant 0 : i32
      %dma_wait3A_746 = tpu.memref_slice %arg3[%dma_wait3A_744, %dma_wait3A_745] : memref<1000000x16xf32, #tpu.memory_space<hbm>> -> memref<1000000x16xf32, #tpu.memory_space<hbm>>
      tpu.wait_indirect_dma semaphore(%arg11 : memref<!tpu.dma_semaphore, #tpu.memory_space<semaphore_mem>>) src(%dma_wait3A_746 : memref<1000000x16xf32, #tpu.memory_space<hbm>>) dst(%dma_wait3A_740 : memref<128x16xf32, #tpu.memory_space<vmem>>)
      %ge3A = arith.constant 2 : i32
      %ge3A_747 = arith.cmpi sge, %add3A_506, %ge3A : i32
      %convert_element_type3A = arith.extui %ge3A_747 : i1 to i32
      %cond3A = arith.constant 0 : i32
      %cond3A_748 = arith.cmpi ne, %convert_element_type3A, %cond3A : i32
      scf.if %cond3A_748 {
        %dma_wait3A_1027 = arith.constant 0 : i32
        %dma_wait3A_1028 = arith.constant 0 : i32
        %dma_wait3A_1029 = tpu.memref_slice %arg4[%mul3A_2, %dma_wait3A_1027, %dma_wait3A_1028] : memref<4096x50x16xf32, #tpu.memory_space<hbm>> -> memref<128x1x16xf32, #tpu.memory_space<hbm>>
        %dma_wait3A_1030 = arith.constant 0 : i32
        %dma_wait3A_1031 = arith.constant 0 : i32
        %dma_wait3A_1032 = tpu.memref_slice %arg4[%mul3A_2, %dma_wait3A_1030, %dma_wait3A_1031] : memref<4096x50x16xf32, #tpu.memory_space<hbm>> -> memref<128x1x16xf32, #tpu.memory_space<hbm>>
        tpu.wait_dma2 semaphore(%arg13 : memref<!tpu.dma_semaphore, #tpu.memory_space<semaphore_mem>>) src(%arg9 : memref<128x1x16xf32, #tpu.memory_space<vmem>>) dst(%dma_wait3A_1032 : memref<128x1x16xf32, #tpu.memory_space<hbm>>)
      } else {
      }
      %scan3A_749 = arith.constant 0 : i32
      %scan3A_750 = arith.constant 128 : i32
      %scan3A_751 = arith.addi %scan3A_749, %scan3A_750 : i32
      %scan3A_752 = arith.constant 1 : i32
      scf.for %scan3A_1027 = %scan3A_749 to %scan3A_751 step %scan3A_752  : i32 {
        %mul3A_1028 = arith.constant 1 : i32
        %mul3A_1029 = arith.muli %scan3A_1027, %mul3A_1028 : i32
        %add3A_1030 = arith.constant 0 : i32
        %add3A_1031 = arith.addi %add3A_1030, %mul3A_1029 : i32
        %get3A = arith.constant 0 : i32
        %get3A_1032 = arith.index_cast %get3A : i32 to index
        %get3A_1033 = arith.index_cast %add3A_1031 : i32 to index
        %get3A_1034 = arith.constant 0 : index
        %get3A_1035 = tpu.vector_load %arg7[%get3A_1032, %get3A_1033, %get3A_1034] {strides = array<i32>} : memref<20x128x16xf32, #tpu.memory_space<vmem>>, vector<1x1x16xf32>,
        %get3A_1036 = vector.shape_cast %get3A_1035 : vector<1x1x16xf32> to vector<16xf32>
        %get3A_1037 = arith.constant 1 : i32
        %get3A_1038 = arith.index_cast %get3A_1037 : i32 to index
        %get3A_1039 = arith.index_cast %add3A_1031 : i32 to index
        %get3A_1040 = arith.constant 0 : index
        %get3A_1041 = tpu.vector_load %arg7[%get3A_1038, %get3A_1039, %get3A_1040] {strides = array<i32>} : memref<20x128x16xf32, #tpu.memory_space<vmem>>, vector<1x1x16xf32>,
        %get3A_1042 = vector.shape_cast %get3A_1041 : vector<1x1x16xf32> to vector<16xf32>
        %get3A_1043 = arith.constant 2 : i32
        %get3A_1044 = arith.index_cast %get3A_1043 : i32 to index
        %get3A_1045 = arith.index_cast %add3A_1031 : i32 to index
        %get3A_1046 = arith.constant 0 : index
        %get3A_1047 = tpu.vector_load %arg7[%get3A_1044, %get3A_1045, %get3A_1046] {strides = array<i32>} : memref<20x128x16xf32, #tpu.memory_space<vmem>>, vector<1x1x16xf32>,
        %get3A_1048 = vector.shape_cast %get3A_1047 : vector<1x1x16xf32> to vector<16xf32>
        %get3A_1049 = arith.constant 3 : i32
        %get3A_1050 = arith.index_cast %get3A_1049 : i32 to index
        %get3A_1051 = arith.index_cast %add3A_1031 : i32 to index
        %get3A_1052 = arith.constant 0 : index
        %get3A_1053 = tpu.vector_load %arg7[%get3A_1050, %get3A_1051, %get3A_1052] {strides = array<i32>} : memref<20x128x16xf32, #tpu.memory_space<vmem>>, vector<1x1x16xf32>,
        %get3A_1054 = vector.shape_cast %get3A_1053 : vector<1x1x16xf32> to vector<16xf32>
        %get3A_1055 = arith.constant 4 : i32
        %get3A_1056 = arith.index_cast %get3A_1055 : i32 to index
        %get3A_1057 = arith.index_cast %add3A_1031 : i32 to index
        %get3A_1058 = arith.constant 0 : index
        %get3A_1059 = tpu.vector_load %arg7[%get3A_1056, %get3A_1057, %get3A_1058] {strides = array<i32>} : memref<20x128x16xf32, #tpu.memory_space<vmem>>, vector<1x1x16xf32>,
        %get3A_1060 = vector.shape_cast %get3A_1059 : vector<1x1x16xf32> to vector<16xf32>
        %get3A_1061 = arith.constant 5 : i32
        %get3A_1062 = arith.index_cast %get3A_1061 : i32 to index
        %get3A_1063 = arith.index_cast %add3A_1031 : i32 to index
        %get3A_1064 = arith.constant 0 : index
        %get3A_1065 = tpu.vector_load %arg7[%get3A_1062, %get3A_1063, %get3A_1064] {strides = array<i32>} : memref<20x128x16xf32, #tpu.memory_space<vmem>>, vector<1x1x16xf32>,
        %get3A_1066 = vector.shape_cast %get3A_1065 : vector<1x1x16xf32> to vector<16xf32>
        %get3A_1067 = arith.constant 6 : i32
        %get3A_1068 = arith.index_cast %get3A_1067 : i32 to index
        %get3A_1069 = arith.index_cast %add3A_1031 : i32 to index
        %get3A_1070 = arith.constant 0 : index
        %get3A_1071 = tpu.vector_load %arg7[%get3A_1068, %get3A_1069, %get3A_1070] {strides = array<i32>} : memref<20x128x16xf32, #tpu.memory_space<vmem>>, vector<1x1x16xf32>,
        %get3A_1072 = vector.shape_cast %get3A_1071 : vector<1x1x16xf32> to vector<16xf32>
        %get3A_1073 = arith.constant 7 : i32
        %get3A_1074 = arith.index_cast %get3A_1073 : i32 to index
        %get3A_1075 = arith.index_cast %add3A_1031 : i32 to index
        %get3A_1076 = arith.constant 0 : index
        %get3A_1077 = tpu.vector_load %arg7[%get3A_1074, %get3A_1075, %get3A_1076] {strides = array<i32>} : memref<20x128x16xf32, #tpu.memory_space<vmem>>, vector<1x1x16xf32>,
        %get3A_1078 = vector.shape_cast %get3A_1077 : vector<1x1x16xf32> to vector<16xf32>
        %get3A_1079 = arith.constant 8 : i32
        %get3A_1080 = arith.index_cast %get3A_1079 : i32 to index
        %get3A_1081 = arith.index_cast %add3A_1031 : i32 to index
        %get3A_1082 = arith.constant 0 : index
        %get3A_1083 = tpu.vector_load %arg7[%get3A_1080, %get3A_1081, %get3A_1082] {strides = array<i32>} : memref<20x128x16xf32, #tpu.memory_space<vmem>>, vector<1x1x16xf32>,
        %get3A_1084 = vector.shape_cast %get3A_1083 : vector<1x1x16xf32> to vector<16xf32>
        %get3A_1085 = arith.constant 9 : i32
        %get3A_1086 = arith.index_cast %get3A_1085 : i32 to index
        %get3A_1087 = arith.index_cast %add3A_1031 : i32 to index
        %get3A_1088 = arith.constant 0 : index
        %get3A_1089 = tpu.vector_load %arg7[%get3A_1086, %get3A_1087, %get3A_1088] {strides = array<i32>} : memref<20x128x16xf32, #tpu.memory_space<vmem>>, vector<1x1x16xf32>,
        %get3A_1090 = vector.shape_cast %get3A_1089 : vector<1x1x16xf32> to vector<16xf32>
        %get3A_1091 = arith.constant 10 : i32
        %get3A_1092 = arith.index_cast %get3A_1091 : i32 to index
        %get3A_1093 = arith.index_cast %add3A_1031 : i32 to index
        %get3A_1094 = arith.constant 0 : index
        %get3A_1095 = tpu.vector_load %arg7[%get3A_1092, %get3A_1093, %get3A_1094] {strides = array<i32>} : memref<20x128x16xf32, #tpu.memory_space<vmem>>, vector<1x1x16xf32>,
        %get3A_1096 = vector.shape_cast %get3A_1095 : vector<1x1x16xf32> to vector<16xf32>
        %get3A_1097 = arith.constant 11 : i32
        %get3A_1098 = arith.index_cast %get3A_1097 : i32 to index
        %get3A_1099 = arith.index_cast %add3A_1031 : i32 to index
        %get3A_1100 = arith.constant 0 : index
        %get3A_1101 = tpu.vector_load %arg7[%get3A_1098, %get3A_1099, %get3A_1100] {strides = array<i32>} : memref<20x128x16xf32, #tpu.memory_space<vmem>>, vector<1x1x16xf32>,
        %get3A_1102 = vector.shape_cast %get3A_1101 : vector<1x1x16xf32> to vector<16xf32>
        %get3A_1103 = arith.constant 12 : i32
        %get3A_1104 = arith.index_cast %get3A_1103 : i32 to index
        %get3A_1105 = arith.index_cast %add3A_1031 : i32 to index
        %get3A_1106 = arith.constant 0 : index
        %get3A_1107 = tpu.vector_load %arg7[%get3A_1104, %get3A_1105, %get3A_1106] {strides = array<i32>} : memref<20x128x16xf32, #tpu.memory_space<vmem>>, vector<1x1x16xf32>,
        %get3A_1108 = vector.shape_cast %get3A_1107 : vector<1x1x16xf32> to vector<16xf32>
        %get3A_1109 = arith.constant 13 : i32
        %get3A_1110 = arith.index_cast %get3A_1109 : i32 to index
        %get3A_1111 = arith.index_cast %add3A_1031 : i32 to index
        %get3A_1112 = arith.constant 0 : index
        %get3A_1113 = tpu.vector_load %arg7[%get3A_1110, %get3A_1111, %get3A_1112] {strides = array<i32>} : memref<20x128x16xf32, #tpu.memory_space<vmem>>, vector<1x1x16xf32>,
        %get3A_1114 = vector.shape_cast %get3A_1113 : vector<1x1x16xf32> to vector<16xf32>
        %get3A_1115 = arith.constant 14 : i32
        %get3A_1116 = arith.index_cast %get3A_1115 : i32 to index
        %get3A_1117 = arith.index_cast %add3A_1031 : i32 to index
        %get3A_1118 = arith.constant 0 : index
        %get3A_1119 = tpu.vector_load %arg7[%get3A_1116, %get3A_1117, %get3A_1118] {strides = array<i32>} : memref<20x128x16xf32, #tpu.memory_space<vmem>>, vector<1x1x16xf32>,
        %get3A_1120 = vector.shape_cast %get3A_1119 : vector<1x1x16xf32> to vector<16xf32>
        %get3A_1121 = arith.constant 15 : i32
        %get3A_1122 = arith.index_cast %get3A_1121 : i32 to index
        %get3A_1123 = arith.index_cast %add3A_1031 : i32 to index
        %get3A_1124 = arith.constant 0 : index
        %get3A_1125 = tpu.vector_load %arg7[%get3A_1122, %get3A_1123, %get3A_1124] {strides = array<i32>} : memref<20x128x16xf32, #tpu.memory_space<vmem>>, vector<1x1x16xf32>,
        %get3A_1126 = vector.shape_cast %get3A_1125 : vector<1x1x16xf32> to vector<16xf32>
        %get3A_1127 = arith.constant 16 : i32
        %get3A_1128 = arith.index_cast %get3A_1127 : i32 to index
        %get3A_1129 = arith.index_cast %add3A_1031 : i32 to index
        %get3A_1130 = arith.constant 0 : index
        %get3A_1131 = tpu.vector_load %arg7[%get3A_1128, %get3A_1129, %get3A_1130] {strides = array<i32>} : memref<20x128x16xf32, #tpu.memory_space<vmem>>, vector<1x1x16xf32>,
        %get3A_1132 = vector.shape_cast %get3A_1131 : vector<1x1x16xf32> to vector<16xf32>
        %get3A_1133 = arith.constant 17 : i32
        %get3A_1134 = arith.index_cast %get3A_1133 : i32 to index
        %get3A_1135 = arith.index_cast %add3A_1031 : i32 to index
        %get3A_1136 = arith.constant 0 : index
        %get3A_1137 = tpu.vector_load %arg7[%get3A_1134, %get3A_1135, %get3A_1136] {strides = array<i32>} : memref<20x128x16xf32, #tpu.memory_space<vmem>>, vector<1x1x16xf32>,
        %get3A_1138 = vector.shape_cast %get3A_1137 : vector<1x1x16xf32> to vector<16xf32>
        %get3A_1139 = arith.constant 18 : i32
        %get3A_1140 = arith.index_cast %get3A_1139 : i32 to index
        %get3A_1141 = arith.index_cast %add3A_1031 : i32 to index
        %get3A_1142 = arith.constant 0 : index
        %get3A_1143 = tpu.vector_load %arg7[%get3A_1140, %get3A_1141, %get3A_1142] {strides = array<i32>} : memref<20x128x16xf32, #tpu.memory_space<vmem>>, vector<1x1x16xf32>,
        %get3A_1144 = vector.shape_cast %get3A_1143 : vector<1x1x16xf32> to vector<16xf32>
        %get3A_1145 = arith.constant 19 : i32
        %get3A_1146 = arith.index_cast %get3A_1145 : i32 to index
        %get3A_1147 = arith.index_cast %add3A_1031 : i32 to index
        %get3A_1148 = arith.constant 0 : index
        %get3A_1149 = tpu.vector_load %arg7[%get3A_1146, %get3A_1147, %get3A_1148] {strides = array<i32>} : memref<20x128x16xf32, #tpu.memory_space<vmem>>, vector<1x1x16xf32>,
        %get3A_1150 = vector.shape_cast %get3A_1149 : vector<1x1x16xf32> to vector<16xf32>
        %add3A_1151 = arith.addf %get3A_1036, %get3A_1042 : vector<16xf32>
        %add3A_1152 = arith.addf %get3A_1048, %get3A_1054 : vector<16xf32>
        %add3A_1153 = arith.addf %get3A_1060, %get3A_1066 : vector<16xf32>
        %add3A_1154 = arith.addf %get3A_1072, %get3A_1078 : vector<16xf32>
        %add3A_1155 = arith.addf %get3A_1084, %get3A_1090 : vector<16xf32>
        %add3A_1156 = arith.addf %get3A_1096, %get3A_1102 : vector<16xf32>
        %add3A_1157 = arith.addf %get3A_1108, %get3A_1114 : vector<16xf32>
        %add3A_1158 = arith.addf %get3A_1120, %get3A_1126 : vector<16xf32>
        %add3A_1159 = arith.addf %get3A_1132, %get3A_1138 : vector<16xf32>
        %add3A_1160 = arith.addf %get3A_1144, %get3A_1150 : vector<16xf32>
        %add3A_1161 = arith.addf %add3A_1151, %add3A_1152 : vector<16xf32>
        %add3A_1162 = arith.addf %add3A_1153, %add3A_1154 : vector<16xf32>
        %add3A_1163 = arith.addf %add3A_1155, %add3A_1156 : vector<16xf32>
        %add3A_1164 = arith.addf %add3A_1157, %add3A_1158 : vector<16xf32>
        %add3A_1165 = arith.addf %add3A_1159, %add3A_1160 : vector<16xf32>
        %add3A_1166 = arith.addf %add3A_1161, %add3A_1162 : vector<16xf32>
        %add3A_1167 = arith.addf %add3A_1163, %add3A_1164 : vector<16xf32>
        %add3A_1168 = arith.addf %add3A_1166, %add3A_1167 : vector<16xf32>
        %add3A_1169 = arith.addf %add3A_1168, %add3A_1165 : vector<16xf32>
        %swap3A = arith.constant 0 : i32
        %swap3A_1170 = arith.index_cast %add3A_1031 : i32 to index
        %swap3A_1171 = arith.index_cast %swap3A : i32 to index
        %swap3A_1172 = arith.constant 0 : index
        %swap3A_1173 = tpu.vector_load %arg9[%swap3A_1170, %swap3A_1171, %swap3A_1172] {strides = array<i32>} : memref<128x1x16xf32, #tpu.memory_space<vmem>>, vector<1x1x16xf32>,
        %swap3A_1174 = vector.shape_cast %swap3A_1173 : vector<1x1x16xf32> to vector<16xf32>
        %swap3A_1175 = vector.shape_cast %add3A_1169 : vector<16xf32> to vector<1x1x16xf32>
        tpu.vector_store %arg9[%swap3A_1170, %swap3A_1171, %swap3A_1172], %swap3A_1175 {strides = array<i32>} : memref<128x1x16xf32, #tpu.memory_space<vmem>>, vector<1x1x16xf32>,
      }
      %scan3A_753 = arith.constant 128 : i32
      %dma_start3A_754 = arith.constant 0 : i32
      %dma_start3A_755 = tpu.memref_slice %arg4[%mul3A_2, %add3A_506, %dma_start3A_754] : memref<4096x50x16xf32, #tpu.memory_space<hbm>> -> memref<128x1x16xf32, #tpu.memory_space<hbm>>
      %dma_start3A_756 = arith.constant 0 : i32
      %dma_start3A_757 = tpu.memref_slice %arg4[%mul3A_2, %add3A_506, %dma_start3A_756] : memref<4096x50x16xf32, #tpu.memory_space<hbm>> -> memref<128x1x16xf32, #tpu.memory_space<hbm>>
      tpu.enqueue_dma source(%arg9 : memref<128x1x16xf32, #tpu.memory_space<vmem>>) target(%dma_start3A_757 : memref<128x1x16xf32, #tpu.memory_space<hbm>>) target_semaphore(%arg13 : memref<!tpu.dma_semaphore, #tpu.memory_space<semaphore_mem>>)
      %add3A_758 = arith.constant 2 : i32
      %add3A_759 = arith.addi %add3A_506, %add3A_758 : i32
      %lt3A = arith.constant 50 : i32
      %lt3A_760 = arith.cmpi slt, %add3A_759, %lt3A : i32
      %convert_element_type3A_761 = arith.extui %lt3A_760 : i1 to i32
      %cond3A_762 = arith.constant 0 : i32
      %cond3A_763 = arith.cmpi ne, %convert_element_type3A_761, %cond3A_762 : i32
      scf.if %cond3A_763 {
        %add3A_1027 = arith.constant 2 : i32
        %add3A_1028 = arith.addi %add3A_506, %add3A_1027 : i32
        %jit3A = arith.constant 8 : i32
        %div3A = arith.divsi %add3A_1028, %jit3A : i32
        %sign3A = arith.constant 0 : i32
        %sign3A_1029 = arith.cmpi sgt, %add3A_1028, %sign3A : i32
        %sign3A_1030 = arith.extui %sign3A_1029 : i1 to i32
        %sign3A_1031 = arith.constant 0 : i32
        %sign3A_1032 = arith.cmpi slt, %add3A_1028, %sign3A_1031 : i32
        %sign3A_1033 = arith.extui %sign3A_1032 : i1 to i32
        %sign3A_1034 = arith.subi %sign3A_1030, %sign3A_1033 : i32
        %sign3A_1035 = arith.constant 0 : i32
        %sign3A_1036 = arith.cmpi sgt, %jit3A, %sign3A_1035 : i32
        %sign3A_1037 = arith.extui %sign3A_1036 : i1 to i32
        %sign3A_1038 = arith.constant 0 : i32
        %sign3A_1039 = arith.cmpi slt, %jit3A, %sign3A_1038 : i32
        %sign3A_1040 = arith.extui %sign3A_1039 : i1 to i32
        %sign3A_1041 = arith.subi %sign3A_1037, %sign3A_1040 : i32
        %ne3A = arith.cmpi ne, %sign3A_1034, %sign3A_1041 : i32
        %rem3A = arith.remsi %add3A_1028, %jit3A : i32
        %ne3A_1042 = arith.constant 0 : i32
        %ne3A_1043 = arith.cmpi ne, %rem3A, %ne3A_1042 : i32
        %and3A = arith.andi %ne3A, %ne3A_1043 : i1
        %sub3A = arith.constant 1 : i32
        %sub3A_1044 = arith.subi %div3A, %sub3A : i32
        %select_n3A = arith.select %and3A, %sub3A_1044, %div3A : i32
        %jit3A_1045 = arith.constant 8 : i32
        %eq3A = arith.constant 0 : i32
        %eq3A_1046 = arith.cmpi eq, %jit3A_1045, %eq3A : i32
        %jit3A_1047 = arith.constant 1 : i32
        %select_n3A_1048 = arith.select %eq3A_1046, %jit3A_1047, %jit3A_1045 : i32
        %rem3A_1049 = arith.remsi %add3A_1028, %select_n3A_1048 : i32
        %ne3A_1050 = arith.constant 0 : i32
        %ne3A_1051 = arith.cmpi ne, %rem3A_1049, %ne3A_1050 : i32
        %lt3A_1052 = arith.constant 0 : i32
        %lt3A_1053 = arith.cmpi slt, %rem3A_1049, %lt3A_1052 : i32
        %lt3A_1054 = arith.constant 0 : i32
        %lt3A_1055 = arith.cmpi slt, %select_n3A_1048, %lt3A_1054 : i32
        %ne3A_1056 = arith.xori %lt3A_1053, %lt3A_1055 : i1
        %and3A_1057 = arith.andi %ne3A_1056, %ne3A_1051 : i1
        %add3A_1058 = arith.addi %rem3A_1049, %select_n3A_1048 : i32
        %select_n3A_1059 = arith.select %and3A_1057, %add3A_1058, %rem3A_1049 : i32
        "tpu.region"() ({
          %run_scoped3A_1300 = tpu.sem_alloc : memref<!tpu.dma_semaphore, #tpu.memory_space<semaphore_mem>>
          %dma_start3A_1301 = arith.constant 0 : i32
          %dma_start3A_1302 = arith.constant 0 : i32
          %dma_start3A_1303 = tpu.memref_slice %arg2[%dma_start3A_1301, %select_n3A, %add3A, %select_n3A_1059, %dma_start3A_1302] : memref<20x7x32x8x128xi32, #tpu.memory_space<hbm>> -> memref<20x1x1x1x128xi32, #tpu.memory_space<hbm>>
          %dma_start3A_1304 = tpu.memref_squeeze %dma_start3A_1303 : memref<20x1x1x1x128xi32, #tpu.memory_space<hbm>> -> memref<20x128xi32, #tpu.memory_space<hbm>>
          %dma_start3A_1305 = arith.constant 0 : i32
          %dma_start3A_1306 = arith.constant 0 : i32
          %dma_start3A_1307 = tpu.memref_slice %arg2[%dma_start3A_1305, %select_n3A, %add3A, %select_n3A_1059, %dma_start3A_1306] : memref<20x7x32x8x128xi32, #tpu.memory_space<hbm>> -> memref<20x1x1x1x128xi32, #tpu.memory_space<hbm>>
          %dma_start3A_1308 = tpu.memref_squeeze %dma_start3A_1307 : memref<20x1x1x1x128xi32, #tpu.memory_space<hbm>> -> memref<20x128xi32, #tpu.memory_space<hbm>>
          tpu.enqueue_dma source(%dma_start3A_1308 : memref<20x128xi32, #tpu.memory_space<hbm>>) target(%arg5 : memref<20x128xi32, #tpu.memory_space<vmem>>) target_semaphore(%run_scoped3A_1300 : memref<!tpu.dma_semaphore, #tpu.memory_space<semaphore_mem>>)
          %dma_wait3A_1309 = arith.constant 0 : i32
          %dma_wait3A_1310 = arith.constant 0 : i32
          %dma_wait3A_1311 = tpu.memref_slice %arg2[%dma_wait3A_1309, %select_n3A, %add3A, %select_n3A_1059, %dma_wait3A_1310] : memref<20x7x32x8x128xi32, #tpu.memory_space<hbm>> -> memref<20x1x1x1x128xi32, #tpu.memory_space<hbm>>
          %dma_wait3A_1312 = tpu.memref_squeeze %dma_wait3A_1311 : memref<20x1x1x1x128xi32, #tpu.memory_space<hbm>> -> memref<20x128xi32, #tpu.memory_space<hbm>>
          %dma_wait3A_1313 = arith.constant 0 : i32
          %dma_wait3A_1314 = arith.constant 0 : i32
          %dma_wait3A_1315 = tpu.memref_slice %arg2[%dma_wait3A_1313, %select_n3A, %add3A, %select_n3A_1059, %dma_wait3A_1314] : memref<20x7x32x8x128xi32, #tpu.memory_space<hbm>> -> memref<20x1x1x1x128xi32, #tpu.memory_space<hbm>>
          %dma_wait3A_1316 = tpu.memref_squeeze %dma_wait3A_1315 : memref<20x1x1x1x128xi32, #tpu.memory_space<hbm>> -> memref<20x128xi32, #tpu.memory_space<hbm>>
          tpu.wait_dma2 semaphore(%run_scoped3A_1300 : memref<!tpu.dma_semaphore, #tpu.memory_space<semaphore_mem>>) src(%dma_wait3A_1316 : memref<20x128xi32, #tpu.memory_space<hbm>>) dst(%arg5 : memref<20x128xi32, #tpu.memory_space<vmem>>)
          tpu.yield
        }) : () -> ()
        %dma_start3A_1060 = arith.constant 0 : i32
        %dma_start3A_1061 = arith.constant 0 : i32
        %dma_start3A_1062 = arith.constant 0 : i32
        %dma_start3A_1063 = arith.constant 0 : i32
        %dma_start3A_1064 = tpu.memref_slice %arg7[%dma_start3A_1061, %dma_start3A_1062, %dma_start3A_1063] : memref<20x128x16xf32, #tpu.memory_space<vmem>> -> memref<1x128x16xf32, #tpu.memory_space<vmem>>
        %dma_start3A_1065 = tpu.memref_squeeze %dma_start3A_1064 : memref<1x128x16xf32, #tpu.memory_space<vmem>> -> memref<128x16xf32, #tpu.memory_space<vmem>>
        %dma_start3A_1066 = arith.constant 0 : i32
        %dma_start3A_1067 = tpu.memref_slice %arg5[%dma_start3A_1060, %dma_start3A_1066] : memref<20x128xi32, #tpu.memory_space<vmem>> -> memref<1x128xi32, #tpu.memory_space<vmem>>
        %dma_start3A_1068 = tpu.memref_squeeze %dma_start3A_1067 : memref<1x128xi32, #tpu.memory_space<vmem>> -> memref<128xi32, #tpu.memory_space<vmem>>
        %dma_start3A_1069 = arith.constant 0 : i32
        %dma_start3A_1070 = arith.constant 0 : i32
        %dma_start3A_1071 = tpu.memref_slice %arg3[%dma_start3A_1069, %dma_start3A_1070] : memref<1000000x16xf32, #tpu.memory_space<hbm>> -> memref<1000000x16xf32, #tpu.memory_space<hbm>>
        tpu.enqueue_indirect_dma source(%dma_start3A_1071 : memref<1000000x16xf32, #tpu.memory_space<hbm>>) target(%dma_start3A_1065 : memref<128x16xf32, #tpu.memory_space<vmem>>) offsets(%dma_start3A_1068 : memref<128xi32, #tpu.memory_space<vmem>>) semaphore(%arg11 : memref<!tpu.dma_semaphore, #tpu.memory_space<semaphore_mem>>)
        %dma_start3A_1072 = arith.constant 1 : i32
        %dma_start3A_1073 = arith.constant 1 : i32
        %dma_start3A_1074 = arith.constant 0 : i32
        %dma_start3A_1075 = arith.constant 0 : i32
        %dma_start3A_1076 = tpu.memref_slice %arg7[%dma_start3A_1073, %dma_start3A_1074, %dma_start3A_1075] : memref<20x128x16xf32, #tpu.memory_space<vmem>> -> memref<1x128x16xf32, #tpu.memory_space<vmem>>
        %dma_start3A_1077 = tpu.memref_squeeze %dma_start3A_1076 : memref<1x128x16xf32, #tpu.memory_space<vmem>> -> memref<128x16xf32, #tpu.memory_space<vmem>>
        %dma_start3A_1078 = arith.constant 0 : i32
        %dma_start3A_1079 = tpu.memref_slice %arg5[%dma_start3A_1072, %dma_start3A_1078] : memref<20x128xi32, #tpu.memory_space<vmem>> -> memref<1x128xi32, #tpu.memory_space<vmem>>
        %dma_start3A_1080 = tpu.memref_squeeze %dma_start3A_1079 : memref<1x128xi32, #tpu.memory_space<vmem>> -> memref<128xi32, #tpu.memory_space<vmem>>
        %dma_start3A_1081 = arith.constant 0 : i32
        %dma_start3A_1082 = arith.constant 0 : i32
        %dma_start3A_1083 = tpu.memref_slice %arg3[%dma_start3A_1081, %dma_start3A_1082] : memref<1000000x16xf32, #tpu.memory_space<hbm>> -> memref<1000000x16xf32, #tpu.memory_space<hbm>>
        tpu.enqueue_indirect_dma source(%dma_start3A_1083 : memref<1000000x16xf32, #tpu.memory_space<hbm>>) target(%dma_start3A_1077 : memref<128x16xf32, #tpu.memory_space<vmem>>) offsets(%dma_start3A_1080 : memref<128xi32, #tpu.memory_space<vmem>>) semaphore(%arg11 : memref<!tpu.dma_semaphore, #tpu.memory_space<semaphore_mem>>)
        %dma_start3A_1084 = arith.constant 2 : i32
        %dma_start3A_1085 = arith.constant 2 : i32
        %dma_start3A_1086 = arith.constant 0 : i32
        %dma_start3A_1087 = arith.constant 0 : i32
        %dma_start3A_1088 = tpu.memref_slice %arg7[%dma_start3A_1085, %dma_start3A_1086, %dma_start3A_1087] : memref<20x128x16xf32, #tpu.memory_space<vmem>> -> memref<1x128x16xf32, #tpu.memory_space<vmem>>
        %dma_start3A_1089 = tpu.memref_squeeze %dma_start3A_1088 : memref<1x128x16xf32, #tpu.memory_space<vmem>> -> memref<128x16xf32, #tpu.memory_space<vmem>>
        %dma_start3A_1090 = arith.constant 0 : i32
        %dma_start3A_1091 = tpu.memref_slice %arg5[%dma_start3A_1084, %dma_start3A_1090] : memref<20x128xi32, #tpu.memory_space<vmem>> -> memref<1x128xi32, #tpu.memory_space<vmem>>
        %dma_start3A_1092 = tpu.memref_squeeze %dma_start3A_1091 : memref<1x128xi32, #tpu.memory_space<vmem>> -> memref<128xi32, #tpu.memory_space<vmem>>
        %dma_start3A_1093 = arith.constant 0 : i32
        %dma_start3A_1094 = arith.constant 0 : i32
        %dma_start3A_1095 = tpu.memref_slice %arg3[%dma_start3A_1093, %dma_start3A_1094] : memref<1000000x16xf32, #tpu.memory_space<hbm>> -> memref<1000000x16xf32, #tpu.memory_space<hbm>>
        tpu.enqueue_indirect_dma source(%dma_start3A_1095 : memref<1000000x16xf32, #tpu.memory_space<hbm>>) target(%dma_start3A_1089 : memref<128x16xf32, #tpu.memory_space<vmem>>) offsets(%dma_start3A_1092 : memref<128xi32, #tpu.memory_space<vmem>>) semaphore(%arg11 : memref<!tpu.dma_semaphore, #tpu.memory_space<semaphore_mem>>)
        %dma_start3A_1096 = arith.constant 3 : i32
        %dma_start3A_1097 = arith.constant 3 : i32
        %dma_start3A_1098 = arith.constant 0 : i32
        %dma_start3A_1099 = arith.constant 0 : i32
        %dma_start3A_1100 = tpu.memref_slice %arg7[%dma_start3A_1097, %dma_start3A_1098, %dma_start3A_1099] : memref<20x128x16xf32, #tpu.memory_space<vmem>> -> memref<1x128x16xf32, #tpu.memory_space<vmem>>
        %dma_start3A_1101 = tpu.memref_squeeze %dma_start3A_1100 : memref<1x128x16xf32, #tpu.memory_space<vmem>> -> memref<128x16xf32, #tpu.memory_space<vmem>>
        %dma_start3A_1102 = arith.constant 0 : i32
        %dma_start3A_1103 = tpu.memref_slice %arg5[%dma_start3A_1096, %dma_start3A_1102] : memref<20x128xi32, #tpu.memory_space<vmem>> -> memref<1x128xi32, #tpu.memory_space<vmem>>
        %dma_start3A_1104 = tpu.memref_squeeze %dma_start3A_1103 : memref<1x128xi32, #tpu.memory_space<vmem>> -> memref<128xi32, #tpu.memory_space<vmem>>
        %dma_start3A_1105 = arith.constant 0 : i32
        %dma_start3A_1106 = arith.constant 0 : i32
        %dma_start3A_1107 = tpu.memref_slice %arg3[%dma_start3A_1105, %dma_start3A_1106] : memref<1000000x16xf32, #tpu.memory_space<hbm>> -> memref<1000000x16xf32, #tpu.memory_space<hbm>>
        tpu.enqueue_indirect_dma source(%dma_start3A_1107 : memref<1000000x16xf32, #tpu.memory_space<hbm>>) target(%dma_start3A_1101 : memref<128x16xf32, #tpu.memory_space<vmem>>) offsets(%dma_start3A_1104 : memref<128xi32, #tpu.memory_space<vmem>>) semaphore(%arg11 : memref<!tpu.dma_semaphore, #tpu.memory_space<semaphore_mem>>)
        %dma_start3A_1108 = arith.constant 4 : i32
        %dma_start3A_1109 = arith.constant 4 : i32
        %dma_start3A_1110 = arith.constant 0 : i32
        %dma_start3A_1111 = arith.constant 0 : i32
        %dma_start3A_1112 = tpu.memref_slice %arg7[%dma_start3A_1109, %dma_start3A_1110, %dma_start3A_1111] : memref<20x128x16xf32, #tpu.memory_space<vmem>> -> memref<1x128x16xf32, #tpu.memory_space<vmem>>
        %dma_start3A_1113 = tpu.memref_squeeze %dma_start3A_1112 : memref<1x128x16xf32, #tpu.memory_space<vmem>> -> memref<128x16xf32, #tpu.memory_space<vmem>>
        %dma_start3A_1114 = arith.constant 0 : i32
        %dma_start3A_1115 = tpu.memref_slice %arg5[%dma_start3A_1108, %dma_start3A_1114] : memref<20x128xi32, #tpu.memory_space<vmem>> -> memref<1x128xi32, #tpu.memory_space<vmem>>
        %dma_start3A_1116 = tpu.memref_squeeze %dma_start3A_1115 : memref<1x128xi32, #tpu.memory_space<vmem>> -> memref<128xi32, #tpu.memory_space<vmem>>
        %dma_start3A_1117 = arith.constant 0 : i32
        %dma_start3A_1118 = arith.constant 0 : i32
        %dma_start3A_1119 = tpu.memref_slice %arg3[%dma_start3A_1117, %dma_start3A_1118] : memref<1000000x16xf32, #tpu.memory_space<hbm>> -> memref<1000000x16xf32, #tpu.memory_space<hbm>>
        tpu.enqueue_indirect_dma source(%dma_start3A_1119 : memref<1000000x16xf32, #tpu.memory_space<hbm>>) target(%dma_start3A_1113 : memref<128x16xf32, #tpu.memory_space<vmem>>) offsets(%dma_start3A_1116 : memref<128xi32, #tpu.memory_space<vmem>>) semaphore(%arg11 : memref<!tpu.dma_semaphore, #tpu.memory_space<semaphore_mem>>)
        %dma_start3A_1120 = arith.constant 5 : i32
        %dma_start3A_1121 = arith.constant 5 : i32
        %dma_start3A_1122 = arith.constant 0 : i32
        %dma_start3A_1123 = arith.constant 0 : i32
        %dma_start3A_1124 = tpu.memref_slice %arg7[%dma_start3A_1121, %dma_start3A_1122, %dma_start3A_1123] : memref<20x128x16xf32, #tpu.memory_space<vmem>> -> memref<1x128x16xf32, #tpu.memory_space<vmem>>
        %dma_start3A_1125 = tpu.memref_squeeze %dma_start3A_1124 : memref<1x128x16xf32, #tpu.memory_space<vmem>> -> memref<128x16xf32, #tpu.memory_space<vmem>>
        %dma_start3A_1126 = arith.constant 0 : i32
        %dma_start3A_1127 = tpu.memref_slice %arg5[%dma_start3A_1120, %dma_start3A_1126] : memref<20x128xi32, #tpu.memory_space<vmem>> -> memref<1x128xi32, #tpu.memory_space<vmem>>
        %dma_start3A_1128 = tpu.memref_squeeze %dma_start3A_1127 : memref<1x128xi32, #tpu.memory_space<vmem>> -> memref<128xi32, #tpu.memory_space<vmem>>
        %dma_start3A_1129 = arith.constant 0 : i32
        %dma_start3A_1130 = arith.constant 0 : i32
        %dma_start3A_1131 = tpu.memref_slice %arg3[%dma_start3A_1129, %dma_start3A_1130] : memref<1000000x16xf32, #tpu.memory_space<hbm>> -> memref<1000000x16xf32, #tpu.memory_space<hbm>>
        tpu.enqueue_indirect_dma source(%dma_start3A_1131 : memref<1000000x16xf32, #tpu.memory_space<hbm>>) target(%dma_start3A_1125 : memref<128x16xf32, #tpu.memory_space<vmem>>) offsets(%dma_start3A_1128 : memref<128xi32, #tpu.memory_space<vmem>>) semaphore(%arg11 : memref<!tpu.dma_semaphore, #tpu.memory_space<semaphore_mem>>)
        %dma_start3A_1132 = arith.constant 6 : i32
        %dma_start3A_1133 = arith.constant 6 : i32
        %dma_start3A_1134 = arith.constant 0 : i32
        %dma_start3A_1135 = arith.constant 0 : i32
        %dma_start3A_1136 = tpu.memref_slice %arg7[%dma_start3A_1133, %dma_start3A_1134, %dma_start3A_1135] : memref<20x128x16xf32, #tpu.memory_space<vmem>> -> memref<1x128x16xf32, #tpu.memory_space<vmem>>
        %dma_start3A_1137 = tpu.memref_squeeze %dma_start3A_1136 : memref<1x128x16xf32, #tpu.memory_space<vmem>> -> memref<128x16xf32, #tpu.memory_space<vmem>>
        %dma_start3A_1138 = arith.constant 0 : i32
        %dma_start3A_1139 = tpu.memref_slice %arg5[%dma_start3A_1132, %dma_start3A_1138] : memref<20x128xi32, #tpu.memory_space<vmem>> -> memref<1x128xi32, #tpu.memory_space<vmem>>
        %dma_start3A_1140 = tpu.memref_squeeze %dma_start3A_1139 : memref<1x128xi32, #tpu.memory_space<vmem>> -> memref<128xi32, #tpu.memory_space<vmem>>
        %dma_start3A_1141 = arith.constant 0 : i32
        %dma_start3A_1142 = arith.constant 0 : i32
        %dma_start3A_1143 = tpu.memref_slice %arg3[%dma_start3A_1141, %dma_start3A_1142] : memref<1000000x16xf32, #tpu.memory_space<hbm>> -> memref<1000000x16xf32, #tpu.memory_space<hbm>>
        tpu.enqueue_indirect_dma source(%dma_start3A_1143 : memref<1000000x16xf32, #tpu.memory_space<hbm>>) target(%dma_start3A_1137 : memref<128x16xf32, #tpu.memory_space<vmem>>) offsets(%dma_start3A_1140 : memref<128xi32, #tpu.memory_space<vmem>>) semaphore(%arg11 : memref<!tpu.dma_semaphore, #tpu.memory_space<semaphore_mem>>)
        %dma_start3A_1144 = arith.constant 7 : i32
        %dma_start3A_1145 = arith.constant 7 : i32
        %dma_start3A_1146 = arith.constant 0 : i32
        %dma_start3A_1147 = arith.constant 0 : i32
        %dma_start3A_1148 = tpu.memref_slice %arg7[%dma_start3A_1145, %dma_start3A_1146, %dma_start3A_1147] : memref<20x128x16xf32, #tpu.memory_space<vmem>> -> memref<1x128x16xf32, #tpu.memory_space<vmem>>
        %dma_start3A_1149 = tpu.memref_squeeze %dma_start3A_1148 : memref<1x128x16xf32, #tpu.memory_space<vmem>> -> memref<128x16xf32, #tpu.memory_space<vmem>>
        %dma_start3A_1150 = arith.constant 0 : i32
        %dma_start3A_1151 = tpu.memref_slice %arg5[%dma_start3A_1144, %dma_start3A_1150] : memref<20x128xi32, #tpu.memory_space<vmem>> -> memref<1x128xi32, #tpu.memory_space<vmem>>
        %dma_start3A_1152 = tpu.memref_squeeze %dma_start3A_1151 : memref<1x128xi32, #tpu.memory_space<vmem>> -> memref<128xi32, #tpu.memory_space<vmem>>
        %dma_start3A_1153 = arith.constant 0 : i32
        %dma_start3A_1154 = arith.constant 0 : i32
        %dma_start3A_1155 = tpu.memref_slice %arg3[%dma_start3A_1153, %dma_start3A_1154] : memref<1000000x16xf32, #tpu.memory_space<hbm>> -> memref<1000000x16xf32, #tpu.memory_space<hbm>>
        tpu.enqueue_indirect_dma source(%dma_start3A_1155 : memref<1000000x16xf32, #tpu.memory_space<hbm>>) target(%dma_start3A_1149 : memref<128x16xf32, #tpu.memory_space<vmem>>) offsets(%dma_start3A_1152 : memref<128xi32, #tpu.memory_space<vmem>>) semaphore(%arg11 : memref<!tpu.dma_semaphore, #tpu.memory_space<semaphore_mem>>)
        %dma_start3A_1156 = arith.constant 8 : i32
        %dma_start3A_1157 = arith.constant 8 : i32
        %dma_start3A_1158 = arith.constant 0 : i32
        %dma_start3A_1159 = arith.constant 0 : i32
        %dma_start3A_1160 = tpu.memref_slice %arg7[%dma_start3A_1157, %dma_start3A_1158, %dma_start3A_1159] : memref<20x128x16xf32, #tpu.memory_space<vmem>> -> memref<1x128x16xf32, #tpu.memory_space<vmem>>
        %dma_start3A_1161 = tpu.memref_squeeze %dma_start3A_1160 : memref<1x128x16xf32, #tpu.memory_space<vmem>> -> memref<128x16xf32, #tpu.memory_space<vmem>>
        %dma_start3A_1162 = arith.constant 0 : i32
        %dma_start3A_1163 = tpu.memref_slice %arg5[%dma_start3A_1156, %dma_start3A_1162] : memref<20x128xi32, #tpu.memory_space<vmem>> -> memref<1x128xi32, #tpu.memory_space<vmem>>
        %dma_start3A_1164 = tpu.memref_squeeze %dma_start3A_1163 : memref<1x128xi32, #tpu.memory_space<vmem>> -> memref<128xi32, #tpu.memory_space<vmem>>
        %dma_start3A_1165 = arith.constant 0 : i32
        %dma_start3A_1166 = arith.constant 0 : i32
        %dma_start3A_1167 = tpu.memref_slice %arg3[%dma_start3A_1165, %dma_start3A_1166] : memref<1000000x16xf32, #tpu.memory_space<hbm>> -> memref<1000000x16xf32, #tpu.memory_space<hbm>>
        tpu.enqueue_indirect_dma source(%dma_start3A_1167 : memref<1000000x16xf32, #tpu.memory_space<hbm>>) target(%dma_start3A_1161 : memref<128x16xf32, #tpu.memory_space<vmem>>) offsets(%dma_start3A_1164 : memref<128xi32, #tpu.memory_space<vmem>>) semaphore(%arg11 : memref<!tpu.dma_semaphore, #tpu.memory_space<semaphore_mem>>)
        %dma_start3A_1168 = arith.constant 9 : i32
        %dma_start3A_1169 = arith.constant 9 : i32
        %dma_start3A_1170 = arith.constant 0 : i32
        %dma_start3A_1171 = arith.constant 0 : i32
        %dma_start3A_1172 = tpu.memref_slice %arg7[%dma_start3A_1169, %dma_start3A_1170, %dma_start3A_1171] : memref<20x128x16xf32, #tpu.memory_space<vmem>> -> memref<1x128x16xf32, #tpu.memory_space<vmem>>
        %dma_start3A_1173 = tpu.memref_squeeze %dma_start3A_1172 : memref<1x128x16xf32, #tpu.memory_space<vmem>> -> memref<128x16xf32, #tpu.memory_space<vmem>>
        %dma_start3A_1174 = arith.constant 0 : i32
        %dma_start3A_1175 = tpu.memref_slice %arg5[%dma_start3A_1168, %dma_start3A_1174] : memref<20x128xi32, #tpu.memory_space<vmem>> -> memref<1x128xi32, #tpu.memory_space<vmem>>
        %dma_start3A_1176 = tpu.memref_squeeze %dma_start3A_1175 : memref<1x128xi32, #tpu.memory_space<vmem>> -> memref<128xi32, #tpu.memory_space<vmem>>
        %dma_start3A_1177 = arith.constant 0 : i32
        %dma_start3A_1178 = arith.constant 0 : i32
        %dma_start3A_1179 = tpu.memref_slice %arg3[%dma_start3A_1177, %dma_start3A_1178] : memref<1000000x16xf32, #tpu.memory_space<hbm>> -> memref<1000000x16xf32, #tpu.memory_space<hbm>>
        tpu.enqueue_indirect_dma source(%dma_start3A_1179 : memref<1000000x16xf32, #tpu.memory_space<hbm>>) target(%dma_start3A_1173 : memref<128x16xf32, #tpu.memory_space<vmem>>) offsets(%dma_start3A_1176 : memref<128xi32, #tpu.memory_space<vmem>>) semaphore(%arg11 : memref<!tpu.dma_semaphore, #tpu.memory_space<semaphore_mem>>)
        %dma_start3A_1180 = arith.constant 10 : i32
        %dma_start3A_1181 = arith.constant 10 : i32
        %dma_start3A_1182 = arith.constant 0 : i32
        %dma_start3A_1183 = arith.constant 0 : i32
        %dma_start3A_1184 = tpu.memref_slice %arg7[%dma_start3A_1181, %dma_start3A_1182, %dma_start3A_1183] : memref<20x128x16xf32, #tpu.memory_space<vmem>> -> memref<1x128x16xf32, #tpu.memory_space<vmem>>
        %dma_start3A_1185 = tpu.memref_squeeze %dma_start3A_1184 : memref<1x128x16xf32, #tpu.memory_space<vmem>> -> memref<128x16xf32, #tpu.memory_space<vmem>>
        %dma_start3A_1186 = arith.constant 0 : i32
        %dma_start3A_1187 = tpu.memref_slice %arg5[%dma_start3A_1180, %dma_start3A_1186] : memref<20x128xi32, #tpu.memory_space<vmem>> -> memref<1x128xi32, #tpu.memory_space<vmem>>
        %dma_start3A_1188 = tpu.memref_squeeze %dma_start3A_1187 : memref<1x128xi32, #tpu.memory_space<vmem>> -> memref<128xi32, #tpu.memory_space<vmem>>
        %dma_start3A_1189 = arith.constant 0 : i32
        %dma_start3A_1190 = arith.constant 0 : i32
        %dma_start3A_1191 = tpu.memref_slice %arg3[%dma_start3A_1189, %dma_start3A_1190] : memref<1000000x16xf32, #tpu.memory_space<hbm>> -> memref<1000000x16xf32, #tpu.memory_space<hbm>>
        tpu.enqueue_indirect_dma source(%dma_start3A_1191 : memref<1000000x16xf32, #tpu.memory_space<hbm>>) target(%dma_start3A_1185 : memref<128x16xf32, #tpu.memory_space<vmem>>) offsets(%dma_start3A_1188 : memref<128xi32, #tpu.memory_space<vmem>>) semaphore(%arg11 : memref<!tpu.dma_semaphore, #tpu.memory_space<semaphore_mem>>)
        %dma_start3A_1192 = arith.constant 11 : i32
        %dma_start3A_1193 = arith.constant 11 : i32
        %dma_start3A_1194 = arith.constant 0 : i32
        %dma_start3A_1195 = arith.constant 0 : i32
        %dma_start3A_1196 = tpu.memref_slice %arg7[%dma_start3A_1193, %dma_start3A_1194, %dma_start3A_1195] : memref<20x128x16xf32, #tpu.memory_space<vmem>> -> memref<1x128x16xf32, #tpu.memory_space<vmem>>
        %dma_start3A_1197 = tpu.memref_squeeze %dma_start3A_1196 : memref<1x128x16xf32, #tpu.memory_space<vmem>> -> memref<128x16xf32, #tpu.memory_space<vmem>>
        %dma_start3A_1198 = arith.constant 0 : i32
        %dma_start3A_1199 = tpu.memref_slice %arg5[%dma_start3A_1192, %dma_start3A_1198] : memref<20x128xi32, #tpu.memory_space<vmem>> -> memref<1x128xi32, #tpu.memory_space<vmem>>
        %dma_start3A_1200 = tpu.memref_squeeze %dma_start3A_1199 : memref<1x128xi32, #tpu.memory_space<vmem>> -> memref<128xi32, #tpu.memory_space<vmem>>
        %dma_start3A_1201 = arith.constant 0 : i32
        %dma_start3A_1202 = arith.constant 0 : i32
        %dma_start3A_1203 = tpu.memref_slice %arg3[%dma_start3A_1201, %dma_start3A_1202] : memref<1000000x16xf32, #tpu.memory_space<hbm>> -> memref<1000000x16xf32, #tpu.memory_space<hbm>>
        tpu.enqueue_indirect_dma source(%dma_start3A_1203 : memref<1000000x16xf32, #tpu.memory_space<hbm>>) target(%dma_start3A_1197 : memref<128x16xf32, #tpu.memory_space<vmem>>) offsets(%dma_start3A_1200 : memref<128xi32, #tpu.memory_space<vmem>>) semaphore(%arg11 : memref<!tpu.dma_semaphore, #tpu.memory_space<semaphore_mem>>)
        %dma_start3A_1204 = arith.constant 12 : i32
        %dma_start3A_1205 = arith.constant 12 : i32
        %dma_start3A_1206 = arith.constant 0 : i32
        %dma_start3A_1207 = arith.constant 0 : i32
        %dma_start3A_1208 = tpu.memref_slice %arg7[%dma_start3A_1205, %dma_start3A_1206, %dma_start3A_1207] : memref<20x128x16xf32, #tpu.memory_space<vmem>> -> memref<1x128x16xf32, #tpu.memory_space<vmem>>
        %dma_start3A_1209 = tpu.memref_squeeze %dma_start3A_1208 : memref<1x128x16xf32, #tpu.memory_space<vmem>> -> memref<128x16xf32, #tpu.memory_space<vmem>>
        %dma_start3A_1210 = arith.constant 0 : i32
        %dma_start3A_1211 = tpu.memref_slice %arg5[%dma_start3A_1204, %dma_start3A_1210] : memref<20x128xi32, #tpu.memory_space<vmem>> -> memref<1x128xi32, #tpu.memory_space<vmem>>
        %dma_start3A_1212 = tpu.memref_squeeze %dma_start3A_1211 : memref<1x128xi32, #tpu.memory_space<vmem>> -> memref<128xi32, #tpu.memory_space<vmem>>
        %dma_start3A_1213 = arith.constant 0 : i32
        %dma_start3A_1214 = arith.constant 0 : i32
        %dma_start3A_1215 = tpu.memref_slice %arg3[%dma_start3A_1213, %dma_start3A_1214] : memref<1000000x16xf32, #tpu.memory_space<hbm>> -> memref<1000000x16xf32, #tpu.memory_space<hbm>>
        tpu.enqueue_indirect_dma source(%dma_start3A_1215 : memref<1000000x16xf32, #tpu.memory_space<hbm>>) target(%dma_start3A_1209 : memref<128x16xf32, #tpu.memory_space<vmem>>) offsets(%dma_start3A_1212 : memref<128xi32, #tpu.memory_space<vmem>>) semaphore(%arg11 : memref<!tpu.dma_semaphore, #tpu.memory_space<semaphore_mem>>)
        %dma_start3A_1216 = arith.constant 13 : i32
        %dma_start3A_1217 = arith.constant 13 : i32
        %dma_start3A_1218 = arith.constant 0 : i32
        %dma_start3A_1219 = arith.constant 0 : i32
        %dma_start3A_1220 = tpu.memref_slice %arg7[%dma_start3A_1217, %dma_start3A_1218, %dma_start3A_1219] : memref<20x128x16xf32, #tpu.memory_space<vmem>> -> memref<1x128x16xf32, #tpu.memory_space<vmem>>
        %dma_start3A_1221 = tpu.memref_squeeze %dma_start3A_1220 : memref<1x128x16xf32, #tpu.memory_space<vmem>> -> memref<128x16xf32, #tpu.memory_space<vmem>>
        %dma_start3A_1222 = arith.constant 0 : i32
        %dma_start3A_1223 = tpu.memref_slice %arg5[%dma_start3A_1216, %dma_start3A_1222] : memref<20x128xi32, #tpu.memory_space<vmem>> -> memref<1x128xi32, #tpu.memory_space<vmem>>
        %dma_start3A_1224 = tpu.memref_squeeze %dma_start3A_1223 : memref<1x128xi32, #tpu.memory_space<vmem>> -> memref<128xi32, #tpu.memory_space<vmem>>
        %dma_start3A_1225 = arith.constant 0 : i32
        %dma_start3A_1226 = arith.constant 0 : i32
        %dma_start3A_1227 = tpu.memref_slice %arg3[%dma_start3A_1225, %dma_start3A_1226] : memref<1000000x16xf32, #tpu.memory_space<hbm>> -> memref<1000000x16xf32, #tpu.memory_space<hbm>>
        tpu.enqueue_indirect_dma source(%dma_start3A_1227 : memref<1000000x16xf32, #tpu.memory_space<hbm>>) target(%dma_start3A_1221 : memref<128x16xf32, #tpu.memory_space<vmem>>) offsets(%dma_start3A_1224 : memref<128xi32, #tpu.memory_space<vmem>>) semaphore(%arg11 : memref<!tpu.dma_semaphore, #tpu.memory_space<semaphore_mem>>)
        %dma_start3A_1228 = arith.constant 14 : i32
        %dma_start3A_1229 = arith.constant 14 : i32
        %dma_start3A_1230 = arith.constant 0 : i32
        %dma_start3A_1231 = arith.constant 0 : i32
        %dma_start3A_1232 = tpu.memref_slice %arg7[%dma_start3A_1229, %dma_start3A_1230, %dma_start3A_1231] : memref<20x128x16xf32, #tpu.memory_space<vmem>> -> memref<1x128x16xf32, #tpu.memory_space<vmem>>
        %dma_start3A_1233 = tpu.memref_squeeze %dma_start3A_1232 : memref<1x128x16xf32, #tpu.memory_space<vmem>> -> memref<128x16xf32, #tpu.memory_space<vmem>>
        %dma_start3A_1234 = arith.constant 0 : i32
        %dma_start3A_1235 = tpu.memref_slice %arg5[%dma_start3A_1228, %dma_start3A_1234] : memref<20x128xi32, #tpu.memory_space<vmem>> -> memref<1x128xi32, #tpu.memory_space<vmem>>
        %dma_start3A_1236 = tpu.memref_squeeze %dma_start3A_1235 : memref<1x128xi32, #tpu.memory_space<vmem>> -> memref<128xi32, #tpu.memory_space<vmem>>
        %dma_start3A_1237 = arith.constant 0 : i32
        %dma_start3A_1238 = arith.constant 0 : i32
        %dma_start3A_1239 = tpu.memref_slice %arg3[%dma_start3A_1237, %dma_start3A_1238] : memref<1000000x16xf32, #tpu.memory_space<hbm>> -> memref<1000000x16xf32, #tpu.memory_space<hbm>>
        tpu.enqueue_indirect_dma source(%dma_start3A_1239 : memref<1000000x16xf32, #tpu.memory_space<hbm>>) target(%dma_start3A_1233 : memref<128x16xf32, #tpu.memory_space<vmem>>) offsets(%dma_start3A_1236 : memref<128xi32, #tpu.memory_space<vmem>>) semaphore(%arg11 : memref<!tpu.dma_semaphore, #tpu.memory_space<semaphore_mem>>)
        %dma_start3A_1240 = arith.constant 15 : i32
        %dma_start3A_1241 = arith.constant 15 : i32
        %dma_start3A_1242 = arith.constant 0 : i32
        %dma_start3A_1243 = arith.constant 0 : i32
        %dma_start3A_1244 = tpu.memref_slice %arg7[%dma_start3A_1241, %dma_start3A_1242, %dma_start3A_1243] : memref<20x128x16xf32, #tpu.memory_space<vmem>> -> memref<1x128x16xf32, #tpu.memory_space<vmem>>
        %dma_start3A_1245 = tpu.memref_squeeze %dma_start3A_1244 : memref<1x128x16xf32, #tpu.memory_space<vmem>> -> memref<128x16xf32, #tpu.memory_space<vmem>>
        %dma_start3A_1246 = arith.constant 0 : i32
        %dma_start3A_1247 = tpu.memref_slice %arg5[%dma_start3A_1240, %dma_start3A_1246] : memref<20x128xi32, #tpu.memory_space<vmem>> -> memref<1x128xi32, #tpu.memory_space<vmem>>
        %dma_start3A_1248 = tpu.memref_squeeze %dma_start3A_1247 : memref<1x128xi32, #tpu.memory_space<vmem>> -> memref<128xi32, #tpu.memory_space<vmem>>
        %dma_start3A_1249 = arith.constant 0 : i32
        %dma_start3A_1250 = arith.constant 0 : i32
        %dma_start3A_1251 = tpu.memref_slice %arg3[%dma_start3A_1249, %dma_start3A_1250] : memref<1000000x16xf32, #tpu.memory_space<hbm>> -> memref<1000000x16xf32, #tpu.memory_space<hbm>>
        tpu.enqueue_indirect_dma source(%dma_start3A_1251 : memref<1000000x16xf32, #tpu.memory_space<hbm>>) target(%dma_start3A_1245 : memref<128x16xf32, #tpu.memory_space<vmem>>) offsets(%dma_start3A_1248 : memref<128xi32, #tpu.memory_space<vmem>>) semaphore(%arg11 : memref<!tpu.dma_semaphore, #tpu.memory_space<semaphore_mem>>)
        %dma_start3A_1252 = arith.constant 16 : i32
        %dma_start3A_1253 = arith.constant 16 : i32
        %dma_start3A_1254 = arith.constant 0 : i32
        %dma_start3A_1255 = arith.constant 0 : i32
        %dma_start3A_1256 = tpu.memref_slice %arg7[%dma_start3A_1253, %dma_start3A_1254, %dma_start3A_1255] : memref<20x128x16xf32, #tpu.memory_space<vmem>> -> memref<1x128x16xf32, #tpu.memory_space<vmem>>
        %dma_start3A_1257 = tpu.memref_squeeze %dma_start3A_1256 : memref<1x128x16xf32, #tpu.memory_space<vmem>> -> memref<128x16xf32, #tpu.memory_space<vmem>>
        %dma_start3A_1258 = arith.constant 0 : i32
        %dma_start3A_1259 = tpu.memref_slice %arg5[%dma_start3A_1252, %dma_start3A_1258] : memref<20x128xi32, #tpu.memory_space<vmem>> -> memref<1x128xi32, #tpu.memory_space<vmem>>
        %dma_start3A_1260 = tpu.memref_squeeze %dma_start3A_1259 : memref<1x128xi32, #tpu.memory_space<vmem>> -> memref<128xi32, #tpu.memory_space<vmem>>
        %dma_start3A_1261 = arith.constant 0 : i32
        %dma_start3A_1262 = arith.constant 0 : i32
        %dma_start3A_1263 = tpu.memref_slice %arg3[%dma_start3A_1261, %dma_start3A_1262] : memref<1000000x16xf32, #tpu.memory_space<hbm>> -> memref<1000000x16xf32, #tpu.memory_space<hbm>>
        tpu.enqueue_indirect_dma source(%dma_start3A_1263 : memref<1000000x16xf32, #tpu.memory_space<hbm>>) target(%dma_start3A_1257 : memref<128x16xf32, #tpu.memory_space<vmem>>) offsets(%dma_start3A_1260 : memref<128xi32, #tpu.memory_space<vmem>>) semaphore(%arg11 : memref<!tpu.dma_semaphore, #tpu.memory_space<semaphore_mem>>)
        %dma_start3A_1264 = arith.constant 17 : i32
        %dma_start3A_1265 = arith.constant 17 : i32
        %dma_start3A_1266 = arith.constant 0 : i32
        %dma_start3A_1267 = arith.constant 0 : i32
        %dma_start3A_1268 = tpu.memref_slice %arg7[%dma_start3A_1265, %dma_start3A_1266, %dma_start3A_1267] : memref<20x128x16xf32, #tpu.memory_space<vmem>> -> memref<1x128x16xf32, #tpu.memory_space<vmem>>
        %dma_start3A_1269 = tpu.memref_squeeze %dma_start3A_1268 : memref<1x128x16xf32, #tpu.memory_space<vmem>> -> memref<128x16xf32, #tpu.memory_space<vmem>>
        %dma_start3A_1270 = arith.constant 0 : i32
        %dma_start3A_1271 = tpu.memref_slice %arg5[%dma_start3A_1264, %dma_start3A_1270] : memref<20x128xi32, #tpu.memory_space<vmem>> -> memref<1x128xi32, #tpu.memory_space<vmem>>
        %dma_start3A_1272 = tpu.memref_squeeze %dma_start3A_1271 : memref<1x128xi32, #tpu.memory_space<vmem>> -> memref<128xi32, #tpu.memory_space<vmem>>
        %dma_start3A_1273 = arith.constant 0 : i32
        %dma_start3A_1274 = arith.constant 0 : i32
        %dma_start3A_1275 = tpu.memref_slice %arg3[%dma_start3A_1273, %dma_start3A_1274] : memref<1000000x16xf32, #tpu.memory_space<hbm>> -> memref<1000000x16xf32, #tpu.memory_space<hbm>>
        tpu.enqueue_indirect_dma source(%dma_start3A_1275 : memref<1000000x16xf32, #tpu.memory_space<hbm>>) target(%dma_start3A_1269 : memref<128x16xf32, #tpu.memory_space<vmem>>) offsets(%dma_start3A_1272 : memref<128xi32, #tpu.memory_space<vmem>>) semaphore(%arg11 : memref<!tpu.dma_semaphore, #tpu.memory_space<semaphore_mem>>)
        %dma_start3A_1276 = arith.constant 18 : i32
        %dma_start3A_1277 = arith.constant 18 : i32
        %dma_start3A_1278 = arith.constant 0 : i32
        %dma_start3A_1279 = arith.constant 0 : i32
        %dma_start3A_1280 = tpu.memref_slice %arg7[%dma_start3A_1277, %dma_start3A_1278, %dma_start3A_1279] : memref<20x128x16xf32, #tpu.memory_space<vmem>> -> memref<1x128x16xf32, #tpu.memory_space<vmem>>
        %dma_start3A_1281 = tpu.memref_squeeze %dma_start3A_1280 : memref<1x128x16xf32, #tpu.memory_space<vmem>> -> memref<128x16xf32, #tpu.memory_space<vmem>>
        %dma_start3A_1282 = arith.constant 0 : i32
        %dma_start3A_1283 = tpu.memref_slice %arg5[%dma_start3A_1276, %dma_start3A_1282] : memref<20x128xi32, #tpu.memory_space<vmem>> -> memref<1x128xi32, #tpu.memory_space<vmem>>
        %dma_start3A_1284 = tpu.memref_squeeze %dma_start3A_1283 : memref<1x128xi32, #tpu.memory_space<vmem>> -> memref<128xi32, #tpu.memory_space<vmem>>
        %dma_start3A_1285 = arith.constant 0 : i32
        %dma_start3A_1286 = arith.constant 0 : i32
        %dma_start3A_1287 = tpu.memref_slice %arg3[%dma_start3A_1285, %dma_start3A_1286] : memref<1000000x16xf32, #tpu.memory_space<hbm>> -> memref<1000000x16xf32, #tpu.memory_space<hbm>>
        tpu.enqueue_indirect_dma source(%dma_start3A_1287 : memref<1000000x16xf32, #tpu.memory_space<hbm>>) target(%dma_start3A_1281 : memref<128x16xf32, #tpu.memory_space<vmem>>) offsets(%dma_start3A_1284 : memref<128xi32, #tpu.memory_space<vmem>>) semaphore(%arg11 : memref<!tpu.dma_semaphore, #tpu.memory_space<semaphore_mem>>)
        %dma_start3A_1288 = arith.constant 19 : i32
        %dma_start3A_1289 = arith.constant 19 : i32
        %dma_start3A_1290 = arith.constant 0 : i32
        %dma_start3A_1291 = arith.constant 0 : i32
        %dma_start3A_1292 = tpu.memref_slice %arg7[%dma_start3A_1289, %dma_start3A_1290, %dma_start3A_1291] : memref<20x128x16xf32, #tpu.memory_space<vmem>> -> memref<1x128x16xf32, #tpu.memory_space<vmem>>
        %dma_start3A_1293 = tpu.memref_squeeze %dma_start3A_1292 : memref<1x128x16xf32, #tpu.memory_space<vmem>> -> memref<128x16xf32, #tpu.memory_space<vmem>>
        %dma_start3A_1294 = arith.constant 0 : i32
        %dma_start3A_1295 = tpu.memref_slice %arg5[%dma_start3A_1288, %dma_start3A_1294] : memref<20x128xi32, #tpu.memory_space<vmem>> -> memref<1x128xi32, #tpu.memory_space<vmem>>
        %dma_start3A_1296 = tpu.memref_squeeze %dma_start3A_1295 : memref<1x128xi32, #tpu.memory_space<vmem>> -> memref<128xi32, #tpu.memory_space<vmem>>
        %dma_start3A_1297 = arith.constant 0 : i32
        %dma_start3A_1298 = arith.constant 0 : i32
        %dma_start3A_1299 = tpu.memref_slice %arg3[%dma_start3A_1297, %dma_start3A_1298] : memref<1000000x16xf32, #tpu.memory_space<hbm>> -> memref<1000000x16xf32, #tpu.memory_space<hbm>>
        tpu.enqueue_indirect_dma source(%dma_start3A_1299 : memref<1000000x16xf32, #tpu.memory_space<hbm>>) target(%dma_start3A_1293 : memref<128x16xf32, #tpu.memory_space<vmem>>) offsets(%dma_start3A_1296 : memref<128xi32, #tpu.memory_space<vmem>>) semaphore(%arg11 : memref<!tpu.dma_semaphore, #tpu.memory_space<semaphore_mem>>)
      } else {
      }
      %add3A_764 = arith.constant 1 : i32
      %add3A_765 = arith.addi %add3A_504, %add3A_764 : i32
      %dma_wait3A_766 = arith.constant 0 : i32
      %dma_wait3A_767 = arith.constant 0 : i32
      %dma_wait3A_768 = arith.constant 0 : i32
      %dma_wait3A_769 = arith.constant 0 : i32
      %dma_wait3A_770 = tpu.memref_slice %arg8[%dma_wait3A_767, %dma_wait3A_768, %dma_wait3A_769] : memref<20x128x16xf32, #tpu.memory_space<vmem>> -> memref<1x128x16xf32, #tpu.memory_space<vmem>>
      %dma_wait3A_771 = tpu.memref_squeeze %dma_wait3A_770 : memref<1x128x16xf32, #tpu.memory_space<vmem>> -> memref<128x16xf32, #tpu.memory_space<vmem>>
      %dma_wait3A_772 = arith.constant 0 : i32
      %dma_wait3A_773 = tpu.memref_slice %arg6[%dma_wait3A_766, %dma_wait3A_772] : memref<20x128xi32, #tpu.memory_space<vmem>> -> memref<1x128xi32, #tpu.memory_space<vmem>>
      %dma_wait3A_774 = tpu.memref_squeeze %dma_wait3A_773 : memref<1x128xi32, #tpu.memory_space<vmem>> -> memref<128xi32, #tpu.memory_space<vmem>>
      %dma_wait3A_775 = arith.constant 0 : i32
      %dma_wait3A_776 = arith.constant 0 : i32
      %dma_wait3A_777 = tpu.memref_slice %arg3[%dma_wait3A_775, %dma_wait3A_776] : memref<1000000x16xf32, #tpu.memory_space<hbm>> -> memref<1000000x16xf32, #tpu.memory_space<hbm>>
      tpu.wait_indirect_dma semaphore(%arg12 : memref<!tpu.dma_semaphore, #tpu.memory_space<semaphore_mem>>) src(%dma_wait3A_777 : memref<1000000x16xf32, #tpu.memory_space<hbm>>) dst(%dma_wait3A_771 : memref<128x16xf32, #tpu.memory_space<vmem>>)
      %dma_wait3A_778 = arith.constant 1 : i32
      %dma_wait3A_779 = arith.constant 1 : i32
      %dma_wait3A_780 = arith.constant 0 : i32
      %dma_wait3A_781 = arith.constant 0 : i32
      %dma_wait3A_782 = tpu.memref_slice %arg8[%dma_wait3A_779, %dma_wait3A_780, %dma_wait3A_781] : memref<20x128x16xf32, #tpu.memory_space<vmem>> -> memref<1x128x16xf32, #tpu.memory_space<vmem>>
      %dma_wait3A_783 = tpu.memref_squeeze %dma_wait3A_782 : memref<1x128x16xf32, #tpu.memory_space<vmem>> -> memref<128x16xf32, #tpu.memory_space<vmem>>
      %dma_wait3A_784 = arith.constant 0 : i32
      %dma_wait3A_785 = tpu.memref_slice %arg6[%dma_wait3A_778, %dma_wait3A_784] : memref<20x128xi32, #tpu.memory_space<vmem>> -> memref<1x128xi32, #tpu.memory_space<vmem>>
      %dma_wait3A_786 = tpu.memref_squeeze %dma_wait3A_785 : memref<1x128xi32, #tpu.memory_space<vmem>> -> memref<128xi32, #tpu.memory_space<vmem>>
      %dma_wait3A_787 = arith.constant 0 : i32
      %dma_wait3A_788 = arith.constant 0 : i32
      %dma_wait3A_789 = tpu.memref_slice %arg3[%dma_wait3A_787, %dma_wait3A_788] : memref<1000000x16xf32, #tpu.memory_space<hbm>> -> memref<1000000x16xf32, #tpu.memory_space<hbm>>
      tpu.wait_indirect_dma semaphore(%arg12 : memref<!tpu.dma_semaphore, #tpu.memory_space<semaphore_mem>>) src(%dma_wait3A_789 : memref<1000000x16xf32, #tpu.memory_space<hbm>>) dst(%dma_wait3A_783 : memref<128x16xf32, #tpu.memory_space<vmem>>)
      %dma_wait3A_790 = arith.constant 2 : i32
      %dma_wait3A_791 = arith.constant 2 : i32
      %dma_wait3A_792 = arith.constant 0 : i32
      %dma_wait3A_793 = arith.constant 0 : i32
      %dma_wait3A_794 = tpu.memref_slice %arg8[%dma_wait3A_791, %dma_wait3A_792, %dma_wait3A_793] : memref<20x128x16xf32, #tpu.memory_space<vmem>> -> memref<1x128x16xf32, #tpu.memory_space<vmem>>
      %dma_wait3A_795 = tpu.memref_squeeze %dma_wait3A_794 : memref<1x128x16xf32, #tpu.memory_space<vmem>> -> memref<128x16xf32, #tpu.memory_space<vmem>>
      %dma_wait3A_796 = arith.constant 0 : i32
      %dma_wait3A_797 = tpu.memref_slice %arg6[%dma_wait3A_790, %dma_wait3A_796] : memref<20x128xi32, #tpu.memory_space<vmem>> -> memref<1x128xi32, #tpu.memory_space<vmem>>
      %dma_wait3A_798 = tpu.memref_squeeze %dma_wait3A_797 : memref<1x128xi32, #tpu.memory_space<vmem>> -> memref<128xi32, #tpu.memory_space<vmem>>
      %dma_wait3A_799 = arith.constant 0 : i32
      %dma_wait3A_800 = arith.constant 0 : i32
      %dma_wait3A_801 = tpu.memref_slice %arg3[%dma_wait3A_799, %dma_wait3A_800] : memref<1000000x16xf32, #tpu.memory_space<hbm>> -> memref<1000000x16xf32, #tpu.memory_space<hbm>>
      tpu.wait_indirect_dma semaphore(%arg12 : memref<!tpu.dma_semaphore, #tpu.memory_space<semaphore_mem>>) src(%dma_wait3A_801 : memref<1000000x16xf32, #tpu.memory_space<hbm>>) dst(%dma_wait3A_795 : memref<128x16xf32, #tpu.memory_space<vmem>>)
      %dma_wait3A_802 = arith.constant 3 : i32
      %dma_wait3A_803 = arith.constant 3 : i32
      %dma_wait3A_804 = arith.constant 0 : i32
      %dma_wait3A_805 = arith.constant 0 : i32
      %dma_wait3A_806 = tpu.memref_slice %arg8[%dma_wait3A_803, %dma_wait3A_804, %dma_wait3A_805] : memref<20x128x16xf32, #tpu.memory_space<vmem>> -> memref<1x128x16xf32, #tpu.memory_space<vmem>>
      %dma_wait3A_807 = tpu.memref_squeeze %dma_wait3A_806 : memref<1x128x16xf32, #tpu.memory_space<vmem>> -> memref<128x16xf32, #tpu.memory_space<vmem>>
      %dma_wait3A_808 = arith.constant 0 : i32
      %dma_wait3A_809 = tpu.memref_slice %arg6[%dma_wait3A_802, %dma_wait3A_808] : memref<20x128xi32, #tpu.memory_space<vmem>> -> memref<1x128xi32, #tpu.memory_space<vmem>>
      %dma_wait3A_810 = tpu.memref_squeeze %dma_wait3A_809 : memref<1x128xi32, #tpu.memory_space<vmem>> -> memref<128xi32, #tpu.memory_space<vmem>>
      %dma_wait3A_811 = arith.constant 0 : i32
      %dma_wait3A_812 = arith.constant 0 : i32
      %dma_wait3A_813 = tpu.memref_slice %arg3[%dma_wait3A_811, %dma_wait3A_812] : memref<1000000x16xf32, #tpu.memory_space<hbm>> -> memref<1000000x16xf32, #tpu.memory_space<hbm>>
      tpu.wait_indirect_dma semaphore(%arg12 : memref<!tpu.dma_semaphore, #tpu.memory_space<semaphore_mem>>) src(%dma_wait3A_813 : memref<1000000x16xf32, #tpu.memory_space<hbm>>) dst(%dma_wait3A_807 : memref<128x16xf32, #tpu.memory_space<vmem>>)
      %dma_wait3A_814 = arith.constant 4 : i32
      %dma_wait3A_815 = arith.constant 4 : i32
      %dma_wait3A_816 = arith.constant 0 : i32
      %dma_wait3A_817 = arith.constant 0 : i32
      %dma_wait3A_818 = tpu.memref_slice %arg8[%dma_wait3A_815, %dma_wait3A_816, %dma_wait3A_817] : memref<20x128x16xf32, #tpu.memory_space<vmem>> -> memref<1x128x16xf32, #tpu.memory_space<vmem>>
      %dma_wait3A_819 = tpu.memref_squeeze %dma_wait3A_818 : memref<1x128x16xf32, #tpu.memory_space<vmem>> -> memref<128x16xf32, #tpu.memory_space<vmem>>
      %dma_wait3A_820 = arith.constant 0 : i32
      %dma_wait3A_821 = tpu.memref_slice %arg6[%dma_wait3A_814, %dma_wait3A_820] : memref<20x128xi32, #tpu.memory_space<vmem>> -> memref<1x128xi32, #tpu.memory_space<vmem>>
      %dma_wait3A_822 = tpu.memref_squeeze %dma_wait3A_821 : memref<1x128xi32, #tpu.memory_space<vmem>> -> memref<128xi32, #tpu.memory_space<vmem>>
      %dma_wait3A_823 = arith.constant 0 : i32
      %dma_wait3A_824 = arith.constant 0 : i32
      %dma_wait3A_825 = tpu.memref_slice %arg3[%dma_wait3A_823, %dma_wait3A_824] : memref<1000000x16xf32, #tpu.memory_space<hbm>> -> memref<1000000x16xf32, #tpu.memory_space<hbm>>
      tpu.wait_indirect_dma semaphore(%arg12 : memref<!tpu.dma_semaphore, #tpu.memory_space<semaphore_mem>>) src(%dma_wait3A_825 : memref<1000000x16xf32, #tpu.memory_space<hbm>>) dst(%dma_wait3A_819 : memref<128x16xf32, #tpu.memory_space<vmem>>)
      %dma_wait3A_826 = arith.constant 5 : i32
      %dma_wait3A_827 = arith.constant 5 : i32
      %dma_wait3A_828 = arith.constant 0 : i32
      %dma_wait3A_829 = arith.constant 0 : i32
      %dma_wait3A_830 = tpu.memref_slice %arg8[%dma_wait3A_827, %dma_wait3A_828, %dma_wait3A_829] : memref<20x128x16xf32, #tpu.memory_space<vmem>> -> memref<1x128x16xf32, #tpu.memory_space<vmem>>
      %dma_wait3A_831 = tpu.memref_squeeze %dma_wait3A_830 : memref<1x128x16xf32, #tpu.memory_space<vmem>> -> memref<128x16xf32, #tpu.memory_space<vmem>>
      %dma_wait3A_832 = arith.constant 0 : i32
      %dma_wait3A_833 = tpu.memref_slice %arg6[%dma_wait3A_826, %dma_wait3A_832] : memref<20x128xi32, #tpu.memory_space<vmem>> -> memref<1x128xi32, #tpu.memory_space<vmem>>
      %dma_wait3A_834 = tpu.memref_squeeze %dma_wait3A_833 : memref<1x128xi32, #tpu.memory_space<vmem>> -> memref<128xi32, #tpu.memory_space<vmem>>
      %dma_wait3A_835 = arith.constant 0 : i32
      %dma_wait3A_836 = arith.constant 0 : i32
      %dma_wait3A_837 = tpu.memref_slice %arg3[%dma_wait3A_835, %dma_wait3A_836] : memref<1000000x16xf32, #tpu.memory_space<hbm>> -> memref<1000000x16xf32, #tpu.memory_space<hbm>>
      tpu.wait_indirect_dma semaphore(%arg12 : memref<!tpu.dma_semaphore, #tpu.memory_space<semaphore_mem>>) src(%dma_wait3A_837 : memref<1000000x16xf32, #tpu.memory_space<hbm>>) dst(%dma_wait3A_831 : memref<128x16xf32, #tpu.memory_space<vmem>>)
      %dma_wait3A_838 = arith.constant 6 : i32
      %dma_wait3A_839 = arith.constant 6 : i32
      %dma_wait3A_840 = arith.constant 0 : i32
      %dma_wait3A_841 = arith.constant 0 : i32
      %dma_wait3A_842 = tpu.memref_slice %arg8[%dma_wait3A_839, %dma_wait3A_840, %dma_wait3A_841] : memref<20x128x16xf32, #tpu.memory_space<vmem>> -> memref<1x128x16xf32, #tpu.memory_space<vmem>>
      %dma_wait3A_843 = tpu.memref_squeeze %dma_wait3A_842 : memref<1x128x16xf32, #tpu.memory_space<vmem>> -> memref<128x16xf32, #tpu.memory_space<vmem>>
      %dma_wait3A_844 = arith.constant 0 : i32
      %dma_wait3A_845 = tpu.memref_slice %arg6[%dma_wait3A_838, %dma_wait3A_844] : memref<20x128xi32, #tpu.memory_space<vmem>> -> memref<1x128xi32, #tpu.memory_space<vmem>>
      %dma_wait3A_846 = tpu.memref_squeeze %dma_wait3A_845 : memref<1x128xi32, #tpu.memory_space<vmem>> -> memref<128xi32, #tpu.memory_space<vmem>>
      %dma_wait3A_847 = arith.constant 0 : i32
      %dma_wait3A_848 = arith.constant 0 : i32
      %dma_wait3A_849 = tpu.memref_slice %arg3[%dma_wait3A_847, %dma_wait3A_848] : memref<1000000x16xf32, #tpu.memory_space<hbm>> -> memref<1000000x16xf32, #tpu.memory_space<hbm>>
      tpu.wait_indirect_dma semaphore(%arg12 : memref<!tpu.dma_semaphore, #tpu.memory_space<semaphore_mem>>) src(%dma_wait3A_849 : memref<1000000x16xf32, #tpu.memory_space<hbm>>) dst(%dma_wait3A_843 : memref<128x16xf32, #tpu.memory_space<vmem>>)
      %dma_wait3A_850 = arith.constant 7 : i32
      %dma_wait3A_851 = arith.constant 7 : i32
      %dma_wait3A_852 = arith.constant 0 : i32
      %dma_wait3A_853 = arith.constant 0 : i32
      %dma_wait3A_854 = tpu.memref_slice %arg8[%dma_wait3A_851, %dma_wait3A_852, %dma_wait3A_853] : memref<20x128x16xf32, #tpu.memory_space<vmem>> -> memref<1x128x16xf32, #tpu.memory_space<vmem>>
      %dma_wait3A_855 = tpu.memref_squeeze %dma_wait3A_854 : memref<1x128x16xf32, #tpu.memory_space<vmem>> -> memref<128x16xf32, #tpu.memory_space<vmem>>
      %dma_wait3A_856 = arith.constant 0 : i32
      %dma_wait3A_857 = tpu.memref_slice %arg6[%dma_wait3A_850, %dma_wait3A_856] : memref<20x128xi32, #tpu.memory_space<vmem>> -> memref<1x128xi32, #tpu.memory_space<vmem>>
      %dma_wait3A_858 = tpu.memref_squeeze %dma_wait3A_857 : memref<1x128xi32, #tpu.memory_space<vmem>> -> memref<128xi32, #tpu.memory_space<vmem>>
      %dma_wait3A_859 = arith.constant 0 : i32
      %dma_wait3A_860 = arith.constant 0 : i32
      %dma_wait3A_861 = tpu.memref_slice %arg3[%dma_wait3A_859, %dma_wait3A_860] : memref<1000000x16xf32, #tpu.memory_space<hbm>> -> memref<1000000x16xf32, #tpu.memory_space<hbm>>
      tpu.wait_indirect_dma semaphore(%arg12 : memref<!tpu.dma_semaphore, #tpu.memory_space<semaphore_mem>>) src(%dma_wait3A_861 : memref<1000000x16xf32, #tpu.memory_space<hbm>>) dst(%dma_wait3A_855 : memref<128x16xf32, #tpu.memory_space<vmem>>)
      %dma_wait3A_862 = arith.constant 8 : i32
      %dma_wait3A_863 = arith.constant 8 : i32
      %dma_wait3A_864 = arith.constant 0 : i32
      %dma_wait3A_865 = arith.constant 0 : i32
      %dma_wait3A_866 = tpu.memref_slice %arg8[%dma_wait3A_863, %dma_wait3A_864, %dma_wait3A_865] : memref<20x128x16xf32, #tpu.memory_space<vmem>> -> memref<1x128x16xf32, #tpu.memory_space<vmem>>
      %dma_wait3A_867 = tpu.memref_squeeze %dma_wait3A_866 : memref<1x128x16xf32, #tpu.memory_space<vmem>> -> memref<128x16xf32, #tpu.memory_space<vmem>>
      %dma_wait3A_868 = arith.constant 0 : i32
      %dma_wait3A_869 = tpu.memref_slice %arg6[%dma_wait3A_862, %dma_wait3A_868] : memref<20x128xi32, #tpu.memory_space<vmem>> -> memref<1x128xi32, #tpu.memory_space<vmem>>
      %dma_wait3A_870 = tpu.memref_squeeze %dma_wait3A_869 : memref<1x128xi32, #tpu.memory_space<vmem>> -> memref<128xi32, #tpu.memory_space<vmem>>
      %dma_wait3A_871 = arith.constant 0 : i32
      %dma_wait3A_872 = arith.constant 0 : i32
      %dma_wait3A_873 = tpu.memref_slice %arg3[%dma_wait3A_871, %dma_wait3A_872] : memref<1000000x16xf32, #tpu.memory_space<hbm>> -> memref<1000000x16xf32, #tpu.memory_space<hbm>>
      tpu.wait_indirect_dma semaphore(%arg12 : memref<!tpu.dma_semaphore, #tpu.memory_space<semaphore_mem>>) src(%dma_wait3A_873 : memref<1000000x16xf32, #tpu.memory_space<hbm>>) dst(%dma_wait3A_867 : memref<128x16xf32, #tpu.memory_space<vmem>>)
      %dma_wait3A_874 = arith.constant 9 : i32
      %dma_wait3A_875 = arith.constant 9 : i32
      %dma_wait3A_876 = arith.constant 0 : i32
      %dma_wait3A_877 = arith.constant 0 : i32
      %dma_wait3A_878 = tpu.memref_slice %arg8[%dma_wait3A_875, %dma_wait3A_876, %dma_wait3A_877] : memref<20x128x16xf32, #tpu.memory_space<vmem>> -> memref<1x128x16xf32, #tpu.memory_space<vmem>>
      %dma_wait3A_879 = tpu.memref_squeeze %dma_wait3A_878 : memref<1x128x16xf32, #tpu.memory_space<vmem>> -> memref<128x16xf32, #tpu.memory_space<vmem>>
      %dma_wait3A_880 = arith.constant 0 : i32
      %dma_wait3A_881 = tpu.memref_slice %arg6[%dma_wait3A_874, %dma_wait3A_880] : memref<20x128xi32, #tpu.memory_space<vmem>> -> memref<1x128xi32, #tpu.memory_space<vmem>>
      %dma_wait3A_882 = tpu.memref_squeeze %dma_wait3A_881 : memref<1x128xi32, #tpu.memory_space<vmem>> -> memref<128xi32, #tpu.memory_space<vmem>>
      %dma_wait3A_883 = arith.constant 0 : i32
      %dma_wait3A_884 = arith.constant 0 : i32
      %dma_wait3A_885 = tpu.memref_slice %arg3[%dma_wait3A_883, %dma_wait3A_884] : memref<1000000x16xf32, #tpu.memory_space<hbm>> -> memref<1000000x16xf32, #tpu.memory_space<hbm>>
      tpu.wait_indirect_dma semaphore(%arg12 : memref<!tpu.dma_semaphore, #tpu.memory_space<semaphore_mem>>) src(%dma_wait3A_885 : memref<1000000x16xf32, #tpu.memory_space<hbm>>) dst(%dma_wait3A_879 : memref<128x16xf32, #tpu.memory_space<vmem>>)
      %dma_wait3A_886 = arith.constant 10 : i32
      %dma_wait3A_887 = arith.constant 10 : i32
      %dma_wait3A_888 = arith.constant 0 : i32
      %dma_wait3A_889 = arith.constant 0 : i32
      %dma_wait3A_890 = tpu.memref_slice %arg8[%dma_wait3A_887, %dma_wait3A_888, %dma_wait3A_889] : memref<20x128x16xf32, #tpu.memory_space<vmem>> -> memref<1x128x16xf32, #tpu.memory_space<vmem>>
      %dma_wait3A_891 = tpu.memref_squeeze %dma_wait3A_890 : memref<1x128x16xf32, #tpu.memory_space<vmem>> -> memref<128x16xf32, #tpu.memory_space<vmem>>
      %dma_wait3A_892 = arith.constant 0 : i32
      %dma_wait3A_893 = tpu.memref_slice %arg6[%dma_wait3A_886, %dma_wait3A_892] : memref<20x128xi32, #tpu.memory_space<vmem>> -> memref<1x128xi32, #tpu.memory_space<vmem>>
      %dma_wait3A_894 = tpu.memref_squeeze %dma_wait3A_893 : memref<1x128xi32, #tpu.memory_space<vmem>> -> memref<128xi32, #tpu.memory_space<vmem>>
      %dma_wait3A_895 = arith.constant 0 : i32
      %dma_wait3A_896 = arith.constant 0 : i32
      %dma_wait3A_897 = tpu.memref_slice %arg3[%dma_wait3A_895, %dma_wait3A_896] : memref<1000000x16xf32, #tpu.memory_space<hbm>> -> memref<1000000x16xf32, #tpu.memory_space<hbm>>
      tpu.wait_indirect_dma semaphore(%arg12 : memref<!tpu.dma_semaphore, #tpu.memory_space<semaphore_mem>>) src(%dma_wait3A_897 : memref<1000000x16xf32, #tpu.memory_space<hbm>>) dst(%dma_wait3A_891 : memref<128x16xf32, #tpu.memory_space<vmem>>)
      %dma_wait3A_898 = arith.constant 11 : i32
      %dma_wait3A_899 = arith.constant 11 : i32
      %dma_wait3A_900 = arith.constant 0 : i32
      %dma_wait3A_901 = arith.constant 0 : i32
      %dma_wait3A_902 = tpu.memref_slice %arg8[%dma_wait3A_899, %dma_wait3A_900, %dma_wait3A_901] : memref<20x128x16xf32, #tpu.memory_space<vmem>> -> memref<1x128x16xf32, #tpu.memory_space<vmem>>
      %dma_wait3A_903 = tpu.memref_squeeze %dma_wait3A_902 : memref<1x128x16xf32, #tpu.memory_space<vmem>> -> memref<128x16xf32, #tpu.memory_space<vmem>>
      %dma_wait3A_904 = arith.constant 0 : i32
      %dma_wait3A_905 = tpu.memref_slice %arg6[%dma_wait3A_898, %dma_wait3A_904] : memref<20x128xi32, #tpu.memory_space<vmem>> -> memref<1x128xi32, #tpu.memory_space<vmem>>
      %dma_wait3A_906 = tpu.memref_squeeze %dma_wait3A_905 : memref<1x128xi32, #tpu.memory_space<vmem>> -> memref<128xi32, #tpu.memory_space<vmem>>
      %dma_wait3A_907 = arith.constant 0 : i32
      %dma_wait3A_908 = arith.constant 0 : i32
      %dma_wait3A_909 = tpu.memref_slice %arg3[%dma_wait3A_907, %dma_wait3A_908] : memref<1000000x16xf32, #tpu.memory_space<hbm>> -> memref<1000000x16xf32, #tpu.memory_space<hbm>>
      tpu.wait_indirect_dma semaphore(%arg12 : memref<!tpu.dma_semaphore, #tpu.memory_space<semaphore_mem>>) src(%dma_wait3A_909 : memref<1000000x16xf32, #tpu.memory_space<hbm>>) dst(%dma_wait3A_903 : memref<128x16xf32, #tpu.memory_space<vmem>>)
      %dma_wait3A_910 = arith.constant 12 : i32
      %dma_wait3A_911 = arith.constant 12 : i32
      %dma_wait3A_912 = arith.constant 0 : i32
      %dma_wait3A_913 = arith.constant 0 : i32
      %dma_wait3A_914 = tpu.memref_slice %arg8[%dma_wait3A_911, %dma_wait3A_912, %dma_wait3A_913] : memref<20x128x16xf32, #tpu.memory_space<vmem>> -> memref<1x128x16xf32, #tpu.memory_space<vmem>>
      %dma_wait3A_915 = tpu.memref_squeeze %dma_wait3A_914 : memref<1x128x16xf32, #tpu.memory_space<vmem>> -> memref<128x16xf32, #tpu.memory_space<vmem>>
      %dma_wait3A_916 = arith.constant 0 : i32
      %dma_wait3A_917 = tpu.memref_slice %arg6[%dma_wait3A_910, %dma_wait3A_916] : memref<20x128xi32, #tpu.memory_space<vmem>> -> memref<1x128xi32, #tpu.memory_space<vmem>>
      %dma_wait3A_918 = tpu.memref_squeeze %dma_wait3A_917 : memref<1x128xi32, #tpu.memory_space<vmem>> -> memref<128xi32, #tpu.memory_space<vmem>>
      %dma_wait3A_919 = arith.constant 0 : i32
      %dma_wait3A_920 = arith.constant 0 : i32
      %dma_wait3A_921 = tpu.memref_slice %arg3[%dma_wait3A_919, %dma_wait3A_920] : memref<1000000x16xf32, #tpu.memory_space<hbm>> -> memref<1000000x16xf32, #tpu.memory_space<hbm>>
      tpu.wait_indirect_dma semaphore(%arg12 : memref<!tpu.dma_semaphore, #tpu.memory_space<semaphore_mem>>) src(%dma_wait3A_921 : memref<1000000x16xf32, #tpu.memory_space<hbm>>) dst(%dma_wait3A_915 : memref<128x16xf32, #tpu.memory_space<vmem>>)
      %dma_wait3A_922 = arith.constant 13 : i32
      %dma_wait3A_923 = arith.constant 13 : i32
      %dma_wait3A_924 = arith.constant 0 : i32
      %dma_wait3A_925 = arith.constant 0 : i32
      %dma_wait3A_926 = tpu.memref_slice %arg8[%dma_wait3A_923, %dma_wait3A_924, %dma_wait3A_925] : memref<20x128x16xf32, #tpu.memory_space<vmem>> -> memref<1x128x16xf32, #tpu.memory_space<vmem>>
      %dma_wait3A_927 = tpu.memref_squeeze %dma_wait3A_926 : memref<1x128x16xf32, #tpu.memory_space<vmem>> -> memref<128x16xf32, #tpu.memory_space<vmem>>
      %dma_wait3A_928 = arith.constant 0 : i32
      %dma_wait3A_929 = tpu.memref_slice %arg6[%dma_wait3A_922, %dma_wait3A_928] : memref<20x128xi32, #tpu.memory_space<vmem>> -> memref<1x128xi32, #tpu.memory_space<vmem>>
      %dma_wait3A_930 = tpu.memref_squeeze %dma_wait3A_929 : memref<1x128xi32, #tpu.memory_space<vmem>> -> memref<128xi32, #tpu.memory_space<vmem>>
      %dma_wait3A_931 = arith.constant 0 : i32
      %dma_wait3A_932 = arith.constant 0 : i32
      %dma_wait3A_933 = tpu.memref_slice %arg3[%dma_wait3A_931, %dma_wait3A_932] : memref<1000000x16xf32, #tpu.memory_space<hbm>> -> memref<1000000x16xf32, #tpu.memory_space<hbm>>
      tpu.wait_indirect_dma semaphore(%arg12 : memref<!tpu.dma_semaphore, #tpu.memory_space<semaphore_mem>>) src(%dma_wait3A_933 : memref<1000000x16xf32, #tpu.memory_space<hbm>>) dst(%dma_wait3A_927 : memref<128x16xf32, #tpu.memory_space<vmem>>)
      %dma_wait3A_934 = arith.constant 14 : i32
      %dma_wait3A_935 = arith.constant 14 : i32
      %dma_wait3A_936 = arith.constant 0 : i32
      %dma_wait3A_937 = arith.constant 0 : i32
      %dma_wait3A_938 = tpu.memref_slice %arg8[%dma_wait3A_935, %dma_wait3A_936, %dma_wait3A_937] : memref<20x128x16xf32, #tpu.memory_space<vmem>> -> memref<1x128x16xf32, #tpu.memory_space<vmem>>
      %dma_wait3A_939 = tpu.memref_squeeze %dma_wait3A_938 : memref<1x128x16xf32, #tpu.memory_space<vmem>> -> memref<128x16xf32, #tpu.memory_space<vmem>>
      %dma_wait3A_940 = arith.constant 0 : i32
      %dma_wait3A_941 = tpu.memref_slice %arg6[%dma_wait3A_934, %dma_wait3A_940] : memref<20x128xi32, #tpu.memory_space<vmem>> -> memref<1x128xi32, #tpu.memory_space<vmem>>
      %dma_wait3A_942 = tpu.memref_squeeze %dma_wait3A_941 : memref<1x128xi32, #tpu.memory_space<vmem>> -> memref<128xi32, #tpu.memory_space<vmem>>
      %dma_wait3A_943 = arith.constant 0 : i32
      %dma_wait3A_944 = arith.constant 0 : i32
      %dma_wait3A_945 = tpu.memref_slice %arg3[%dma_wait3A_943, %dma_wait3A_944] : memref<1000000x16xf32, #tpu.memory_space<hbm>> -> memref<1000000x16xf32, #tpu.memory_space<hbm>>
      tpu.wait_indirect_dma semaphore(%arg12 : memref<!tpu.dma_semaphore, #tpu.memory_space<semaphore_mem>>) src(%dma_wait3A_945 : memref<1000000x16xf32, #tpu.memory_space<hbm>>) dst(%dma_wait3A_939 : memref<128x16xf32, #tpu.memory_space<vmem>>)
      %dma_wait3A_946 = arith.constant 15 : i32
      %dma_wait3A_947 = arith.constant 15 : i32
      %dma_wait3A_948 = arith.constant 0 : i32
      %dma_wait3A_949 = arith.constant 0 : i32
      %dma_wait3A_950 = tpu.memref_slice %arg8[%dma_wait3A_947, %dma_wait3A_948, %dma_wait3A_949] : memref<20x128x16xf32, #tpu.memory_space<vmem>> -> memref<1x128x16xf32, #tpu.memory_space<vmem>>
      %dma_wait3A_951 = tpu.memref_squeeze %dma_wait3A_950 : memref<1x128x16xf32, #tpu.memory_space<vmem>> -> memref<128x16xf32, #tpu.memory_space<vmem>>
      %dma_wait3A_952 = arith.constant 0 : i32
      %dma_wait3A_953 = tpu.memref_slice %arg6[%dma_wait3A_946, %dma_wait3A_952] : memref<20x128xi32, #tpu.memory_space<vmem>> -> memref<1x128xi32, #tpu.memory_space<vmem>>
      %dma_wait3A_954 = tpu.memref_squeeze %dma_wait3A_953 : memref<1x128xi32, #tpu.memory_space<vmem>> -> memref<128xi32, #tpu.memory_space<vmem>>
      %dma_wait3A_955 = arith.constant 0 : i32
      %dma_wait3A_956 = arith.constant 0 : i32
      %dma_wait3A_957 = tpu.memref_slice %arg3[%dma_wait3A_955, %dma_wait3A_956] : memref<1000000x16xf32, #tpu.memory_space<hbm>> -> memref<1000000x16xf32, #tpu.memory_space<hbm>>
      tpu.wait_indirect_dma semaphore(%arg12 : memref<!tpu.dma_semaphore, #tpu.memory_space<semaphore_mem>>) src(%dma_wait3A_957 : memref<1000000x16xf32, #tpu.memory_space<hbm>>) dst(%dma_wait3A_951 : memref<128x16xf32, #tpu.memory_space<vmem>>)
      %dma_wait3A_958 = arith.constant 16 : i32
      %dma_wait3A_959 = arith.constant 16 : i32
      %dma_wait3A_960 = arith.constant 0 : i32
      %dma_wait3A_961 = arith.constant 0 : i32
      %dma_wait3A_962 = tpu.memref_slice %arg8[%dma_wait3A_959, %dma_wait3A_960, %dma_wait3A_961] : memref<20x128x16xf32, #tpu.memory_space<vmem>> -> memref<1x128x16xf32, #tpu.memory_space<vmem>>
      %dma_wait3A_963 = tpu.memref_squeeze %dma_wait3A_962 : memref<1x128x16xf32, #tpu.memory_space<vmem>> -> memref<128x16xf32, #tpu.memory_space<vmem>>
      %dma_wait3A_964 = arith.constant 0 : i32
      %dma_wait3A_965 = tpu.memref_slice %arg6[%dma_wait3A_958, %dma_wait3A_964] : memref<20x128xi32, #tpu.memory_space<vmem>> -> memref<1x128xi32, #tpu.memory_space<vmem>>
      %dma_wait3A_966 = tpu.memref_squeeze %dma_wait3A_965 : memref<1x128xi32, #tpu.memory_space<vmem>> -> memref<128xi32, #tpu.memory_space<vmem>>
      %dma_wait3A_967 = arith.constant 0 : i32
      %dma_wait3A_968 = arith.constant 0 : i32
      %dma_wait3A_969 = tpu.memref_slice %arg3[%dma_wait3A_967, %dma_wait3A_968] : memref<1000000x16xf32, #tpu.memory_space<hbm>> -> memref<1000000x16xf32, #tpu.memory_space<hbm>>
      tpu.wait_indirect_dma semaphore(%arg12 : memref<!tpu.dma_semaphore, #tpu.memory_space<semaphore_mem>>) src(%dma_wait3A_969 : memref<1000000x16xf32, #tpu.memory_space<hbm>>) dst(%dma_wait3A_963 : memref<128x16xf32, #tpu.memory_space<vmem>>)
      %dma_wait3A_970 = arith.constant 17 : i32
      %dma_wait3A_971 = arith.constant 17 : i32
      %dma_wait3A_972 = arith.constant 0 : i32
      %dma_wait3A_973 = arith.constant 0 : i32
      %dma_wait3A_974 = tpu.memref_slice %arg8[%dma_wait3A_971, %dma_wait3A_972, %dma_wait3A_973] : memref<20x128x16xf32, #tpu.memory_space<vmem>> -> memref<1x128x16xf32, #tpu.memory_space<vmem>>
      %dma_wait3A_975 = tpu.memref_squeeze %dma_wait3A_974 : memref<1x128x16xf32, #tpu.memory_space<vmem>> -> memref<128x16xf32, #tpu.memory_space<vmem>>
      %dma_wait3A_976 = arith.constant 0 : i32
      %dma_wait3A_977 = tpu.memref_slice %arg6[%dma_wait3A_970, %dma_wait3A_976] : memref<20x128xi32, #tpu.memory_space<vmem>> -> memref<1x128xi32, #tpu.memory_space<vmem>>
      %dma_wait3A_978 = tpu.memref_squeeze %dma_wait3A_977 : memref<1x128xi32, #tpu.memory_space<vmem>> -> memref<128xi32, #tpu.memory_space<vmem>>
      %dma_wait3A_979 = arith.constant 0 : i32
      %dma_wait3A_980 = arith.constant 0 : i32
      %dma_wait3A_981 = tpu.memref_slice %arg3[%dma_wait3A_979, %dma_wait3A_980] : memref<1000000x16xf32, #tpu.memory_space<hbm>> -> memref<1000000x16xf32, #tpu.memory_space<hbm>>
      tpu.wait_indirect_dma semaphore(%arg12 : memref<!tpu.dma_semaphore, #tpu.memory_space<semaphore_mem>>) src(%dma_wait3A_981 : memref<1000000x16xf32, #tpu.memory_space<hbm>>) dst(%dma_wait3A_975 : memref<128x16xf32, #tpu.memory_space<vmem>>)
      %dma_wait3A_982 = arith.constant 18 : i32
      %dma_wait3A_983 = arith.constant 18 : i32
      %dma_wait3A_984 = arith.constant 0 : i32
      %dma_wait3A_985 = arith.constant 0 : i32
      %dma_wait3A_986 = tpu.memref_slice %arg8[%dma_wait3A_983, %dma_wait3A_984, %dma_wait3A_985] : memref<20x128x16xf32, #tpu.memory_space<vmem>> -> memref<1x128x16xf32, #tpu.memory_space<vmem>>
      %dma_wait3A_987 = tpu.memref_squeeze %dma_wait3A_986 : memref<1x128x16xf32, #tpu.memory_space<vmem>> -> memref<128x16xf32, #tpu.memory_space<vmem>>
      %dma_wait3A_988 = arith.constant 0 : i32
      %dma_wait3A_989 = tpu.memref_slice %arg6[%dma_wait3A_982, %dma_wait3A_988] : memref<20x128xi32, #tpu.memory_space<vmem>> -> memref<1x128xi32, #tpu.memory_space<vmem>>
      %dma_wait3A_990 = tpu.memref_squeeze %dma_wait3A_989 : memref<1x128xi32, #tpu.memory_space<vmem>> -> memref<128xi32, #tpu.memory_space<vmem>>
      %dma_wait3A_991 = arith.constant 0 : i32
      %dma_wait3A_992 = arith.constant 0 : i32
      %dma_wait3A_993 = tpu.memref_slice %arg3[%dma_wait3A_991, %dma_wait3A_992] : memref<1000000x16xf32, #tpu.memory_space<hbm>> -> memref<1000000x16xf32, #tpu.memory_space<hbm>>
      tpu.wait_indirect_dma semaphore(%arg12 : memref<!tpu.dma_semaphore, #tpu.memory_space<semaphore_mem>>) src(%dma_wait3A_993 : memref<1000000x16xf32, #tpu.memory_space<hbm>>) dst(%dma_wait3A_987 : memref<128x16xf32, #tpu.memory_space<vmem>>)
      %dma_wait3A_994 = arith.constant 19 : i32
      %dma_wait3A_995 = arith.constant 19 : i32
      %dma_wait3A_996 = arith.constant 0 : i32
      %dma_wait3A_997 = arith.constant 0 : i32
      %dma_wait3A_998 = tpu.memref_slice %arg8[%dma_wait3A_995, %dma_wait3A_996, %dma_wait3A_997] : memref<20x128x16xf32, #tpu.memory_space<vmem>> -> memref<1x128x16xf32, #tpu.memory_space<vmem>>
      %dma_wait3A_999 = tpu.memref_squeeze %dma_wait3A_998 : memref<1x128x16xf32, #tpu.memory_space<vmem>> -> memref<128x16xf32, #tpu.memory_space<vmem>>
      %dma_wait3A_1000 = arith.constant 0 : i32
      %dma_wait3A_1001 = tpu.memref_slice %arg6[%dma_wait3A_994, %dma_wait3A_1000] : memref<20x128xi32, #tpu.memory_space<vmem>> -> memref<1x128xi32, #tpu.memory_space<vmem>>
      %dma_wait3A_1002 = tpu.memref_squeeze %dma_wait3A_1001 : memref<1x128xi32, #tpu.memory_space<vmem>> -> memref<128xi32, #tpu.memory_space<vmem>>
      %dma_wait3A_1003 = arith.constant 0 : i32
      %dma_wait3A_1004 = arith.constant 0 : i32
      %dma_wait3A_1005 = tpu.memref_slice %arg3[%dma_wait3A_1003, %dma_wait3A_1004] : memref<1000000x16xf32, #tpu.memory_space<hbm>> -> memref<1000000x16xf32, #tpu.memory_space<hbm>>
      tpu.wait_indirect_dma semaphore(%arg12 : memref<!tpu.dma_semaphore, #tpu.memory_space<semaphore_mem>>) src(%dma_wait3A_1005 : memref<1000000x16xf32, #tpu.memory_space<hbm>>) dst(%dma_wait3A_999 : memref<128x16xf32, #tpu.memory_space<vmem>>)
      %ge3A_1006 = arith.constant 2 : i32
      %ge3A_1007 = arith.cmpi sge, %add3A_765, %ge3A_1006 : i32
      %convert_element_type3A_1008 = arith.extui %ge3A_1007 : i1 to i32
      %cond3A_1009 = arith.constant 0 : i32
      %cond3A_1010 = arith.cmpi ne, %convert_element_type3A_1008, %cond3A_1009 : i32
      scf.if %cond3A_1010 {
        %dma_wait3A_1027 = arith.constant 0 : i32
        %dma_wait3A_1028 = arith.constant 0 : i32
        %dma_wait3A_1029 = tpu.memref_slice %arg4[%mul3A_2, %dma_wait3A_1027, %dma_wait3A_1028] : memref<4096x50x16xf32, #tpu.memory_space<hbm>> -> memref<128x1x16xf32, #tpu.memory_space<hbm>>
        %dma_wait3A_1030 = arith.constant 0 : i32
        %dma_wait3A_1031 = arith.constant 0 : i32
        %dma_wait3A_1032 = tpu.memref_slice %arg4[%mul3A_2, %dma_wait3A_1030, %dma_wait3A_1031] : memref<4096x50x16xf32, #tpu.memory_space<hbm>> -> memref<128x1x16xf32, #tpu.memory_space<hbm>>
        tpu.wait_dma2 semaphore(%arg14 : memref<!tpu.dma_semaphore, #tpu.memory_space<semaphore_mem>>) src(%arg10 : memref<128x1x16xf32, #tpu.memory_space<vmem>>) dst(%dma_wait3A_1032 : memref<128x1x16xf32, #tpu.memory_space<hbm>>)
      } else {
      }
      %scan3A_1011 = arith.constant 0 : i32
      %scan3A_1012 = arith.constant 128 : i32
      %scan3A_1013 = arith.addi %scan3A_1011, %scan3A_1012 : i32
      %scan3A_1014 = arith.constant 1 : i32
      scf.for %scan3A_1027 = %scan3A_1011 to %scan3A_1013 step %scan3A_1014  : i32 {
        %mul3A_1028 = arith.constant 1 : i32
        %mul3A_1029 = arith.muli %scan3A_1027, %mul3A_1028 : i32
        %add3A_1030 = arith.constant 0 : i32
        %add3A_1031 = arith.addi %add3A_1030, %mul3A_1029 : i32
        %get3A = arith.constant 0 : i32
        %get3A_1032 = arith.index_cast %get3A : i32 to index
        %get3A_1033 = arith.index_cast %add3A_1031 : i32 to index
        %get3A_1034 = arith.constant 0 : index
        %get3A_1035 = tpu.vector_load %arg8[%get3A_1032, %get3A_1033, %get3A_1034] {strides = array<i32>} : memref<20x128x16xf32, #tpu.memory_space<vmem>>, vector<1x1x16xf32>,
        %get3A_1036 = vector.shape_cast %get3A_1035 : vector<1x1x16xf32> to vector<16xf32>
        %get3A_1037 = arith.constant 1 : i32
        %get3A_1038 = arith.index_cast %get3A_1037 : i32 to index
        %get3A_1039 = arith.index_cast %add3A_1031 : i32 to index
        %get3A_1040 = arith.constant 0 : index
        %get3A_1041 = tpu.vector_load %arg8[%get3A_1038, %get3A_1039, %get3A_1040] {strides = array<i32>} : memref<20x128x16xf32, #tpu.memory_space<vmem>>, vector<1x1x16xf32>,
        %get3A_1042 = vector.shape_cast %get3A_1041 : vector<1x1x16xf32> to vector<16xf32>
        %get3A_1043 = arith.constant 2 : i32
        %get3A_1044 = arith.index_cast %get3A_1043 : i32 to index
        %get3A_1045 = arith.index_cast %add3A_1031 : i32 to index
        %get3A_1046 = arith.constant 0 : index
        %get3A_1047 = tpu.vector_load %arg8[%get3A_1044, %get3A_1045, %get3A_1046] {strides = array<i32>} : memref<20x128x16xf32, #tpu.memory_space<vmem>>, vector<1x1x16xf32>,
        %get3A_1048 = vector.shape_cast %get3A_1047 : vector<1x1x16xf32> to vector<16xf32>
        %get3A_1049 = arith.constant 3 : i32
        %get3A_1050 = arith.index_cast %get3A_1049 : i32 to index
        %get3A_1051 = arith.index_cast %add3A_1031 : i32 to index
        %get3A_1052 = arith.constant 0 : index
        %get3A_1053 = tpu.vector_load %arg8[%get3A_1050, %get3A_1051, %get3A_1052] {strides = array<i32>} : memref<20x128x16xf32, #tpu.memory_space<vmem>>, vector<1x1x16xf32>,
        %get3A_1054 = vector.shape_cast %get3A_1053 : vector<1x1x16xf32> to vector<16xf32>
        %get3A_1055 = arith.constant 4 : i32
        %get3A_1056 = arith.index_cast %get3A_1055 : i32 to index
        %get3A_1057 = arith.index_cast %add3A_1031 : i32 to index
        %get3A_1058 = arith.constant 0 : index
        %get3A_1059 = tpu.vector_load %arg8[%get3A_1056, %get3A_1057, %get3A_1058] {strides = array<i32>} : memref<20x128x16xf32, #tpu.memory_space<vmem>>, vector<1x1x16xf32>,
        %get3A_1060 = vector.shape_cast %get3A_1059 : vector<1x1x16xf32> to vector<16xf32>
        %get3A_1061 = arith.constant 5 : i32
        %get3A_1062 = arith.index_cast %get3A_1061 : i32 to index
        %get3A_1063 = arith.index_cast %add3A_1031 : i32 to index
        %get3A_1064 = arith.constant 0 : index
        %get3A_1065 = tpu.vector_load %arg8[%get3A_1062, %get3A_1063, %get3A_1064] {strides = array<i32>} : memref<20x128x16xf32, #tpu.memory_space<vmem>>, vector<1x1x16xf32>,
        %get3A_1066 = vector.shape_cast %get3A_1065 : vector<1x1x16xf32> to vector<16xf32>
        %get3A_1067 = arith.constant 6 : i32
        %get3A_1068 = arith.index_cast %get3A_1067 : i32 to index
        %get3A_1069 = arith.index_cast %add3A_1031 : i32 to index
        %get3A_1070 = arith.constant 0 : index
        %get3A_1071 = tpu.vector_load %arg8[%get3A_1068, %get3A_1069, %get3A_1070] {strides = array<i32>} : memref<20x128x16xf32, #tpu.memory_space<vmem>>, vector<1x1x16xf32>,
        %get3A_1072 = vector.shape_cast %get3A_1071 : vector<1x1x16xf32> to vector<16xf32>
        %get3A_1073 = arith.constant 7 : i32
        %get3A_1074 = arith.index_cast %get3A_1073 : i32 to index
        %get3A_1075 = arith.index_cast %add3A_1031 : i32 to index
        %get3A_1076 = arith.constant 0 : index
        %get3A_1077 = tpu.vector_load %arg8[%get3A_1074, %get3A_1075, %get3A_1076] {strides = array<i32>} : memref<20x128x16xf32, #tpu.memory_space<vmem>>, vector<1x1x16xf32>,
        %get3A_1078 = vector.shape_cast %get3A_1077 : vector<1x1x16xf32> to vector<16xf32>
        %get3A_1079 = arith.constant 8 : i32
        %get3A_1080 = arith.index_cast %get3A_1079 : i32 to index
        %get3A_1081 = arith.index_cast %add3A_1031 : i32 to index
        %get3A_1082 = arith.constant 0 : index
        %get3A_1083 = tpu.vector_load %arg8[%get3A_1080, %get3A_1081, %get3A_1082] {strides = array<i32>} : memref<20x128x16xf32, #tpu.memory_space<vmem>>, vector<1x1x16xf32>,
        %get3A_1084 = vector.shape_cast %get3A_1083 : vector<1x1x16xf32> to vector<16xf32>
        %get3A_1085 = arith.constant 9 : i32
        %get3A_1086 = arith.index_cast %get3A_1085 : i32 to index
        %get3A_1087 = arith.index_cast %add3A_1031 : i32 to index
        %get3A_1088 = arith.constant 0 : index
        %get3A_1089 = tpu.vector_load %arg8[%get3A_1086, %get3A_1087, %get3A_1088] {strides = array<i32>} : memref<20x128x16xf32, #tpu.memory_space<vmem>>, vector<1x1x16xf32>,
        %get3A_1090 = vector.shape_cast %get3A_1089 : vector<1x1x16xf32> to vector<16xf32>
        %get3A_1091 = arith.constant 10 : i32
        %get3A_1092 = arith.index_cast %get3A_1091 : i32 to index
        %get3A_1093 = arith.index_cast %add3A_1031 : i32 to index
        %get3A_1094 = arith.constant 0 : index
        %get3A_1095 = tpu.vector_load %arg8[%get3A_1092, %get3A_1093, %get3A_1094] {strides = array<i32>} : memref<20x128x16xf32, #tpu.memory_space<vmem>>, vector<1x1x16xf32>,
        %get3A_1096 = vector.shape_cast %get3A_1095 : vector<1x1x16xf32> to vector<16xf32>
        %get3A_1097 = arith.constant 11 : i32
        %get3A_1098 = arith.index_cast %get3A_1097 : i32 to index
        %get3A_1099 = arith.index_cast %add3A_1031 : i32 to index
        %get3A_1100 = arith.constant 0 : index
        %get3A_1101 = tpu.vector_load %arg8[%get3A_1098, %get3A_1099, %get3A_1100] {strides = array<i32>} : memref<20x128x16xf32, #tpu.memory_space<vmem>>, vector<1x1x16xf32>,
        %get3A_1102 = vector.shape_cast %get3A_1101 : vector<1x1x16xf32> to vector<16xf32>
        %get3A_1103 = arith.constant 12 : i32
        %get3A_1104 = arith.index_cast %get3A_1103 : i32 to index
        %get3A_1105 = arith.index_cast %add3A_1031 : i32 to index
        %get3A_1106 = arith.constant 0 : index
        %get3A_1107 = tpu.vector_load %arg8[%get3A_1104, %get3A_1105, %get3A_1106] {strides = array<i32>} : memref<20x128x16xf32, #tpu.memory_space<vmem>>, vector<1x1x16xf32>,
        %get3A_1108 = vector.shape_cast %get3A_1107 : vector<1x1x16xf32> to vector<16xf32>
        %get3A_1109 = arith.constant 13 : i32
        %get3A_1110 = arith.index_cast %get3A_1109 : i32 to index
        %get3A_1111 = arith.index_cast %add3A_1031 : i32 to index
        %get3A_1112 = arith.constant 0 : index
        %get3A_1113 = tpu.vector_load %arg8[%get3A_1110, %get3A_1111, %get3A_1112] {strides = array<i32>} : memref<20x128x16xf32, #tpu.memory_space<vmem>>, vector<1x1x16xf32>,
        %get3A_1114 = vector.shape_cast %get3A_1113 : vector<1x1x16xf32> to vector<16xf32>
        %get3A_1115 = arith.constant 14 : i32
        %get3A_1116 = arith.index_cast %get3A_1115 : i32 to index
        %get3A_1117 = arith.index_cast %add3A_1031 : i32 to index
        %get3A_1118 = arith.constant 0 : index
        %get3A_1119 = tpu.vector_load %arg8[%get3A_1116, %get3A_1117, %get3A_1118] {strides = array<i32>} : memref<20x128x16xf32, #tpu.memory_space<vmem>>, vector<1x1x16xf32>,
        %get3A_1120 = vector.shape_cast %get3A_1119 : vector<1x1x16xf32> to vector<16xf32>
        %get3A_1121 = arith.constant 15 : i32
        %get3A_1122 = arith.index_cast %get3A_1121 : i32 to index
        %get3A_1123 = arith.index_cast %add3A_1031 : i32 to index
        %get3A_1124 = arith.constant 0 : index
        %get3A_1125 = tpu.vector_load %arg8[%get3A_1122, %get3A_1123, %get3A_1124] {strides = array<i32>} : memref<20x128x16xf32, #tpu.memory_space<vmem>>, vector<1x1x16xf32>,
        %get3A_1126 = vector.shape_cast %get3A_1125 : vector<1x1x16xf32> to vector<16xf32>
        %get3A_1127 = arith.constant 16 : i32
        %get3A_1128 = arith.index_cast %get3A_1127 : i32 to index
        %get3A_1129 = arith.index_cast %add3A_1031 : i32 to index
        %get3A_1130 = arith.constant 0 : index
        %get3A_1131 = tpu.vector_load %arg8[%get3A_1128, %get3A_1129, %get3A_1130] {strides = array<i32>} : memref<20x128x16xf32, #tpu.memory_space<vmem>>, vector<1x1x16xf32>,
        %get3A_1132 = vector.shape_cast %get3A_1131 : vector<1x1x16xf32> to vector<16xf32>
        %get3A_1133 = arith.constant 17 : i32
        %get3A_1134 = arith.index_cast %get3A_1133 : i32 to index
        %get3A_1135 = arith.index_cast %add3A_1031 : i32 to index
        %get3A_1136 = arith.constant 0 : index
        %get3A_1137 = tpu.vector_load %arg8[%get3A_1134, %get3A_1135, %get3A_1136] {strides = array<i32>} : memref<20x128x16xf32, #tpu.memory_space<vmem>>, vector<1x1x16xf32>,
        %get3A_1138 = vector.shape_cast %get3A_1137 : vector<1x1x16xf32> to vector<16xf32>
        %get3A_1139 = arith.constant 18 : i32
        %get3A_1140 = arith.index_cast %get3A_1139 : i32 to index
        %get3A_1141 = arith.index_cast %add3A_1031 : i32 to index
        %get3A_1142 = arith.constant 0 : index
        %get3A_1143 = tpu.vector_load %arg8[%get3A_1140, %get3A_1141, %get3A_1142] {strides = array<i32>} : memref<20x128x16xf32, #tpu.memory_space<vmem>>, vector<1x1x16xf32>,
        %get3A_1144 = vector.shape_cast %get3A_1143 : vector<1x1x16xf32> to vector<16xf32>
        %get3A_1145 = arith.constant 19 : i32
        %get3A_1146 = arith.index_cast %get3A_1145 : i32 to index
        %get3A_1147 = arith.index_cast %add3A_1031 : i32 to index
        %get3A_1148 = arith.constant 0 : index
        %get3A_1149 = tpu.vector_load %arg8[%get3A_1146, %get3A_1147, %get3A_1148] {strides = array<i32>} : memref<20x128x16xf32, #tpu.memory_space<vmem>>, vector<1x1x16xf32>,
        %get3A_1150 = vector.shape_cast %get3A_1149 : vector<1x1x16xf32> to vector<16xf32>
        %add3A_1151 = arith.addf %get3A_1036, %get3A_1042 : vector<16xf32>
        %add3A_1152 = arith.addf %get3A_1048, %get3A_1054 : vector<16xf32>
        %add3A_1153 = arith.addf %get3A_1060, %get3A_1066 : vector<16xf32>
        %add3A_1154 = arith.addf %get3A_1072, %get3A_1078 : vector<16xf32>
        %add3A_1155 = arith.addf %get3A_1084, %get3A_1090 : vector<16xf32>
        %add3A_1156 = arith.addf %get3A_1096, %get3A_1102 : vector<16xf32>
        %add3A_1157 = arith.addf %get3A_1108, %get3A_1114 : vector<16xf32>
        %add3A_1158 = arith.addf %get3A_1120, %get3A_1126 : vector<16xf32>
        %add3A_1159 = arith.addf %get3A_1132, %get3A_1138 : vector<16xf32>
        %add3A_1160 = arith.addf %get3A_1144, %get3A_1150 : vector<16xf32>
        %add3A_1161 = arith.addf %add3A_1151, %add3A_1152 : vector<16xf32>
        %add3A_1162 = arith.addf %add3A_1153, %add3A_1154 : vector<16xf32>
        %add3A_1163 = arith.addf %add3A_1155, %add3A_1156 : vector<16xf32>
        %add3A_1164 = arith.addf %add3A_1157, %add3A_1158 : vector<16xf32>
        %add3A_1165 = arith.addf %add3A_1159, %add3A_1160 : vector<16xf32>
        %add3A_1166 = arith.addf %add3A_1161, %add3A_1162 : vector<16xf32>
        %add3A_1167 = arith.addf %add3A_1163, %add3A_1164 : vector<16xf32>
        %add3A_1168 = arith.addf %add3A_1166, %add3A_1167 : vector<16xf32>
        %add3A_1169 = arith.addf %add3A_1168, %add3A_1165 : vector<16xf32>
        %swap3A = arith.constant 0 : i32
        %swap3A_1170 = arith.index_cast %add3A_1031 : i32 to index
        %swap3A_1171 = arith.index_cast %swap3A : i32 to index
        %swap3A_1172 = arith.constant 0 : index
        %swap3A_1173 = tpu.vector_load %arg10[%swap3A_1170, %swap3A_1171, %swap3A_1172] {strides = array<i32>} : memref<128x1x16xf32, #tpu.memory_space<vmem>>, vector<1x1x16xf32>,
        %swap3A_1174 = vector.shape_cast %swap3A_1173 : vector<1x1x16xf32> to vector<16xf32>
        %swap3A_1175 = vector.shape_cast %add3A_1169 : vector<16xf32> to vector<1x1x16xf32>
        tpu.vector_store %arg10[%swap3A_1170, %swap3A_1171, %swap3A_1172], %swap3A_1175 {strides = array<i32>} : memref<128x1x16xf32, #tpu.memory_space<vmem>>, vector<1x1x16xf32>,
      }
      %scan3A_1015 = arith.constant 128 : i32
      %dma_start3A_1016 = arith.constant 0 : i32
      %dma_start3A_1017 = tpu.memref_slice %arg4[%mul3A_2, %add3A_765, %dma_start3A_1016] : memref<4096x50x16xf32, #tpu.memory_space<hbm>> -> memref<128x1x16xf32, #tpu.memory_space<hbm>>
      %dma_start3A_1018 = arith.constant 0 : i32
      %dma_start3A_1019 = tpu.memref_slice %arg4[%mul3A_2, %add3A_765, %dma_start3A_1018] : memref<4096x50x16xf32, #tpu.memory_space<hbm>> -> memref<128x1x16xf32, #tpu.memory_space<hbm>>
      tpu.enqueue_dma source(%arg10 : memref<128x1x16xf32, #tpu.memory_space<vmem>>) target(%dma_start3A_1019 : memref<128x1x16xf32, #tpu.memory_space<hbm>>) target_semaphore(%arg14 : memref<!tpu.dma_semaphore, #tpu.memory_space<semaphore_mem>>)
      %add3A_1020 = arith.constant 2 : i32
      %add3A_1021 = arith.addi %add3A_765, %add3A_1020 : i32
      %lt3A_1022 = arith.constant 50 : i32
      %lt3A_1023 = arith.cmpi slt, %add3A_1021, %lt3A_1022 : i32
      %convert_element_type3A_1024 = arith.extui %lt3A_1023 : i1 to i32
      %cond3A_1025 = arith.constant 0 : i32
      %cond3A_1026 = arith.cmpi ne, %convert_element_type3A_1024, %cond3A_1025 : i32
      scf.if %cond3A_1026 {
        %add3A_1027 = arith.constant 2 : i32
        %add3A_1028 = arith.addi %add3A_765, %add3A_1027 : i32
        %jit3A = arith.constant 8 : i32
        %div3A = arith.divsi %add3A_1028, %jit3A : i32
        %sign3A = arith.constant 0 : i32
        %sign3A_1029 = arith.cmpi sgt, %add3A_1028, %sign3A : i32
        %sign3A_1030 = arith.extui %sign3A_1029 : i1 to i32
        %sign3A_1031 = arith.constant 0 : i32
        %sign3A_1032 = arith.cmpi slt, %add3A_1028, %sign3A_1031 : i32
        %sign3A_1033 = arith.extui %sign3A_1032 : i1 to i32
        %sign3A_1034 = arith.subi %sign3A_1030, %sign3A_1033 : i32
        %sign3A_1035 = arith.constant 0 : i32
        %sign3A_1036 = arith.cmpi sgt, %jit3A, %sign3A_1035 : i32
        %sign3A_1037 = arith.extui %sign3A_1036 : i1 to i32
        %sign3A_1038 = arith.constant 0 : i32
        %sign3A_1039 = arith.cmpi slt, %jit3A, %sign3A_1038 : i32
        %sign3A_1040 = arith.extui %sign3A_1039 : i1 to i32
        %sign3A_1041 = arith.subi %sign3A_1037, %sign3A_1040 : i32
        %ne3A = arith.cmpi ne, %sign3A_1034, %sign3A_1041 : i32
        %rem3A = arith.remsi %add3A_1028, %jit3A : i32
        %ne3A_1042 = arith.constant 0 : i32
        %ne3A_1043 = arith.cmpi ne, %rem3A, %ne3A_1042 : i32
        %and3A = arith.andi %ne3A, %ne3A_1043 : i1
        %sub3A = arith.constant 1 : i32
        %sub3A_1044 = arith.subi %div3A, %sub3A : i32
        %select_n3A = arith.select %and3A, %sub3A_1044, %div3A : i32
        %jit3A_1045 = arith.constant 8 : i32
        %eq3A = arith.constant 0 : i32
        %eq3A_1046 = arith.cmpi eq, %jit3A_1045, %eq3A : i32
        %jit3A_1047 = arith.constant 1 : i32
        %select_n3A_1048 = arith.select %eq3A_1046, %jit3A_1047, %jit3A_1045 : i32
        %rem3A_1049 = arith.remsi %add3A_1028, %select_n3A_1048 : i32
        %ne3A_1050 = arith.constant 0 : i32
        %ne3A_1051 = arith.cmpi ne, %rem3A_1049, %ne3A_1050 : i32
        %lt3A_1052 = arith.constant 0 : i32
        %lt3A_1053 = arith.cmpi slt, %rem3A_1049, %lt3A_1052 : i32
        %lt3A_1054 = arith.constant 0 : i32
        %lt3A_1055 = arith.cmpi slt, %select_n3A_1048, %lt3A_1054 : i32
        %ne3A_1056 = arith.xori %lt3A_1053, %lt3A_1055 : i1
        %and3A_1057 = arith.andi %ne3A_1056, %ne3A_1051 : i1
        %add3A_1058 = arith.addi %rem3A_1049, %select_n3A_1048 : i32
        %select_n3A_1059 = arith.select %and3A_1057, %add3A_1058, %rem3A_1049 : i32
        "tpu.region"() ({
          %run_scoped3A_1300 = tpu.sem_alloc : memref<!tpu.dma_semaphore, #tpu.memory_space<semaphore_mem>>
          %dma_start3A_1301 = arith.constant 0 : i32
          %dma_start3A_1302 = arith.constant 0 : i32
          %dma_start3A_1303 = tpu.memref_slice %arg2[%dma_start3A_1301, %select_n3A, %add3A, %select_n3A_1059, %dma_start3A_1302] : memref<20x7x32x8x128xi32, #tpu.memory_space<hbm>> -> memref<20x1x1x1x128xi32, #tpu.memory_space<hbm>>
          %dma_start3A_1304 = tpu.memref_squeeze %dma_start3A_1303 : memref<20x1x1x1x128xi32, #tpu.memory_space<hbm>> -> memref<20x128xi32, #tpu.memory_space<hbm>>
          %dma_start3A_1305 = arith.constant 0 : i32
          %dma_start3A_1306 = arith.constant 0 : i32
          %dma_start3A_1307 = tpu.memref_slice %arg2[%dma_start3A_1305, %select_n3A, %add3A, %select_n3A_1059, %dma_start3A_1306] : memref<20x7x32x8x128xi32, #tpu.memory_space<hbm>> -> memref<20x1x1x1x128xi32, #tpu.memory_space<hbm>>
          %dma_start3A_1308 = tpu.memref_squeeze %dma_start3A_1307 : memref<20x1x1x1x128xi32, #tpu.memory_space<hbm>> -> memref<20x128xi32, #tpu.memory_space<hbm>>
          tpu.enqueue_dma source(%dma_start3A_1308 : memref<20x128xi32, #tpu.memory_space<hbm>>) target(%arg6 : memref<20x128xi32, #tpu.memory_space<vmem>>) target_semaphore(%run_scoped3A_1300 : memref<!tpu.dma_semaphore, #tpu.memory_space<semaphore_mem>>)
          %dma_wait3A_1309 = arith.constant 0 : i32
          %dma_wait3A_1310 = arith.constant 0 : i32
          %dma_wait3A_1311 = tpu.memref_slice %arg2[%dma_wait3A_1309, %select_n3A, %add3A, %select_n3A_1059, %dma_wait3A_1310] : memref<20x7x32x8x128xi32, #tpu.memory_space<hbm>> -> memref<20x1x1x1x128xi32, #tpu.memory_space<hbm>>
          %dma_wait3A_1312 = tpu.memref_squeeze %dma_wait3A_1311 : memref<20x1x1x1x128xi32, #tpu.memory_space<hbm>> -> memref<20x128xi32, #tpu.memory_space<hbm>>
          %dma_wait3A_1313 = arith.constant 0 : i32
          %dma_wait3A_1314 = arith.constant 0 : i32
          %dma_wait3A_1315 = tpu.memref_slice %arg2[%dma_wait3A_1313, %select_n3A, %add3A, %select_n3A_1059, %dma_wait3A_1314] : memref<20x7x32x8x128xi32, #tpu.memory_space<hbm>> -> memref<20x1x1x1x128xi32, #tpu.memory_space<hbm>>
          %dma_wait3A_1316 = tpu.memref_squeeze %dma_wait3A_1315 : memref<20x1x1x1x128xi32, #tpu.memory_space<hbm>> -> memref<20x128xi32, #tpu.memory_space<hbm>>
          tpu.wait_dma2 semaphore(%run_scoped3A_1300 : memref<!tpu.dma_semaphore, #tpu.memory_space<semaphore_mem>>) src(%dma_wait3A_1316 : memref<20x128xi32, #tpu.memory_space<hbm>>) dst(%arg6 : memref<20x128xi32, #tpu.memory_space<vmem>>)
          tpu.yield
        }) : () -> ()
        %dma_start3A_1060 = arith.constant 0 : i32
        %dma_start3A_1061 = arith.constant 0 : i32
        %dma_start3A_1062 = arith.constant 0 : i32
        %dma_start3A_1063 = arith.constant 0 : i32
        %dma_start3A_1064 = tpu.memref_slice %arg8[%dma_start3A_1061, %dma_start3A_1062, %dma_start3A_1063] : memref<20x128x16xf32, #tpu.memory_space<vmem>> -> memref<1x128x16xf32, #tpu.memory_space<vmem>>
        %dma_start3A_1065 = tpu.memref_squeeze %dma_start3A_1064 : memref<1x128x16xf32, #tpu.memory_space<vmem>> -> memref<128x16xf32, #tpu.memory_space<vmem>>
        %dma_start3A_1066 = arith.constant 0 : i32
        %dma_start3A_1067 = tpu.memref_slice %arg6[%dma_start3A_1060, %dma_start3A_1066] : memref<20x128xi32, #tpu.memory_space<vmem>> -> memref<1x128xi32, #tpu.memory_space<vmem>>
        %dma_start3A_1068 = tpu.memref_squeeze %dma_start3A_1067 : memref<1x128xi32, #tpu.memory_space<vmem>> -> memref<128xi32, #tpu.memory_space<vmem>>
        %dma_start3A_1069 = arith.constant 0 : i32
        %dma_start3A_1070 = arith.constant 0 : i32
        %dma_start3A_1071 = tpu.memref_slice %arg3[%dma_start3A_1069, %dma_start3A_1070] : memref<1000000x16xf32, #tpu.memory_space<hbm>> -> memref<1000000x16xf32, #tpu.memory_space<hbm>>
        tpu.enqueue_indirect_dma source(%dma_start3A_1071 : memref<1000000x16xf32, #tpu.memory_space<hbm>>) target(%dma_start3A_1065 : memref<128x16xf32, #tpu.memory_space<vmem>>) offsets(%dma_start3A_1068 : memref<128xi32, #tpu.memory_space<vmem>>) semaphore(%arg12 : memref<!tpu.dma_semaphore, #tpu.memory_space<semaphore_mem>>)
        %dma_start3A_1072 = arith.constant 1 : i32
        %dma_start3A_1073 = arith.constant 1 : i32
        %dma_start3A_1074 = arith.constant 0 : i32
        %dma_start3A_1075 = arith.constant 0 : i32
        %dma_start3A_1076 = tpu.memref_slice %arg8[%dma_start3A_1073, %dma_start3A_1074, %dma_start3A_1075] : memref<20x128x16xf32, #tpu.memory_space<vmem>> -> memref<1x128x16xf32, #tpu.memory_space<vmem>>
        %dma_start3A_1077 = tpu.memref_squeeze %dma_start3A_1076 : memref<1x128x16xf32, #tpu.memory_space<vmem>> -> memref<128x16xf32, #tpu.memory_space<vmem>>
        %dma_start3A_1078 = arith.constant 0 : i32
        %dma_start3A_1079 = tpu.memref_slice %arg6[%dma_start3A_1072, %dma_start3A_1078] : memref<20x128xi32, #tpu.memory_space<vmem>> -> memref<1x128xi32, #tpu.memory_space<vmem>>
        %dma_start3A_1080 = tpu.memref_squeeze %dma_start3A_1079 : memref<1x128xi32, #tpu.memory_space<vmem>> -> memref<128xi32, #tpu.memory_space<vmem>>
        %dma_start3A_1081 = arith.constant 0 : i32
        %dma_start3A_1082 = arith.constant 0 : i32
        %dma_start3A_1083 = tpu.memref_slice %arg3[%dma_start3A_1081, %dma_start3A_1082] : memref<1000000x16xf32, #tpu.memory_space<hbm>> -> memref<1000000x16xf32, #tpu.memory_space<hbm>>
        tpu.enqueue_indirect_dma source(%dma_start3A_1083 : memref<1000000x16xf32, #tpu.memory_space<hbm>>) target(%dma_start3A_1077 : memref<128x16xf32, #tpu.memory_space<vmem>>) offsets(%dma_start3A_1080 : memref<128xi32, #tpu.memory_space<vmem>>) semaphore(%arg12 : memref<!tpu.dma_semaphore, #tpu.memory_space<semaphore_mem>>)
        %dma_start3A_1084 = arith.constant 2 : i32
        %dma_start3A_1085 = arith.constant 2 : i32
        %dma_start3A_1086 = arith.constant 0 : i32
        %dma_start3A_1087 = arith.constant 0 : i32
        %dma_start3A_1088 = tpu.memref_slice %arg8[%dma_start3A_1085, %dma_start3A_1086, %dma_start3A_1087] : memref<20x128x16xf32, #tpu.memory_space<vmem>> -> memref<1x128x16xf32, #tpu.memory_space<vmem>>
        %dma_start3A_1089 = tpu.memref_squeeze %dma_start3A_1088 : memref<1x128x16xf32, #tpu.memory_space<vmem>> -> memref<128x16xf32, #tpu.memory_space<vmem>>
        %dma_start3A_1090 = arith.constant 0 : i32
        %dma_start3A_1091 = tpu.memref_slice %arg6[%dma_start3A_1084, %dma_start3A_1090] : memref<20x128xi32, #tpu.memory_space<vmem>> -> memref<1x128xi32, #tpu.memory_space<vmem>>
        %dma_start3A_1092 = tpu.memref_squeeze %dma_start3A_1091 : memref<1x128xi32, #tpu.memory_space<vmem>> -> memref<128xi32, #tpu.memory_space<vmem>>
        %dma_start3A_1093 = arith.constant 0 : i32
        %dma_start3A_1094 = arith.constant 0 : i32
        %dma_start3A_1095 = tpu.memref_slice %arg3[%dma_start3A_1093, %dma_start3A_1094] : memref<1000000x16xf32, #tpu.memory_space<hbm>> -> memref<1000000x16xf32, #tpu.memory_space<hbm>>
        tpu.enqueue_indirect_dma source(%dma_start3A_1095 : memref<1000000x16xf32, #tpu.memory_space<hbm>>) target(%dma_start3A_1089 : memref<128x16xf32, #tpu.memory_space<vmem>>) offsets(%dma_start3A_1092 : memref<128xi32, #tpu.memory_space<vmem>>) semaphore(%arg12 : memref<!tpu.dma_semaphore, #tpu.memory_space<semaphore_mem>>)
        %dma_start3A_1096 = arith.constant 3 : i32
        %dma_start3A_1097 = arith.constant 3 : i32
        %dma_start3A_1098 = arith.constant 0 : i32
        %dma_start3A_1099 = arith.constant 0 : i32
        %dma_start3A_1100 = tpu.memref_slice %arg8[%dma_start3A_1097, %dma_start3A_1098, %dma_start3A_1099] : memref<20x128x16xf32, #tpu.memory_space<vmem>> -> memref<1x128x16xf32, #tpu.memory_space<vmem>>
        %dma_start3A_1101 = tpu.memref_squeeze %dma_start3A_1100 : memref<1x128x16xf32, #tpu.memory_space<vmem>> -> memref<128x16xf32, #tpu.memory_space<vmem>>
        %dma_start3A_1102 = arith.constant 0 : i32
        %dma_start3A_1103 = tpu.memref_slice %arg6[%dma_start3A_1096, %dma_start3A_1102] : memref<20x128xi32, #tpu.memory_space<vmem>> -> memref<1x128xi32, #tpu.memory_space<vmem>>
        %dma_start3A_1104 = tpu.memref_squeeze %dma_start3A_1103 : memref<1x128xi32, #tpu.memory_space<vmem>> -> memref<128xi32, #tpu.memory_space<vmem>>
        %dma_start3A_1105 = arith.constant 0 : i32
        %dma_start3A_1106 = arith.constant 0 : i32
        %dma_start3A_1107 = tpu.memref_slice %arg3[%dma_start3A_1105, %dma_start3A_1106] : memref<1000000x16xf32, #tpu.memory_space<hbm>> -> memref<1000000x16xf32, #tpu.memory_space<hbm>>
        tpu.enqueue_indirect_dma source(%dma_start3A_1107 : memref<1000000x16xf32, #tpu.memory_space<hbm>>) target(%dma_start3A_1101 : memref<128x16xf32, #tpu.memory_space<vmem>>) offsets(%dma_start3A_1104 : memref<128xi32, #tpu.memory_space<vmem>>) semaphore(%arg12 : memref<!tpu.dma_semaphore, #tpu.memory_space<semaphore_mem>>)
        %dma_start3A_1108 = arith.constant 4 : i32
        %dma_start3A_1109 = arith.constant 4 : i32
        %dma_start3A_1110 = arith.constant 0 : i32
        %dma_start3A_1111 = arith.constant 0 : i32
        %dma_start3A_1112 = tpu.memref_slice %arg8[%dma_start3A_1109, %dma_start3A_1110, %dma_start3A_1111] : memref<20x128x16xf32, #tpu.memory_space<vmem>> -> memref<1x128x16xf32, #tpu.memory_space<vmem>>
        %dma_start3A_1113 = tpu.memref_squeeze %dma_start3A_1112 : memref<1x128x16xf32, #tpu.memory_space<vmem>> -> memref<128x16xf32, #tpu.memory_space<vmem>>
        %dma_start3A_1114 = arith.constant 0 : i32
        %dma_start3A_1115 = tpu.memref_slice %arg6[%dma_start3A_1108, %dma_start3A_1114] : memref<20x128xi32, #tpu.memory_space<vmem>> -> memref<1x128xi32, #tpu.memory_space<vmem>>
        %dma_start3A_1116 = tpu.memref_squeeze %dma_start3A_1115 : memref<1x128xi32, #tpu.memory_space<vmem>> -> memref<128xi32, #tpu.memory_space<vmem>>
        %dma_start3A_1117 = arith.constant 0 : i32
        %dma_start3A_1118 = arith.constant 0 : i32
        %dma_start3A_1119 = tpu.memref_slice %arg3[%dma_start3A_1117, %dma_start3A_1118] : memref<1000000x16xf32, #tpu.memory_space<hbm>> -> memref<1000000x16xf32, #tpu.memory_space<hbm>>
        tpu.enqueue_indirect_dma source(%dma_start3A_1119 : memref<1000000x16xf32, #tpu.memory_space<hbm>>) target(%dma_start3A_1113 : memref<128x16xf32, #tpu.memory_space<vmem>>) offsets(%dma_start3A_1116 : memref<128xi32, #tpu.memory_space<vmem>>) semaphore(%arg12 : memref<!tpu.dma_semaphore, #tpu.memory_space<semaphore_mem>>)
        %dma_start3A_1120 = arith.constant 5 : i32
        %dma_start3A_1121 = arith.constant 5 : i32
        %dma_start3A_1122 = arith.constant 0 : i32
        %dma_start3A_1123 = arith.constant 0 : i32
        %dma_start3A_1124 = tpu.memref_slice %arg8[%dma_start3A_1121, %dma_start3A_1122, %dma_start3A_1123] : memref<20x128x16xf32, #tpu.memory_space<vmem>> -> memref<1x128x16xf32, #tpu.memory_space<vmem>>
        %dma_start3A_1125 = tpu.memref_squeeze %dma_start3A_1124 : memref<1x128x16xf32, #tpu.memory_space<vmem>> -> memref<128x16xf32, #tpu.memory_space<vmem>>
        %dma_start3A_1126 = arith.constant 0 : i32
        %dma_start3A_1127 = tpu.memref_slice %arg6[%dma_start3A_1120, %dma_start3A_1126] : memref<20x128xi32, #tpu.memory_space<vmem>> -> memref<1x128xi32, #tpu.memory_space<vmem>>
        %dma_start3A_1128 = tpu.memref_squeeze %dma_start3A_1127 : memref<1x128xi32, #tpu.memory_space<vmem>> -> memref<128xi32, #tpu.memory_space<vmem>>
        %dma_start3A_1129 = arith.constant 0 : i32
        %dma_start3A_1130 = arith.constant 0 : i32
        %dma_start3A_1131 = tpu.memref_slice %arg3[%dma_start3A_1129, %dma_start3A_1130] : memref<1000000x16xf32, #tpu.memory_space<hbm>> -> memref<1000000x16xf32, #tpu.memory_space<hbm>>
        tpu.enqueue_indirect_dma source(%dma_start3A_1131 : memref<1000000x16xf32, #tpu.memory_space<hbm>>) target(%dma_start3A_1125 : memref<128x16xf32, #tpu.memory_space<vmem>>) offsets(%dma_start3A_1128 : memref<128xi32, #tpu.memory_space<vmem>>) semaphore(%arg12 : memref<!tpu.dma_semaphore, #tpu.memory_space<semaphore_mem>>)
        %dma_start3A_1132 = arith.constant 6 : i32
        %dma_start3A_1133 = arith.constant 6 : i32
        %dma_start3A_1134 = arith.constant 0 : i32
        %dma_start3A_1135 = arith.constant 0 : i32
        %dma_start3A_1136 = tpu.memref_slice %arg8[%dma_start3A_1133, %dma_start3A_1134, %dma_start3A_1135] : memref<20x128x16xf32, #tpu.memory_space<vmem>> -> memref<1x128x16xf32, #tpu.memory_space<vmem>>
        %dma_start3A_1137 = tpu.memref_squeeze %dma_start3A_1136 : memref<1x128x16xf32, #tpu.memory_space<vmem>> -> memref<128x16xf32, #tpu.memory_space<vmem>>
        %dma_start3A_1138 = arith.constant 0 : i32
        %dma_start3A_1139 = tpu.memref_slice %arg6[%dma_start3A_1132, %dma_start3A_1138] : memref<20x128xi32, #tpu.memory_space<vmem>> -> memref<1x128xi32, #tpu.memory_space<vmem>>
        %dma_start3A_1140 = tpu.memref_squeeze %dma_start3A_1139 : memref<1x128xi32, #tpu.memory_space<vmem>> -> memref<128xi32, #tpu.memory_space<vmem>>
        %dma_start3A_1141 = arith.constant 0 : i32
        %dma_start3A_1142 = arith.constant 0 : i32
        %dma_start3A_1143 = tpu.memref_slice %arg3[%dma_start3A_1141, %dma_start3A_1142] : memref<1000000x16xf32, #tpu.memory_space<hbm>> -> memref<1000000x16xf32, #tpu.memory_space<hbm>>
        tpu.enqueue_indirect_dma source(%dma_start3A_1143 : memref<1000000x16xf32, #tpu.memory_space<hbm>>) target(%dma_start3A_1137 : memref<128x16xf32, #tpu.memory_space<vmem>>) offsets(%dma_start3A_1140 : memref<128xi32, #tpu.memory_space<vmem>>) semaphore(%arg12 : memref<!tpu.dma_semaphore, #tpu.memory_space<semaphore_mem>>)
        %dma_start3A_1144 = arith.constant 7 : i32
        %dma_start3A_1145 = arith.constant 7 : i32
        %dma_start3A_1146 = arith.constant 0 : i32
        %dma_start3A_1147 = arith.constant 0 : i32
        %dma_start3A_1148 = tpu.memref_slice %arg8[%dma_start3A_1145, %dma_start3A_1146, %dma_start3A_1147] : memref<20x128x16xf32, #tpu.memory_space<vmem>> -> memref<1x128x16xf32, #tpu.memory_space<vmem>>
        %dma_start3A_1149 = tpu.memref_squeeze %dma_start3A_1148 : memref<1x128x16xf32, #tpu.memory_space<vmem>> -> memref<128x16xf32, #tpu.memory_space<vmem>>
        %dma_start3A_1150 = arith.constant 0 : i32
        %dma_start3A_1151 = tpu.memref_slice %arg6[%dma_start3A_1144, %dma_start3A_1150] : memref<20x128xi32, #tpu.memory_space<vmem>> -> memref<1x128xi32, #tpu.memory_space<vmem>>
        %dma_start3A_1152 = tpu.memref_squeeze %dma_start3A_1151 : memref<1x128xi32, #tpu.memory_space<vmem>> -> memref<128xi32, #tpu.memory_space<vmem>>
        %dma_start3A_1153 = arith.constant 0 : i32
        %dma_start3A_1154 = arith.constant 0 : i32
        %dma_start3A_1155 = tpu.memref_slice %arg3[%dma_start3A_1153, %dma_start3A_1154] : memref<1000000x16xf32, #tpu.memory_space<hbm>> -> memref<1000000x16xf32, #tpu.memory_space<hbm>>
        tpu.enqueue_indirect_dma source(%dma_start3A_1155 : memref<1000000x16xf32, #tpu.memory_space<hbm>>) target(%dma_start3A_1149 : memref<128x16xf32, #tpu.memory_space<vmem>>) offsets(%dma_start3A_1152 : memref<128xi32, #tpu.memory_space<vmem>>) semaphore(%arg12 : memref<!tpu.dma_semaphore, #tpu.memory_space<semaphore_mem>>)
        %dma_start3A_1156 = arith.constant 8 : i32
        %dma_start3A_1157 = arith.constant 8 : i32
        %dma_start3A_1158 = arith.constant 0 : i32
        %dma_start3A_1159 = arith.constant 0 : i32
        %dma_start3A_1160 = tpu.memref_slice %arg8[%dma_start3A_1157, %dma_start3A_1158, %dma_start3A_1159] : memref<20x128x16xf32, #tpu.memory_space<vmem>> -> memref<1x128x16xf32, #tpu.memory_space<vmem>>
        %dma_start3A_1161 = tpu.memref_squeeze %dma_start3A_1160 : memref<1x128x16xf32, #tpu.memory_space<vmem>> -> memref<128x16xf32, #tpu.memory_space<vmem>>
        %dma_start3A_1162 = arith.constant 0 : i32
        %dma_start3A_1163 = tpu.memref_slice %arg6[%dma_start3A_1156, %dma_start3A_1162] : memref<20x128xi32, #tpu.memory_space<vmem>> -> memref<1x128xi32, #tpu.memory_space<vmem>>
        %dma_start3A_1164 = tpu.memref_squeeze %dma_start3A_1163 : memref<1x128xi32, #tpu.memory_space<vmem>> -> memref<128xi32, #tpu.memory_space<vmem>>
        %dma_start3A_1165 = arith.constant 0 : i32
        %dma_start3A_1166 = arith.constant 0 : i32
        %dma_start3A_1167 = tpu.memref_slice %arg3[%dma_start3A_1165, %dma_start3A_1166] : memref<1000000x16xf32, #tpu.memory_space<hbm>> -> memref<1000000x16xf32, #tpu.memory_space<hbm>>
        tpu.enqueue_indirect_dma source(%dma_start3A_1167 : memref<1000000x16xf32, #tpu.memory_space<hbm>>) target(%dma_start3A_1161 : memref<128x16xf32, #tpu.memory_space<vmem>>) offsets(%dma_start3A_1164 : memref<128xi32, #tpu.memory_space<vmem>>) semaphore(%arg12 : memref<!tpu.dma_semaphore, #tpu.memory_space<semaphore_mem>>)
        %dma_start3A_1168 = arith.constant 9 : i32
        %dma_start3A_1169 = arith.constant 9 : i32
        %dma_start3A_1170 = arith.constant 0 : i32
        %dma_start3A_1171 = arith.constant 0 : i32
        %dma_start3A_1172 = tpu.memref_slice %arg8[%dma_start3A_1169, %dma_start3A_1170, %dma_start3A_1171] : memref<20x128x16xf32, #tpu.memory_space<vmem>> -> memref<1x128x16xf32, #tpu.memory_space<vmem>>
        %dma_start3A_1173 = tpu.memref_squeeze %dma_start3A_1172 : memref<1x128x16xf32, #tpu.memory_space<vmem>> -> memref<128x16xf32, #tpu.memory_space<vmem>>
        %dma_start3A_1174 = arith.constant 0 : i32
        %dma_start3A_1175 = tpu.memref_slice %arg6[%dma_start3A_1168, %dma_start3A_1174] : memref<20x128xi32, #tpu.memory_space<vmem>> -> memref<1x128xi32, #tpu.memory_space<vmem>>
        %dma_start3A_1176 = tpu.memref_squeeze %dma_start3A_1175 : memref<1x128xi32, #tpu.memory_space<vmem>> -> memref<128xi32, #tpu.memory_space<vmem>>
        %dma_start3A_1177 = arith.constant 0 : i32
        %dma_start3A_1178 = arith.constant 0 : i32
        %dma_start3A_1179 = tpu.memref_slice %arg3[%dma_start3A_1177, %dma_start3A_1178] : memref<1000000x16xf32, #tpu.memory_space<hbm>> -> memref<1000000x16xf32, #tpu.memory_space<hbm>>
        tpu.enqueue_indirect_dma source(%dma_start3A_1179 : memref<1000000x16xf32, #tpu.memory_space<hbm>>) target(%dma_start3A_1173 : memref<128x16xf32, #tpu.memory_space<vmem>>) offsets(%dma_start3A_1176 : memref<128xi32, #tpu.memory_space<vmem>>) semaphore(%arg12 : memref<!tpu.dma_semaphore, #tpu.memory_space<semaphore_mem>>)
        %dma_start3A_1180 = arith.constant 10 : i32
        %dma_start3A_1181 = arith.constant 10 : i32
        %dma_start3A_1182 = arith.constant 0 : i32
        %dma_start3A_1183 = arith.constant 0 : i32
        %dma_start3A_1184 = tpu.memref_slice %arg8[%dma_start3A_1181, %dma_start3A_1182, %dma_start3A_1183] : memref<20x128x16xf32, #tpu.memory_space<vmem>> -> memref<1x128x16xf32, #tpu.memory_space<vmem>>
        %dma_start3A_1185 = tpu.memref_squeeze %dma_start3A_1184 : memref<1x128x16xf32, #tpu.memory_space<vmem>> -> memref<128x16xf32, #tpu.memory_space<vmem>>
        %dma_start3A_1186 = arith.constant 0 : i32
        %dma_start3A_1187 = tpu.memref_slice %arg6[%dma_start3A_1180, %dma_start3A_1186] : memref<20x128xi32, #tpu.memory_space<vmem>> -> memref<1x128xi32, #tpu.memory_space<vmem>>
        %dma_start3A_1188 = tpu.memref_squeeze %dma_start3A_1187 : memref<1x128xi32, #tpu.memory_space<vmem>> -> memref<128xi32, #tpu.memory_space<vmem>>
        %dma_start3A_1189 = arith.constant 0 : i32
        %dma_start3A_1190 = arith.constant 0 : i32
        %dma_start3A_1191 = tpu.memref_slice %arg3[%dma_start3A_1189, %dma_start3A_1190] : memref<1000000x16xf32, #tpu.memory_space<hbm>> -> memref<1000000x16xf32, #tpu.memory_space<hbm>>
        tpu.enqueue_indirect_dma source(%dma_start3A_1191 : memref<1000000x16xf32, #tpu.memory_space<hbm>>) target(%dma_start3A_1185 : memref<128x16xf32, #tpu.memory_space<vmem>>) offsets(%dma_start3A_1188 : memref<128xi32, #tpu.memory_space<vmem>>) semaphore(%arg12 : memref<!tpu.dma_semaphore, #tpu.memory_space<semaphore_mem>>)
        %dma_start3A_1192 = arith.constant 11 : i32
        %dma_start3A_1193 = arith.constant 11 : i32
        %dma_start3A_1194 = arith.constant 0 : i32
        %dma_start3A_1195 = arith.constant 0 : i32
        %dma_start3A_1196 = tpu.memref_slice %arg8[%dma_start3A_1193, %dma_start3A_1194, %dma_start3A_1195] : memref<20x128x16xf32, #tpu.memory_space<vmem>> -> memref<1x128x16xf32, #tpu.memory_space<vmem>>
        %dma_start3A_1197 = tpu.memref_squeeze %dma_start3A_1196 : memref<1x128x16xf32, #tpu.memory_space<vmem>> -> memref<128x16xf32, #tpu.memory_space<vmem>>
        %dma_start3A_1198 = arith.constant 0 : i32
        %dma_start3A_1199 = tpu.memref_slice %arg6[%dma_start3A_1192, %dma_start3A_1198] : memref<20x128xi32, #tpu.memory_space<vmem>> -> memref<1x128xi32, #tpu.memory_space<vmem>>
        %dma_start3A_1200 = tpu.memref_squeeze %dma_start3A_1199 : memref<1x128xi32, #tpu.memory_space<vmem>> -> memref<128xi32, #tpu.memory_space<vmem>>
        %dma_start3A_1201 = arith.constant 0 : i32
        %dma_start3A_1202 = arith.constant 0 : i32
        %dma_start3A_1203 = tpu.memref_slice %arg3[%dma_start3A_1201, %dma_start3A_1202] : memref<1000000x16xf32, #tpu.memory_space<hbm>> -> memref<1000000x16xf32, #tpu.memory_space<hbm>>
        tpu.enqueue_indirect_dma source(%dma_start3A_1203 : memref<1000000x16xf32, #tpu.memory_space<hbm>>) target(%dma_start3A_1197 : memref<128x16xf32, #tpu.memory_space<vmem>>) offsets(%dma_start3A_1200 : memref<128xi32, #tpu.memory_space<vmem>>) semaphore(%arg12 : memref<!tpu.dma_semaphore, #tpu.memory_space<semaphore_mem>>)
        %dma_start3A_1204 = arith.constant 12 : i32
        %dma_start3A_1205 = arith.constant 12 : i32
        %dma_start3A_1206 = arith.constant 0 : i32
        %dma_start3A_1207 = arith.constant 0 : i32
        %dma_start3A_1208 = tpu.memref_slice %arg8[%dma_start3A_1205, %dma_start3A_1206, %dma_start3A_1207] : memref<20x128x16xf32, #tpu.memory_space<vmem>> -> memref<1x128x16xf32, #tpu.memory_space<vmem>>
        %dma_start3A_1209 = tpu.memref_squeeze %dma_start3A_1208 : memref<1x128x16xf32, #tpu.memory_space<vmem>> -> memref<128x16xf32, #tpu.memory_space<vmem>>
        %dma_start3A_1210 = arith.constant 0 : i32
        %dma_start3A_1211 = tpu.memref_slice %arg6[%dma_start3A_1204, %dma_start3A_1210] : memref<20x128xi32, #tpu.memory_space<vmem>> -> memref<1x128xi32, #tpu.memory_space<vmem>>
        %dma_start3A_1212 = tpu.memref_squeeze %dma_start3A_1211 : memref<1x128xi32, #tpu.memory_space<vmem>> -> memref<128xi32, #tpu.memory_space<vmem>>
        %dma_start3A_1213 = arith.constant 0 : i32
        %dma_start3A_1214 = arith.constant 0 : i32
        %dma_start3A_1215 = tpu.memref_slice %arg3[%dma_start3A_1213, %dma_start3A_1214] : memref<1000000x16xf32, #tpu.memory_space<hbm>> -> memref<1000000x16xf32, #tpu.memory_space<hbm>>
        tpu.enqueue_indirect_dma source(%dma_start3A_1215 : memref<1000000x16xf32, #tpu.memory_space<hbm>>) target(%dma_start3A_1209 : memref<128x16xf32, #tpu.memory_space<vmem>>) offsets(%dma_start3A_1212 : memref<128xi32, #tpu.memory_space<vmem>>) semaphore(%arg12 : memref<!tpu.dma_semaphore, #tpu.memory_space<semaphore_mem>>)
        %dma_start3A_1216 = arith.constant 13 : i32
        %dma_start3A_1217 = arith.constant 13 : i32
        %dma_start3A_1218 = arith.constant 0 : i32
        %dma_start3A_1219 = arith.constant 0 : i32
        %dma_start3A_1220 = tpu.memref_slice %arg8[%dma_start3A_1217, %dma_start3A_1218, %dma_start3A_1219] : memref<20x128x16xf32, #tpu.memory_space<vmem>> -> memref<1x128x16xf32, #tpu.memory_space<vmem>>
        %dma_start3A_1221 = tpu.memref_squeeze %dma_start3A_1220 : memref<1x128x16xf32, #tpu.memory_space<vmem>> -> memref<128x16xf32, #tpu.memory_space<vmem>>
        %dma_start3A_1222 = arith.constant 0 : i32
        %dma_start3A_1223 = tpu.memref_slice %arg6[%dma_start3A_1216, %dma_start3A_1222] : memref<20x128xi32, #tpu.memory_space<vmem>> -> memref<1x128xi32, #tpu.memory_space<vmem>>
        %dma_start3A_1224 = tpu.memref_squeeze %dma_start3A_1223 : memref<1x128xi32, #tpu.memory_space<vmem>> -> memref<128xi32, #tpu.memory_space<vmem>>
        %dma_start3A_1225 = arith.constant 0 : i32
        %dma_start3A_1226 = arith.constant 0 : i32
        %dma_start3A_1227 = tpu.memref_slice %arg3[%dma_start3A_1225, %dma_start3A_1226] : memref<1000000x16xf32, #tpu.memory_space<hbm>> -> memref<1000000x16xf32, #tpu.memory_space<hbm>>
        tpu.enqueue_indirect_dma source(%dma_start3A_1227 : memref<1000000x16xf32, #tpu.memory_space<hbm>>) target(%dma_start3A_1221 : memref<128x16xf32, #tpu.memory_space<vmem>>) offsets(%dma_start3A_1224 : memref<128xi32, #tpu.memory_space<vmem>>) semaphore(%arg12 : memref<!tpu.dma_semaphore, #tpu.memory_space<semaphore_mem>>)
        %dma_start3A_1228 = arith.constant 14 : i32
        %dma_start3A_1229 = arith.constant 14 : i32
        %dma_start3A_1230 = arith.constant 0 : i32
        %dma_start3A_1231 = arith.constant 0 : i32
        %dma_start3A_1232 = tpu.memref_slice %arg8[%dma_start3A_1229, %dma_start3A_1230, %dma_start3A_1231] : memref<20x128x16xf32, #tpu.memory_space<vmem>> -> memref<1x128x16xf32, #tpu.memory_space<vmem>>
        %dma_start3A_1233 = tpu.memref_squeeze %dma_start3A_1232 : memref<1x128x16xf32, #tpu.memory_space<vmem>> -> memref<128x16xf32, #tpu.memory_space<vmem>>
        %dma_start3A_1234 = arith.constant 0 : i32
        %dma_start3A_1235 = tpu.memref_slice %arg6[%dma_start3A_1228, %dma_start3A_1234] : memref<20x128xi32, #tpu.memory_space<vmem>> -> memref<1x128xi32, #tpu.memory_space<vmem>>
        %dma_start3A_1236 = tpu.memref_squeeze %dma_start3A_1235 : memref<1x128xi32, #tpu.memory_space<vmem>> -> memref<128xi32, #tpu.memory_space<vmem>>
        %dma_start3A_1237 = arith.constant 0 : i32
        %dma_start3A_1238 = arith.constant 0 : i32
        %dma_start3A_1239 = tpu.memref_slice %arg3[%dma_start3A_1237, %dma_start3A_1238] : memref<1000000x16xf32, #tpu.memory_space<hbm>> -> memref<1000000x16xf32, #tpu.memory_space<hbm>>
        tpu.enqueue_indirect_dma source(%dma_start3A_1239 : memref<1000000x16xf32, #tpu.memory_space<hbm>>) target(%dma_start3A_1233 : memref<128x16xf32, #tpu.memory_space<vmem>>) offsets(%dma_start3A_1236 : memref<128xi32, #tpu.memory_space<vmem>>) semaphore(%arg12 : memref<!tpu.dma_semaphore, #tpu.memory_space<semaphore_mem>>)
        %dma_start3A_1240 = arith.constant 15 : i32
        %dma_start3A_1241 = arith.constant 15 : i32
        %dma_start3A_1242 = arith.constant 0 : i32
        %dma_start3A_1243 = arith.constant 0 : i32
        %dma_start3A_1244 = tpu.memref_slice %arg8[%dma_start3A_1241, %dma_start3A_1242, %dma_start3A_1243] : memref<20x128x16xf32, #tpu.memory_space<vmem>> -> memref<1x128x16xf32, #tpu.memory_space<vmem>>
        %dma_start3A_1245 = tpu.memref_squeeze %dma_start3A_1244 : memref<1x128x16xf32, #tpu.memory_space<vmem>> -> memref<128x16xf32, #tpu.memory_space<vmem>>
        %dma_start3A_1246 = arith.constant 0 : i32
        %dma_start3A_1247 = tpu.memref_slice %arg6[%dma_start3A_1240, %dma_start3A_1246] : memref<20x128xi32, #tpu.memory_space<vmem>> -> memref<1x128xi32, #tpu.memory_space<vmem>>
        %dma_start3A_1248 = tpu.memref_squeeze %dma_start3A_1247 : memref<1x128xi32, #tpu.memory_space<vmem>> -> memref<128xi32, #tpu.memory_space<vmem>>
        %dma_start3A_1249 = arith.constant 0 : i32
        %dma_start3A_1250 = arith.constant 0 : i32
        %dma_start3A_1251 = tpu.memref_slice %arg3[%dma_start3A_1249, %dma_start3A_1250] : memref<1000000x16xf32, #tpu.memory_space<hbm>> -> memref<1000000x16xf32, #tpu.memory_space<hbm>>
        tpu.enqueue_indirect_dma source(%dma_start3A_1251 : memref<1000000x16xf32, #tpu.memory_space<hbm>>) target(%dma_start3A_1245 : memref<128x16xf32, #tpu.memory_space<vmem>>) offsets(%dma_start3A_1248 : memref<128xi32, #tpu.memory_space<vmem>>) semaphore(%arg12 : memref<!tpu.dma_semaphore, #tpu.memory_space<semaphore_mem>>)
        %dma_start3A_1252 = arith.constant 16 : i32
        %dma_start3A_1253 = arith.constant 16 : i32
        %dma_start3A_1254 = arith.constant 0 : i32
        %dma_start3A_1255 = arith.constant 0 : i32
        %dma_start3A_1256 = tpu.memref_slice %arg8[%dma_start3A_1253, %dma_start3A_1254, %dma_start3A_1255] : memref<20x128x16xf32, #tpu.memory_space<vmem>> -> memref<1x128x16xf32, #tpu.memory_space<vmem>>
        %dma_start3A_1257 = tpu.memref_squeeze %dma_start3A_1256 : memref<1x128x16xf32, #tpu.memory_space<vmem>> -> memref<128x16xf32, #tpu.memory_space<vmem>>
        %dma_start3A_1258 = arith.constant 0 : i32
        %dma_start3A_1259 = tpu.memref_slice %arg6[%dma_start3A_1252, %dma_start3A_1258] : memref<20x128xi32, #tpu.memory_space<vmem>> -> memref<1x128xi32, #tpu.memory_space<vmem>>
        %dma_start3A_1260 = tpu.memref_squeeze %dma_start3A_1259 : memref<1x128xi32, #tpu.memory_space<vmem>> -> memref<128xi32, #tpu.memory_space<vmem>>
        %dma_start3A_1261 = arith.constant 0 : i32
        %dma_start3A_1262 = arith.constant 0 : i32
        %dma_start3A_1263 = tpu.memref_slice %arg3[%dma_start3A_1261, %dma_start3A_1262] : memref<1000000x16xf32, #tpu.memory_space<hbm>> -> memref<1000000x16xf32, #tpu.memory_space<hbm>>
        tpu.enqueue_indirect_dma source(%dma_start3A_1263 : memref<1000000x16xf32, #tpu.memory_space<hbm>>) target(%dma_start3A_1257 : memref<128x16xf32, #tpu.memory_space<vmem>>) offsets(%dma_start3A_1260 : memref<128xi32, #tpu.memory_space<vmem>>) semaphore(%arg12 : memref<!tpu.dma_semaphore, #tpu.memory_space<semaphore_mem>>)
        %dma_start3A_1264 = arith.constant 17 : i32
        %dma_start3A_1265 = arith.constant 17 : i32
        %dma_start3A_1266 = arith.constant 0 : i32
        %dma_start3A_1267 = arith.constant 0 : i32
        %dma_start3A_1268 = tpu.memref_slice %arg8[%dma_start3A_1265, %dma_start3A_1266, %dma_start3A_1267] : memref<20x128x16xf32, #tpu.memory_space<vmem>> -> memref<1x128x16xf32, #tpu.memory_space<vmem>>
        %dma_start3A_1269 = tpu.memref_squeeze %dma_start3A_1268 : memref<1x128x16xf32, #tpu.memory_space<vmem>> -> memref<128x16xf32, #tpu.memory_space<vmem>>
        %dma_start3A_1270 = arith.constant 0 : i32
        %dma_start3A_1271 = tpu.memref_slice %arg6[%dma_start3A_1264, %dma_start3A_1270] : memref<20x128xi32, #tpu.memory_space<vmem>> -> memref<1x128xi32, #tpu.memory_space<vmem>>
        %dma_start3A_1272 = tpu.memref_squeeze %dma_start3A_1271 : memref<1x128xi32, #tpu.memory_space<vmem>> -> memref<128xi32, #tpu.memory_space<vmem>>
        %dma_start3A_1273 = arith.constant 0 : i32
        %dma_start3A_1274 = arith.constant 0 : i32
        %dma_start3A_1275 = tpu.memref_slice %arg3[%dma_start3A_1273, %dma_start3A_1274] : memref<1000000x16xf32, #tpu.memory_space<hbm>> -> memref<1000000x16xf32, #tpu.memory_space<hbm>>
        tpu.enqueue_indirect_dma source(%dma_start3A_1275 : memref<1000000x16xf32, #tpu.memory_space<hbm>>) target(%dma_start3A_1269 : memref<128x16xf32, #tpu.memory_space<vmem>>) offsets(%dma_start3A_1272 : memref<128xi32, #tpu.memory_space<vmem>>) semaphore(%arg12 : memref<!tpu.dma_semaphore, #tpu.memory_space<semaphore_mem>>)
        %dma_start3A_1276 = arith.constant 18 : i32
        %dma_start3A_1277 = arith.constant 18 : i32
        %dma_start3A_1278 = arith.constant 0 : i32
        %dma_start3A_1279 = arith.constant 0 : i32
        %dma_start3A_1280 = tpu.memref_slice %arg8[%dma_start3A_1277, %dma_start3A_1278, %dma_start3A_1279] : memref<20x128x16xf32, #tpu.memory_space<vmem>> -> memref<1x128x16xf32, #tpu.memory_space<vmem>>
        %dma_start3A_1281 = tpu.memref_squeeze %dma_start3A_1280 : memref<1x128x16xf32, #tpu.memory_space<vmem>> -> memref<128x16xf32, #tpu.memory_space<vmem>>
        %dma_start3A_1282 = arith.constant 0 : i32
        %dma_start3A_1283 = tpu.memref_slice %arg6[%dma_start3A_1276, %dma_start3A_1282] : memref<20x128xi32, #tpu.memory_space<vmem>> -> memref<1x128xi32, #tpu.memory_space<vmem>>
        %dma_start3A_1284 = tpu.memref_squeeze %dma_start3A_1283 : memref<1x128xi32, #tpu.memory_space<vmem>> -> memref<128xi32, #tpu.memory_space<vmem>>
        %dma_start3A_1285 = arith.constant 0 : i32
        %dma_start3A_1286 = arith.constant 0 : i32
        %dma_start3A_1287 = tpu.memref_slice %arg3[%dma_start3A_1285, %dma_start3A_1286] : memref<1000000x16xf32, #tpu.memory_space<hbm>> -> memref<1000000x16xf32, #tpu.memory_space<hbm>>
        tpu.enqueue_indirect_dma source(%dma_start3A_1287 : memref<1000000x16xf32, #tpu.memory_space<hbm>>) target(%dma_start3A_1281 : memref<128x16xf32, #tpu.memory_space<vmem>>) offsets(%dma_start3A_1284 : memref<128xi32, #tpu.memory_space<vmem>>) semaphore(%arg12 : memref<!tpu.dma_semaphore, #tpu.memory_space<semaphore_mem>>)
        %dma_start3A_1288 = arith.constant 19 : i32
        %dma_start3A_1289 = arith.constant 19 : i32
        %dma_start3A_1290 = arith.constant 0 : i32
        %dma_start3A_1291 = arith.constant 0 : i32
        %dma_start3A_1292 = tpu.memref_slice %arg8[%dma_start3A_1289, %dma_start3A_1290, %dma_start3A_1291] : memref<20x128x16xf32, #tpu.memory_space<vmem>> -> memref<1x128x16xf32, #tpu.memory_space<vmem>>
        %dma_start3A_1293 = tpu.memref_squeeze %dma_start3A_1292 : memref<1x128x16xf32, #tpu.memory_space<vmem>> -> memref<128x16xf32, #tpu.memory_space<vmem>>
        %dma_start3A_1294 = arith.constant 0 : i32
        %dma_start3A_1295 = tpu.memref_slice %arg6[%dma_start3A_1288, %dma_start3A_1294] : memref<20x128xi32, #tpu.memory_space<vmem>> -> memref<1x128xi32, #tpu.memory_space<vmem>>
        %dma_start3A_1296 = tpu.memref_squeeze %dma_start3A_1295 : memref<1x128xi32, #tpu.memory_space<vmem>> -> memref<128xi32, #tpu.memory_space<vmem>>
        %dma_start3A_1297 = arith.constant 0 : i32
        %dma_start3A_1298 = arith.constant 0 : i32
        %dma_start3A_1299 = tpu.memref_slice %arg3[%dma_start3A_1297, %dma_start3A_1298] : memref<1000000x16xf32, #tpu.memory_space<hbm>> -> memref<1000000x16xf32, #tpu.memory_space<hbm>>
        tpu.enqueue_indirect_dma source(%dma_start3A_1299 : memref<1000000x16xf32, #tpu.memory_space<hbm>>) target(%dma_start3A_1293 : memref<128x16xf32, #tpu.memory_space<vmem>>) offsets(%dma_start3A_1296 : memref<128xi32, #tpu.memory_space<vmem>>) semaphore(%arg12 : memref<!tpu.dma_semaphore, #tpu.memory_space<semaphore_mem>>)
      } else {
      }
    }
    %scan3A_488 = arith.constant 25 : i32
    %dma_wait3A = arith.constant 0 : i32
    %dma_wait3A_489 = arith.constant 0 : i32
    %dma_wait3A_490 = tpu.memref_slice %arg4[%mul3A_2, %dma_wait3A, %dma_wait3A_489] : memref<4096x50x16xf32, #tpu.memory_space<hbm>> -> memref<128x1x16xf32, #tpu.memory_space<hbm>>
    %dma_wait3A_491 = arith.constant 0 : i32
    %dma_wait3A_492 = arith.constant 0 : i32
    %dma_wait3A_493 = tpu.memref_slice %arg4[%mul3A_2, %dma_wait3A_491, %dma_wait3A_492] : memref<4096x50x16xf32, #tpu.memory_space<hbm>> -> memref<128x1x16xf32, #tpu.memory_space<hbm>>
    tpu.wait_dma2 semaphore(%arg13 : memref<!tpu.dma_semaphore, #tpu.memory_space<semaphore_mem>>) src(%arg9 : memref<128x1x16xf32, #tpu.memory_space<vmem>>) dst(%dma_wait3A_493 : memref<128x1x16xf32, #tpu.memory_space<hbm>>)
    %dma_wait3A_494 = arith.constant 0 : i32
    %dma_wait3A_495 = arith.constant 0 : i32
    %dma_wait3A_496 = tpu.memref_slice %arg4[%mul3A_2, %dma_wait3A_494, %dma_wait3A_495] : memref<4096x50x16xf32, #tpu.memory_space<hbm>> -> memref<128x1x16xf32, #tpu.memory_space<hbm>>
    %dma_wait3A_497 = arith.constant 0 : i32
    %dma_wait3A_498 = arith.constant 0 : i32
    %dma_wait3A_499 = tpu.memref_slice %arg4[%mul3A_2, %dma_wait3A_497, %dma_wait3A_498] : memref<4096x50x16xf32, #tpu.memory_space<hbm>> -> memref<128x1x16xf32, #tpu.memory_space<hbm>>
    tpu.wait_dma2 semaphore(%arg14 : memref<!tpu.dma_semaphore, #tpu.memory_space<semaphore_mem>>) src(%arg10 : memref<128x1x16xf32, #tpu.memory_space<vmem>>) dst(%dma_wait3A_499 : memref<128x1x16xf32, #tpu.memory_space<hbm>>)
    return
  }
}

</mosaic_0001>

<sc_bundles>
// kernel: _embed_sum.3.cloned.1.call-start
scs
__scs_entry_jumppad:
0x0: {  	(pc) =	sbr.rel $0x88, $3  }
0x1: {  	(tag) =	ssettag $0x0;
	lr =	simm.s32 $0x1  }
0x2: {  	[smem:$0x3F9F] =	sst lr;
	_ =	strace $0xD0000000  }
0x3: {  	_ = 	snop  }
0x4: {  	_ = 	snop  }
0x5: {  	_ = 	snop  }
0x6: {  	_ = 	snop  }
0x7: {  	_ = 	snop  }
__scs_overlays_trampoline_lowered:
0x8: {  	[smem:$0x3FAE] =	sst s0  }
0x9: {  	[smem:$0x3FAF] =	sst s1  }
0xa: {  	[smem:$0x3FB0] =	sst s2  }
0xb: {  	[smem:$0x3FB1] =	sst s3  }
0xc: {  	[smem:$0x3FB2] =	sst s4  }
0xd: {  	[smem:$0x3FB3] =	sst s5  }
0xe: {  	[smem:$0x3FB4] =	sst s6  }
0xf: {  	[smem:$0x3FB5] =	sst s7  }
0x10: {  	[smem:$0x3FB6] =	sst s8  }
0x11: {  	[smem:$0x3FB7] =	sst s9;
	s0 =	simm.s32 @!p0 $0x0  }
0x12: {  	s1 =	sld [smem:$0x3F9D];
	s0 =	simm.s32 @p0 $0x1  }
0x13: {  	[smem:$0x3FB8] =	sst s0;
	s0 =	simm.s32 @!p1 $0x0  }
0x14: {  	s2 =	sld [smem:$0x3F9C];
	s0 =	simm.s32 @p1 $0x1  }
0x15: {  	[smem:$0x3FB9] =	sst s0;
	s0 =	simm.s32 @!p2 $0x0  }
0x16: {  	s3 =	sld [smem:$0x3FDB];
	s0 =	simm.s32 @p2 $0x1  }
0x17: {  	s4 =	simm.s32 $0x1BF5;
	[smem:$0x3FBB] =	sst s0  }
0x18: {  	s0 =	sld [smem:$0x3F9E];
	_ =	swait.ge [sflag:s4], $0x0  }
0x19: {  	s7 =	sld [smem:$0x3F9F]  }
0x1a: {  	s8 =	sadd.s32 $0xFFFFE003, lr  }
0x1b: {  	s9 =	sadd.s32 $0xFFFFFEF7, lr;
	s5 =	simm.s32 $0xFFFFFFFF;
	p2 =	slt.u32 s8, $0xFFFFF086  }
0x1c: {  	p1 =	slt.u32 s9, $0xF7A;
	s5 =	simm.s32 @!p2 $0x0  }
0x1d: {  	s5 =	simm.s32 @p1 $0x1;
	p0 =	seq.s32 s7, s2  }
0x1e: {  	s7 =	smul.u32 @!p0 $0xF7A, s2;
	p2 =	seq.s32 @!p0 s5, $0x0  }
0x1f: {  	s9 =	smul.u32 $0xF7A, s1;
	s8 =	simm.s32 @!p0 $0x1BF5;
	p2 =	por !p2, p0  }
0x20: {  	[sflag:s8] =	ssyncset.s32 @!p0 $0xFFFFF086;
	s6 =	sadd.s32 @!p0 s3, s7;
	s7 =	simm.s32 @!p0 $0x108  }
0x21: {  	s3 =	sadd.s32 s3, s9;
	s6 =	sadd.s32 @!p0 $0x88, s6;
	s7 =	simm.s32 @p2 $0x1082  }
0x22: {  	[simem:s7], [sflag:s8] =	dma.local @!p0 [hbm:s6], $0xF7A  }
0x23: {  	s9 =	sor.u32 $0xD0000000, s2;
	s6 =	simm.s32 $0x108;
	_ =	swait.ge @!p0 [sflag:s8], $0x0  }
0x24: {  	s3 =	sadd.s32 $0x88, s3;
	s6 =	simm.s32 @!p1 $0x1082;
	[sflag:s4] =	ssyncset.s32 $0xFFFFF086  }
0x25: {  	[simem:s6], [sflag:s4] =	dma.local [hbm:s3], $0xF7A  }
0x26: {  	[smem:$0x3F9F] =	sst s1;
	(tag) =	ssettag s2;
	_ =	strace s9  }
0x27: {  	s1 =	sld [smem:$0x3FAF]  }
0x28: {  	s2 =	sld [smem:$0x3FB0]  }
0x29: {  	s4 =	sld [smem:$0x3FB2]  }
0x2a: {  	p0 =	seq.s32 s5, $0x0;
	s5 =	sld [smem:$0x3FB3]  }
0x2b: {  	s6 =	sld [smem:$0x3FB4]  }
0x2c: {  	s7 =	sld [smem:$0x3FB5]  }
0x2d: {  	s3 =	simm.s32 $0x108;
	s8 =	sld [smem:$0x3FB6]  }
0x2e: {  	s3 =	simm.s32 @!p0 $0x1082;
	s9 =	sld [smem:$0x3FB7]  }
0x2f: {  	lr =	sadd.s32 s0, s3;
	s0 =	sld [smem:$0x3FAE]  }
0x30: {  	s3 =	sld [smem:$0x3FB1]  }
0x31: {  	[smem:$0x3FBA] =	sst s10  }
0x32: {  	s10 =	sld [smem:$0x3FB8];
	_ =	sdelay $0x3  }
0x33: {  	p0 =	seq.s32 s10, $0x1;
	s10 =	sld [smem:$0x3FBA];
	_ =	sdelay $0x3  }
0x34: {  	[smem:$0x3FBA] =	sst s10  }
0x35: {  	s10 =	sld [smem:$0x3FB9];
	_ =	sdelay $0x3  }
0x36: {  	p1 =	seq.s32 s10, $0x1;
	s10 =	sld [smem:$0x3FBA];
	_ =	sdelay $0x3  }
0x37: {  	[smem:$0x3FBA] =	sst s10  }
0x38: {  	s10 =	sld [smem:$0x3FBB]  }
0x39: {  	_ = 	snop;
	(pc) =	sbr.ind lr, $3  }
0x3a: {  	_ = 	snop  }
0x3b: {  	_ = 	snop  }
0x3c: {  	p2 =	seq.s32 s10, $0x1;
	s10 =	sld [smem:$0x3FBA]  }
0x3d: {  	_ =	shalt  }
0x3e: {  	_ =	shalt  }
0x3f: {  	_ =	shalt  }
0x40: {  	_ =	shalt  }
0x41: {  	_ =	shalt  }
0x42: {  	_ =	shalt  }
0x43: {  	_ =	shalt  }
0x44: {  	_ =	shalt  }
0x45: {  	_ =	shalt  }
0x46: {  	_ =	shalt  }
0x47: {  	_ =	shalt  }
0x48: {  	_ =	shalt  }
0x49: {  	_ =	shalt  }
0x4a: {  	_ =	shalt  }
0x4b: {  	_ =	shalt  }
0x4c: {  	_ =	shalt  }
0x4d: {  	_ =	shalt  }
0x4e: {  	_ =	shalt  }
0x4f: {  	_ =	shalt  }
0x50: {  	_ =	shalt  }
0x51: {  	_ =	shalt  }
0x52: {  	_ =	shalt  }
0x53: {  	_ =	shalt  }
0x54: {  	_ =	shalt  }
0x55: {  	_ =	shalt  }
0x56: {  	_ =	shalt  }
0x57: {  	_ =	shalt  }
0x58: {  	_ =	shalt  }
0x59: {  	_ =	shalt  }
0x5a: {  	_ =	shalt  }
0x5b: {  	_ =	shalt  }
0x5c: {  	_ =	shalt  }
0x5d: {  	_ =	shalt  }
0x5e: {  	_ =	shalt  }
0x5f: {  	_ =	shalt  }
0x60: {  	_ =	shalt  }
0x61: {  	_ =	shalt  }
0x62: {  	_ =	shalt  }
0x63: {  	_ =	shalt  }
0x64: {  	_ =	shalt  }
0x65: {  	_ =	shalt  }
0x66: {  	_ =	shalt  }
0x67: {  	_ =	shalt  }
0x68: {  	_ =	shalt  }
0x69: {  	_ =	shalt  }
0x6a: {  	_ =	shalt  }
0x6b: {  	_ =	shalt  }
0x6c: {  	_ =	shalt  }
0x6d: {  	_ =	shalt  }
0x6e: {  	_ =	shalt  }
0x6f: {  	_ =	shalt  }
0x70: {  	_ =	shalt  }
0x71: {  	_ =	shalt  }
0x72: {  	_ =	shalt  }
0x73: {  	_ =	shalt  }
0x74: {  	_ =	shalt  }
0x75: {  	_ =	shalt  }
0x76: {  	_ =	shalt  }
0x77: {  	_ =	shalt  }
0x78: {  	_ =	shalt  }
0x79: {  	_ =	shalt  }
0x7a: {  	_ =	shalt  }
0x7b: {  	_ =	shalt  }
0x7c: {  	_ =	shalt  }
0x7d: {  	_ =	shalt  }
0x7e: {  	_ =	shalt  }
0x7f: {  	_ =	shalt  }
0x80: {  	_ =	shalt  }
0x81: {  	_ =	shalt  }
0x82: {  	_ =	shalt  }
0x83: {  	_ =	shalt  }
0x84: {  	_ =	shalt  }
0x85: {  	_ =	shalt  }
0x86: {  	_ =	shalt  }
0x87: {  	_ =	shalt  }
.Lfunc_end0:
.L_simem_size_0:
called_computation_lowered:
.L_overlay_start_0:
0x88: {  	s2 =	sld [smem:$0x3FD9]  }
0x89: {  	s3 =	sld [smem:$0x3FFE];
	_ =	sdelay $0x1  }
0x8a: {  	s1 =	srdreg.scid  }
0x8b: {  	s0 =	sand.u32 $0x1, s1  }
0x8c: {  	s17 =	sshll.u32 s0, $0xA;
	s2 =	sadd.s32 s3, s2  }
0x8d: {  	s2 =	sadd.s32 s2, s17  }
0x8e: {  	[smem:$0x3FC6] =	sst s2  }
0x8f: {  	_ = 	snop  }
0x90: {  	s2 =	sld [smem:$0x3FC9]  }
0x91: {  	s18 =	sld [smem:$0x3FD0];
	(tm) =	ssettm $0x1  }
0x92: {  	s4 =	sld [smem:$0x3FFB];
	_ =	sdelay $0x3  }
0x93: {  	_ =	strace s4  }
0x94: {  	s4 =	sld [smem:$0x3FFC];
	_ =	sdelay $0x3  }
0x95: {  	_ =	strace s4  }
0x96: {  	s4 =	sld [smem:$0x3FFD];
	_ =	sdelay $0x3  }
0x97: {  	_ =	strace s4  }
0x98: {  	_ =	strace $0x8FFFFFFF  }
0x99: {  	s19 =	sld [smem:$0x3FDB];
	_ =	sdelay $0x1  }
0x9a: {  	s5 =	simm.s32 $_scs_section_size  }
0x9b: {  	s6 =	simm.s32 $_size__tile_overlayer_lowered;
	s7 =	simm.s32 $_tile_overlayer_lowered  }
0x9c: {  	s22 =	simm.s32 $0x1BFF;
	s21 =	sshll.u32 s7, $0x1;
	s4 =	sadd.s32 s5, s19  }
0x9d: {  	s8 =	simm.s32 $0x0;
	s20 =	sshll.u32 s6, $0x1;
	s6 =	sadd.s32 s21, s4  }
0x9e: {  	[timem:s8], [sflag:s22] =	dma.local [hbm:s6], s20  }
0x9f: {  	_ =	swait.ge [sflag:s22], s20  }
0xa0: {  	s5 =	ssub.s32 $0x0, s20;
	[sflag:s22] =	ssyncset.done $0x0  }
0xa1: {  	[sflag:s22] =	ssyncadd.s32 s5;
	_ =	sdelay $0x1  }
0xa2: {  	s23 =	simm.s32 $0x1B8B  }
0xa3: {  	_ =	swait.ge [sflag:s23], $0x1  }
0xa4: {  	[sflag:s23] =	ssyncset.done $0x0  }
0xa5: {  	s25 =	simm.s32 $0x1B8E;
	s24 =	sld [smem:$0x3FFE];
	[sflag:s23] =	ssyncadd.s32 $0xFFFFFFFF  }
0xa6: {  	s26 =	simm.s32 $execute0_lowered;
	[smem:$0x3FD2] =	sst s25  }
0xa7: {  	s6 =	sshll.u32 s26, $0x1;
	_ =	strace $0x80000046;
	[dreg:$0x1] =	wrdreg $0xFFFFFFFF  }
0xa8: {  	s28 =	simm.s32 $_size_execute0_lowered;
	s4 =	sadd.s32 s4, s6;
	[dreg:$0x0] =	wrdreg $0x0  }
0xa9: {  	s6 =	sshll.u32 s28, $0x1;
	[dreg:$0x2] =	wrdreg s4  }
0xaa: {  	[dreg:$0x3] =	wrdreg s6  }
0xab: {  	[dreg:$0x4] =	wrdreg $0xC0  }
0xac: {  	_ =	task [dreg:s8], $0x5FFFF  }
0xad: {  	[dreg:$0x1] =	wrdreg $0xFFFFFFFF  }
0xae: {  	[dreg:$0x0] =	wrdreg $0x60  }
0xaf: {  	[dreg:$0x2] =	wrdreg s2  }
0xb0: {  	[dreg:$0x3] =	wrdreg s24  }
0xb1: {  	[dreg:$0x4] =	wrdreg s18  }
0xb2: {  	[dreg:$0x5] =	wrdreg $0x9  }
0xb3: {  	_ =	task.clear_ibuf [dreg:s8], $0x6FFFF;
	_ =	strace $0x90000046  }
0xb4: {  	s29 =	simm.s32 $0x9;
	_ =	strace $0x80000048  }
0xb5: {  	_ =	swait.ge [sflag:s29], $0x1  }
0xb6: {  	[sflag:s29] =	ssyncadd.s32 $0xFFFFFFFF  }
0xb7: {  	_ =	strace $0x90000048  }
0xb8: {  	_ =	sfence  }
0xb9: {  	s30 =	sld [smem:$0x0];
	_ =	sdelay $0x2  }
0xba: {  	s31 =	sshll.u32 s1, $0xD;
	s1 =	sshrl.u32 s1, $0x2  }
0xbb: {  	s3 =	sand.u32 $0x4000, s31;
	s1 =	sadd.s32 s1, s30  }
0xbc: {  	s0 =	sor.u32 s3, s0;
	s1 =	sshll.u32 s1, $0x11  }
0xbd: {  	s0 =	sor.u32 s1, s0  }
0xbe: {  	s0 =	sadd.s32 $0x8F2B, s0  }
0xbf: {  	[sflag:s0] =	ssyncadd.remote.s32 $0x1  }
0xc0: {  	_ =	sfence.sel $0xFFFF  }
0xc1: {  	[dreg:$0x0] =	wrdreg $0xFFFFFFFF;
	(pc) =	sbr.abs _section_cstart, $3  }
0xc2: {  	[dreg:$0x1] =	wrdreg $0xFFFFFFFF  }
0xc3: {  	_ =	task.clear_ibuf [dreg:s8], $0x2FFFF;
	_ =	strace $0x9FFFFFFF  }
0xc4: {  	(tm) =	ssettm $0x7FFFFFFF  }
0xc5: {  	_ =	shalt  }
tec
execute0_lowered:
.L_overlay_start_1:
0x0: {  	(tag) =	ssettag $0x1  }
0x1: {  	s1 =	rddreg [dreg:$0x0]  }
0x2: {  	s0 =	rddreg [dreg:$0x1]  }
0x3: {  	s2 =	rddreg [dreg:$0x2];
	s3 =	simm.s32 $0x0  }
0x4: {  	s23 =	srdreg.scid;
	s4 =	stileid.u32;
	s12 =	simm.s32 $0x80  }
0x5: {  	s13 =	simm.s32 $0x38000;
	s14 =	simm.s32 $0x5;
	s21 =	simm.s32 $0x12C00  }
0x6: {  	s22 =	simm.s32 $0x1200;
	s28 =	simm.s32 $0x14400;
	s29 =	simm.s32 $0x1380  }
0x7: {  	s30 =	simm.s32 $0x14C00;
	s31 =	simm.s32 $0x1;
	s9 =	simm.s32 $0x15400  }
0x8: {  	s11 =	simm.s32 $0x2;
	s17 =	simm.s32 $0x0;
	[smem:$0x7FF] =	sst s3  }
0x9: {  	s3 =	sand.u32 $0x1, s23;
	s4 =	sshll.u32 s4, $0x1;
	s5 =	sadd.s32 $0xF42800, s0  }
0xa: {  	s23 =	simm.s32 $0x13400;
	_ =	strace $0x80000047;
	s24 =	ssub.s32 $0x2, s3  }
0xb: {  	s3 =	sor.u32 s3, s4;
	s4 =	simm.s32 $0x320;
	s25 =	sshrl.u32 s24, $0x1  }
0xc: {  	s8 =	sshll.u32 s3, $0x7;
	s6 =	smul.u32 $0x19000, s3;
	s7 =	sshll.u32 s3, $0xA  }
.Ltmp0:
0xd: {  	s0 =	ssub.s32 s24, s25;
	s26 =	sadd.s32 s1, s8;
	(pc) =	sbr.rel .LBB2_1-.Ltmp0, $4  }
0xe: {  	s24 =	simm.s32 $0x1280;
	s25 =	simm.s32 $0x13C00;
	s8 =	simm.s32 $0x15C00  }
0xf: {  	[dreg:$0x4] =	wrdreg s26;
	s3 =	sadd.s32 $0x10, s26;
	s10 =	sor.u32 $0x10, s6  }
0x10: {  	s0 =	smax.u32 s0, $0x1;
	s26 =	simm.s32 $0x1300;
	[dreg:$0x5] =	wrdreg s3  }
0x11: {  	[dreg:$0x6] =	wrdreg s0;
	s3 =	simm.s32 $0xA00;
	s0 =	simm.s32 $0x10  }
.LBB2_10:
0x12: {  	s15 =	simm.s32 $0x3  }
0x13: {  	_ =	swait.ge [sflag:s15], $0x800  }
0x14: {  	[sflag:s15] =	ssyncset.done $0x0  }
0x15: {  	s16 =	simm.s32 $0x4;
	[sflag:s15] =	ssyncadd.s32 $0xFFFFF800  }
0x16: {  	_ =	swait.ge [sflag:s16], $0x800  }
0x17: {  	s17 =	rddreg [dreg:$0x7]  }
0x18: {  	s20 =	rddreg [dreg:$0x6];
	s17 =	sadd.s32 $0x1, s17  }
0x19: {  	p0 =	sne.s32 s17, s20  }
.Ltmp1:
0x1a: {  	_ = 	snop;
	(pc) =	sbr.rel @!p0 .LBB2_11-.Ltmp1, $3  }
0x1b: {  	_ =	sdelay $0x1  }
0x1c: {  	[sflag:s16] =	ssyncset.done $0x0  }
0x1d: {  	[sflag:s16] =	ssyncadd.s32 $0xFFFFF800  }
.LBB2_1:
0x1e: {  	[dreg:$0x7] =	wrdreg s17  }
0x1f: {  	s15 =	simm.s32 $0x0;
	s16 =	rddreg [dreg:$0x4]  }
0x20: {  	[tilespmem:s15], [sflag:$0x5] =	stream.strided.gather [hbm4b:s16+s12], $0xA00, s13, s12, $0x38;
	[tilespmem:$0x16400] =	vst v63  }
0x21: {  	_ =	swait.ge [sflag:s14], $0xA00  }
0x22: {  	[sflag:s14] =	ssyncset.done $0x0  }
0x23: {  	s20 =	simm.s32 $0x1400;
	[sflag:s14] =	ssyncadd.s32 $0xFFFFF600  }
0x24: {  	[tilespmem:s20], [sflag:$0x1] =	stream.indirect.gather [hbm4b:s5+s12], $0x10, s15, s12, $0xb8;
	[tilespmem:$0x16400] =	vst v63  }
0x25: {  	s16 =	simm.s32 $0x1C00  }
0x26: {  	[tilespmem:s16], [sflag:$0x1] =	stream.indirect.gather [hbm4b:s5+s12], $0x10, s12, s12, $0xb8;
	[tilespmem:$0x16400] =	vst v63  }
0x27: {  	s17 =	simm.s32 $0x100;
	s18 =	simm.s32 $0x2400  }
0x28: {  	[tilespmem:s18], [sflag:$0x1] =	stream.indirect.gather [hbm4b:s5+s12], $0x10, s17, s12, $0xb8;
	[tilespmem:$0x16400] =	vst v63  }
0x29: {  	s19 =	simm.s32 $0x180;
	s20 =	simm.s32 $0x2C00  }
0x2a: {  	[tilespmem:s20], [sflag:$0x1] =	stream.indirect.gather [hbm4b:s5+s12], $0x10, s19, s12, $0xb8;
	[tilespmem:$0x16400] =	vst v63  }
0x2b: {  	s17 =	simm.s32 $0x200;
	s18 =	simm.s32 $0x3400  }
0x2c: {  	[tilespmem:s18], [sflag:$0x1] =	stream.indirect.gather [hbm4b:s5+s12], $0x10, s17, s12, $0xb8;
	[tilespmem:$0x16400] =	vst v63  }
0x2d: {  	s19 =	simm.s32 $0x280;
	s20 =	simm.s32 $0x3C00  }
0x2e: {  	[tilespmem:s20], [sflag:$0x1] =	stream.indirect.gather [hbm4b:s5+s12], $0x10, s19, s12, $0xb8;
	[tilespmem:$0x16400] =	vst v63  }
0x2f: {  	s17 =	simm.s32 $0x300;
	s18 =	simm.s32 $0x4400  }
0x30: {  	[tilespmem:s18], [sflag:$0x1] =	stream.indirect.gather [hbm4b:s5+s12], $0x10, s17, s12, $0xb8;
	[tilespmem:$0x16400] =	vst v63  }
0x31: {  	s19 =	simm.s32 $0x380;
	s20 =	simm.s32 $0x4C00  }
0x32: {  	[tilespmem:s20], [sflag:$0x1] =	stream.indirect.gather [hbm4b:s5+s12], $0x10, s19, s12, $0xb8;
	[tilespmem:$0x16400] =	vst v63  }
0x33: {  	s17 =	simm.s32 $0x400;
	s18 =	simm.s32 $0x5400  }
0x34: {  	[tilespmem:s18], [sflag:$0x1] =	stream.indirect.gather [hbm4b:s5+s12], $0x10, s17, s12, $0xb8;
	[tilespmem:$0x16400] =	vst v63  }
0x35: {  	s19 =	simm.s32 $0x480;
	s20 =	simm.s32 $0x5C00  }
0x36: {  	[tilespmem:s20], [sflag:$0x1] =	stream.indirect.gather [hbm4b:s5+s12], $0x10, s19, s12, $0xb8;
	[tilespmem:$0x16400] =	vst v63  }
0x37: {  	s17 =	simm.s32 $0x500;
	s18 =	simm.s32 $0x6400  }
0x38: {  	[tilespmem:s18], [sflag:$0x1] =	stream.indirect.gather [hbm4b:s5+s12], $0x10, s17, s12, $0xb8;
	[tilespmem:$0x16400] =	vst v63  }
0x39: {  	s19 =	simm.s32 $0x580;
	s20 =	simm.s32 $0x6C00  }
0x3a: {  	[tilespmem:s20], [sflag:$0x1] =	stream.indirect.gather [hbm4b:s5+s12], $0x10, s19, s12, $0xb8;
	[tilespmem:$0x16400] =	vst v63  }
0x3b: {  	s17 =	simm.s32 $0x600;
	s18 =	simm.s32 $0x7400  }
0x3c: {  	[tilespmem:s18], [sflag:$0x1] =	stream.indirect.gather [hbm4b:s5+s12], $0x10, s17, s12, $0xb8;
	[tilespmem:$0x16400] =	vst v63  }
0x3d: {  	s19 =	simm.s32 $0x680;
	s20 =	simm.s32 $0x7C00  }
0x3e: {  	[tilespmem:s20], [sflag:$0x1] =	stream.indirect.gather [hbm4b:s5+s12], $0x10, s19, s12, $0xb8;
	[tilespmem:$0x16400] =	vst v63  }
0x3f: {  	s17 =	simm.s32 $0x700;
	s18 =	simm.s32 $0x8400  }
0x40: {  	[tilespmem:s18], [sflag:$0x1] =	stream.indirect.gather [hbm4b:s5+s12], $0x10, s17, s12, $0xb8;
	[tilespmem:$0x16400] =	vst v63  }
0x41: {  	s19 =	simm.s32 $0x780;
	s20 =	simm.s32 $0x8C00  }
0x42: {  	[tilespmem:s20], [sflag:$0x1] =	stream.indirect.gather [hbm4b:s5+s12], $0x10, s19, s12, $0xb8;
	[tilespmem:$0x16400] =	vst v63  }
0x43: {  	s17 =	simm.s32 $0x800;
	s18 =	simm.s32 $0x9400  }
0x44: {  	[tilespmem:s18], [sflag:$0x1] =	stream.indirect.gather [hbm4b:s5+s12], $0x10, s17, s12, $0xb8;
	[tilespmem:$0x16400] =	vst v63  }
0x45: {  	s19 =	simm.s32 $0x880;
	s20 =	simm.s32 $0x9C00  }
0x46: {  	[tilespmem:s20], [sflag:$0x1] =	stream.indirect.gather [hbm4b:s5+s12], $0x10, s19, s12, $0xb8;
	[tilespmem:$0x16400] =	vst v63  }
0x47: {  	s16 =	simm.s32 $0x900;
	s17 =	simm.s32 $0xA400  }
0x48: {  	[tilespmem:s17], [sflag:$0x1] =	stream.indirect.gather [hbm4b:s5+s12], $0x10, s16, s12, $0xb8;
	[tilespmem:$0x16400] =	vst v63  }
0x49: {  	s18 =	simm.s32 $0x980;
	s19 =	simm.s32 $0xAC00  }
0x4a: {  	[tilespmem:s19], [sflag:$0x1] =	stream.indirect.gather [hbm4b:s5+s12], $0x10, s18, s12, $0xb8;
	[tilespmem:$0x16400] =	vst v63  }
0x4b: {  	s20 =	rddreg [dreg:$0x5]  }
0x4c: {  	[tilespmem:s3], [sflag:$0x5] =	stream.strided.gather [hbm4b:s20+s12], $0xA00, s13, s12, $0x38;
	[tilespmem:$0x16400] =	vst v63  }
0x4d: {  	_ =	swait.ge [sflag:s14], $0xA00  }
0x4e: {  	[sflag:s14] =	ssyncset.done $0x0  }
0x4f: {  	s16 =	simm.s32 $0xB400;
	[sflag:s14] =	ssyncadd.s32 $0xFFFFF600  }
0x50: {  	[tilespmem:s16], [sflag:$0x2] =	stream.indirect.gather [hbm4b:s5+s12], $0x10, s3, s12, $0xb8;
	[tilespmem:$0x16400] =	vst v63  }
0x51: {  	s17 =	simm.s32 $0xA80;
	s18 =	simm.s32 $0xBC00  }
0x52: {  	[tilespmem:s18], [sflag:$0x2] =	stream.indirect.gather [hbm4b:s5+s12], $0x10, s17, s12, $0xb8;
	[tilespmem:$0x16400] =	vst v63  }
0x53: {  	s19 =	simm.s32 $0xB00;
	s20 =	simm.s32 $0xC400  }
0x54: {  	[tilespmem:s20], [sflag:$0x2] =	stream.indirect.gather [hbm4b:s5+s12], $0x10, s19, s12, $0xb8;
	[tilespmem:$0x16400] =	vst v63  }
0x55: {  	s17 =	simm.s32 $0xB80;
	s18 =	simm.s32 $0xCC00  }
0x56: {  	[tilespmem:s18], [sflag:$0x2] =	stream.indirect.gather [hbm4b:s5+s12], $0x10, s17, s12, $0xb8;
	[tilespmem:$0x16400] =	vst v63  }
0x57: {  	s19 =	simm.s32 $0xC00;
	s20 =	simm.s32 $0xD400  }
0x58: {  	[tilespmem:s20], [sflag:$0x2] =	stream.indirect.gather [hbm4b:s5+s12], $0x10, s19, s12, $0xb8;
	[tilespmem:$0x16400] =	vst v63  }
0x59: {  	s17 =	simm.s32 $0xC80;
	s18 =	simm.s32 $0xDC00  }
0x5a: {  	[tilespmem:s18], [sflag:$0x2] =	stream.indirect.gather [hbm4b:s5+s12], $0x10, s17, s12, $0xb8;
	[tilespmem:$0x16400] =	vst v63  }
0x5b: {  	s19 =	simm.s32 $0xD00;
	s20 =	simm.s32 $0xE400  }
0x5c: {  	[tilespmem:s20], [sflag:$0x2] =	stream.indirect.gather [hbm4b:s5+s12], $0x10, s19, s12, $0xb8;
	[tilespmem:$0x16400] =	vst v63  }
0x5d: {  	s17 =	simm.s32 $0xD80;
	s18 =	simm.s32 $0xEC00  }
0x5e: {  	[tilespmem:s18], [sflag:$0x2] =	stream.indirect.gather [hbm4b:s5+s12], $0x10, s17, s12, $0xb8;
	[tilespmem:$0x16400] =	vst v63  }
0x5f: {  	s19 =	simm.s32 $0xE00;
	s20 =	simm.s32 $0xF400  }
0x60: {  	[tilespmem:s20], [sflag:$0x2] =	stream.indirect.gather [hbm4b:s5+s12], $0x10, s19, s12, $0xb8;
	[tilespmem:$0x16400] =	vst v63  }
0x61: {  	s17 =	simm.s32 $0xE80;
	s18 =	simm.s32 $0xFC00  }
0x62: {  	[tilespmem:s18], [sflag:$0x2] =	stream.indirect.gather [hbm4b:s5+s12], $0x10, s17, s12, $0xb8;
	[tilespmem:$0x16400] =	vst v63  }
0x63: {  	s19 =	simm.s32 $0xF00;
	s20 =	simm.s32 $0x10400  }
0x64: {  	[tilespmem:s20], [sflag:$0x2] =	stream.indirect.gather [hbm4b:s5+s12], $0x10, s19, s12, $0xb8;
	[tilespmem:$0x16400] =	vst v63  }
0x65: {  	s17 =	simm.s32 $0xF80;
	s18 =	simm.s32 $0x10C00  }
0x66: {  	[tilespmem:s18], [sflag:$0x2] =	stream.indirect.gather [hbm4b:s5+s12], $0x10, s17, s12, $0xb8;
	[tilespmem:$0x16400] =	vst v63  }
0x67: {  	s19 =	simm.s32 $0x1000;
	s20 =	simm.s32 $0x11400  }
0x68: {  	[tilespmem:s20], [sflag:$0x2] =	stream.indirect.gather [hbm4b:s5+s12], $0x10, s19, s12, $0xb8;
	[tilespmem:$0x16400] =	vst v63  }
0x69: {  	s16 =	simm.s32 $0x1080;
	s17 =	simm.s32 $0x11C00  }
0x6a: {  	[tilespmem:s17], [sflag:$0x2] =	stream.indirect.gather [hbm4b:s5+s12], $0x10, s16, s12, $0xb8;
	[tilespmem:$0x16400] =	vst v63  }
0x6b: {  	s18 =	simm.s32 $0x1100;
	s19 =	simm.s32 $0x12400  }
0x6c: {  	[tilespmem:s19], [sflag:$0x2] =	stream.indirect.gather [hbm4b:s5+s12], $0x10, s18, s12, $0xb8;
	[tilespmem:$0x16400] =	vst v63  }
0x6d: {  	s20 =	simm.s32 $0x1180  }
0x6e: {  	[tilespmem:s21], [sflag:$0x2] =	stream.indirect.gather [hbm4b:s5+s12], $0x10, s20, s12, $0xb8;
	[tilespmem:$0x16400] =	vst v63  }
0x6f: {  	_ = 	snop  }
0x70: {  	[tilespmem:s23], [sflag:$0x2] =	stream.indirect.gather [hbm4b:s5+s12], $0x10, s22, s12, $0xb8;
	[tilespmem:$0x16400] =	vst v63  }
0x71: {  	_ = 	snop  }
0x72: {  	[tilespmem:s25], [sflag:$0x2] =	stream.indirect.gather [hbm4b:s5+s12], $0x10, s24, s12, $0xb8;
	[tilespmem:$0x16400] =	vst v63  }
0x73: {  	_ = 	snop  }
0x74: {  	[tilespmem:s28], [sflag:$0x2] =	stream.indirect.gather [hbm4b:s5+s12], $0x10, s26, s12, $0xb8;
	[tilespmem:$0x16400] =	vst v63  }
0x75: {  	s15 =	simm.s32 $0x0  }
0x76: {  	[tilespmem:s30], [sflag:$0x2] =	stream.indirect.gather [hbm4b:s5+s12], $0x10, s29, s12, $0xb8;
	[tilespmem:$0x16400] =	vst v63  }
.LBB2_2:
0x77: {  	_ =	swait.ge [sflag:s31], $0x800  }
0x78: {  	[sflag:s31] =	ssyncset.done $0x0  }
0x79: {  	[sflag:s31] =	ssyncadd.s32 $0xFFFFF800  }
0x7a: {  	_ =	swait.ge [sflag:s31], $0x800  }
0x7b: {  	[sflag:s31] =	ssyncset.done $0x0  }
0x7c: {  	[sflag:s31] =	ssyncadd.s32 $0xFFFFF800  }
0x7d: {  	_ =	swait.ge [sflag:s31], $0x800  }
0x7e: {  	[sflag:s31] =	ssyncset.done $0x0  }
0x7f: {  	[sflag:s31] =	ssyncadd.s32 $0xFFFFF800  }
0x80: {  	_ =	swait.ge [sflag:s31], $0x800  }
0x81: {  	[sflag:s31] =	ssyncset.done $0x0  }
0x82: {  	[sflag:s31] =	ssyncadd.s32 $0xFFFFF800  }
0x83: {  	_ =	swait.ge [sflag:s31], $0x800  }
0x84: {  	[sflag:s31] =	ssyncset.done $0x0  }
0x85: {  	[sflag:s31] =	ssyncadd.s32 $0xFFFFF800  }
0x86: {  	_ =	swait.ge [sflag:s31], $0x800  }
0x87: {  	[sflag:s31] =	ssyncset.done $0x0  }
0x88: {  	[sflag:s31] =	ssyncadd.s32 $0xFFFFF800  }
0x89: {  	_ =	swait.ge [sflag:s31], $0x800  }
0x8a: {  	[sflag:s31] =	ssyncset.done $0x0  }
0x8b: {  	[sflag:s31] =	ssyncadd.s32 $0xFFFFF800  }
0x8c: {  	_ =	swait.ge [sflag:s31], $0x800  }
0x8d: {  	[sflag:s31] =	ssyncset.done $0x0  }
0x8e: {  	[sflag:s31] =	ssyncadd.s32 $0xFFFFF800  }
0x8f: {  	_ =	swait.ge [sflag:s31], $0x800  }
0x90: {  	[sflag:s31] =	ssyncset.done $0x0  }
0x91: {  	[sflag:s31] =	ssyncadd.s32 $0xFFFFF800  }
0x92: {  	_ =	swait.ge [sflag:s31], $0x800  }
0x93: {  	[sflag:s31] =	ssyncset.done $0x0  }
0x94: {  	[sflag:s31] =	ssyncadd.s32 $0xFFFFF800  }
0x95: {  	_ =	swait.ge [sflag:s31], $0x800  }
0x96: {  	[sflag:s31] =	ssyncset.done $0x0  }
0x97: {  	[sflag:s31] =	ssyncadd.s32 $0xFFFFF800  }
0x98: {  	_ =	swait.ge [sflag:s31], $0x800  }
0x99: {  	[sflag:s31] =	ssyncset.done $0x0  }
0x9a: {  	[sflag:s31] =	ssyncadd.s32 $0xFFFFF800  }
0x9b: {  	_ =	swait.ge [sflag:s31], $0x800  }
0x9c: {  	[sflag:s31] =	ssyncset.done $0x0  }
0x9d: {  	[sflag:s31] =	ssyncadd.s32 $0xFFFFF800  }
0x9e: {  	_ =	swait.ge [sflag:s31], $0x800  }
0x9f: {  	[sflag:s31] =	ssyncset.done $0x0  }
0xa0: {  	[sflag:s31] =	ssyncadd.s32 $0xFFFFF800  }
0xa1: {  	_ =	swait.ge [sflag:s31], $0x800  }
0xa2: {  	[sflag:s31] =	ssyncset.done $0x0  }
0xa3: {  	[sflag:s31] =	ssyncadd.s32 $0xFFFFF800  }
0xa4: {  	_ =	swait.ge [sflag:s31], $0x800  }
0xa5: {  	[sflag:s31] =	ssyncset.done $0x0  }
0xa6: {  	[sflag:s31] =	ssyncadd.s32 $0xFFFFF800  }
0xa7: {  	_ =	swait.ge [sflag:s31], $0x800  }
0xa8: {  	[sflag:s31] =	ssyncset.done $0x0  }
0xa9: {  	[sflag:s31] =	ssyncadd.s32 $0xFFFFF800  }
0xaa: {  	_ =	swait.ge [sflag:s31], $0x800  }
0xab: {  	[sflag:s31] =	ssyncset.done $0x0  }
0xac: {  	[sflag:s31] =	ssyncadd.s32 $0xFFFFF800  }
0xad: {  	_ =	swait.ge [sflag:s31], $0x800  }
0xae: {  	[sflag:s31] =	ssyncset.done $0x0  }
0xaf: {  	[sflag:s31] =	ssyncadd.s32 $0xFFFFF800  }
0xb0: {  	_ =	swait.ge [sflag:s31], $0x800  }
0xb1: {  	p0 =	seq.s32 s15, $0x0;
	[sflag:s31] =	ssyncset.done $0x0  }
0xb2: {  	s16 =	simm.s32 @!p0 $0x3;
	[sflag:s31] =	ssyncadd.s32 $0xFFFFF800  }
0xb3: {  	_ =	swait.ge @!p0 [sflag:s16], $0x800  }
0xb4: {  	[sflag:s16] =	ssyncset.done @!p0 $0x0  }
0xb5: {  	s18 =	simm.s32 $0x0;
	[sflag:s16] =	ssyncadd.s32 @!p0 $0xFFFFF800  }
0xb6: {  	v0 =	vld [tilespmem:s18+$0x9400]  }
0xb7: {  	v1 =	vld [tilespmem:s18+$0x1400]  }
0xb8: {  	v2 =	vld [tilespmem:s18+$0x1C00]  }
0xb9: {  	v3 =	vld [tilespmem:s18+$0x2400]  }
0xba: {  	v5 =	vld [tilespmem:s18+$0x2C00]  }
0xbb: {  	v4 =	vld [tilespmem:s18+$0x3400]  }
0xbc: {  	v6 =	vld [tilespmem:s18+$0x3C00]  }
0xbd: {  	v7 =	vld [tilespmem:s18+$0x4400]  }
0xbe: {  	v9 =	vld [tilespmem:s18+$0x4C00]  }
0xbf: {  	v8 =	vld [tilespmem:s18+$0x5400]  }
0xc0: {  	v10 =	vld [tilespmem:s18+$0x5C00]  }
0xc1: {  	v11 =	vld [tilespmem:s18+$0x6400]  }
0xc2: {  	v13 =	vld [tilespmem:s18+$0x6C00]  }
0xc3: {  	v12 =	vld [tilespmem:s18+$0x7400]  }
0xc4: {  	v14 =	vld [tilespmem:s18+$0x7C00]  }
0xc5: {  	s17 =	simm.s32 $0x40;
	s16 =	sshll.u32 s15, $0x1;
	v15 =	vld [tilespmem:s18+$0x8400]  }
.LBB2_3:
0xc6: {  	p1 =	sne.s32 s17, $0x1FC0;
	v16 =	vld [tilespmem:s18+$0x8C00]  }
0xc7: {  	v17 =	vld [tilespmem:s18+$0x9C00]  }
0xc8: {  	v19 =	vadd.f32 v2, v1;
	v3 =	vadd.f32 v5, v3;
	v18 =	vld [tilespmem:s18+$0xA400]  }
0xc9: {  	s19 =	sshra.s32 s17, $0x2;
	v4 =	vadd.f32 v6, v4;
	v5 =	vadd.f32 v9, v7;
	v20 =	vld [tilespmem:s18+$0xAC00]  }
0xca: {  	v7 =	vadd.f32 v10, v8;
	v8 =	vadd.f32 v13, v11;
	v6 =	vld [tilespmem:s19+$0x9400]  }
0xcb: {  	v9 =	vadd.f32 v14, v12;
	v1 =	vld [tilespmem:s19+$0x1400];
	v10 =	vadd.f32 v16, v15  }
0xcc: {  	v11 =	vadd.f32 v3, v19;
	v12 =	vadd.f32 v5, v4;
	v2 =	vld [tilespmem:s19+$0x1C00]  }
0xcd: {  	v7 =	vadd.f32 v8, v7;
	v3 =	vld [tilespmem:s19+$0x2400];
	v8 =	vadd.f32 v10, v9  }
0xce: {  	v9 =	vadd.f32 v17, v0;
	v5 =	vld [tilespmem:s19+$0x2C00];
	v10 =	vadd.f32 v20, v18  }
0xcf: {  	v11 =	vadd.f32 v12, v11;
	v4 =	vld [tilespmem:s19+$0x3400];
	v8 =	vadd.f32 v8, v7;
	v0 =	vmov v6  }
0xd0: {  	v6 =	vld [tilespmem:s19+$0x3C00]  }
0xd1: {  	v10 =	vadd.f32 v10, v9;
	v7 =	vld [tilespmem:s19+$0x4400];
	v11 =	vadd.f32 v8, v11  }
0xd2: {  	v9 =	vld [tilespmem:s19+$0x4C00]  }
0xd3: {  	v8 =	vld [tilespmem:s19+$0x5400];
	v12 =	vadd.f32 v10, v11  }
0xd4: {  	v10 =	vld [tilespmem:s19+$0x5C00]  }
.Ltmp2:
0xd5: {  	v11 =	vld [tilespmem:s19+$0x6400];
	[tilespmem:s18+$0x15400] =	vst v12;
	s18 =	smov.u32 s19;
	(pc) =	sbr.rel @p1 .LBB2_3-.Ltmp2, $4  }
0xd6: {  	v13 =	vld [tilespmem:s18+$0x6C00]  }
0xd7: {  	v12 =	vld [tilespmem:s18+$0x7400]  }
0xd8: {  	v14 =	vld [tilespmem:s18+$0x7C00]  }
0xd9: {  	s17 =	sadd.s32 $0x40, s17;
	v15 =	vld [tilespmem:s18+$0x8400]  }
0xda: {  	v16 =	vld [tilespmem:s18+$0x8C00];
	_ =	sdelay $0x1  }
0xdb: {  	v17 =	vld [tilespmem:s18+$0x9C00];
	v1 =	vadd.f32 v2, v1;
	v53 =	vadd.f32 v5, v3  }
0xdc: {  	v18 =	vld [tilespmem:s18+$0xA400];
	v4 =	vadd.f32 v6, v4;
	v55 =	vadd.f32 v9, v7  }
0xdd: {  	v54 =	vld [tilespmem:s18+$0xAC00];
	v56 =	vadd.f32 v10, v8;
	v57 =	vadd.f32 v13, v11  }
0xde: {  	v58 =	vadd.f32 v14, v12;
	v59 =	vadd.f32 v16, v15  }
0xdf: {  	v1 =	vadd.f32 v53, v1;
	v60 =	vadd.f32 v55, v4  }
0xe0: {  	v61 =	vadd.f32 v57, v56;
	v62 =	vadd.f32 v59, v58  }
0xe1: {  	v1 =	vadd.f32 v60, v1;
	v0 =	vadd.f32 v17, v0  }
0xe2: {  	v3 =	vadd.f32 v54, v18;
	v63 =	vadd.f32 v62, v61;
	_ =	sdelay $0x1  }
0xe3: {  	p1 =	seq.s32 s15, $0x18;
	v0 =	vadd.f32 v3, v0;
	v1 =	vadd.f32 v63, v1  }
.Ltmp3:
0xe4: {  	s17 =	sshll.u32 s15, $0x5;
	(pc) =	sbr.rel @p1 .LBB2_6-.Ltmp3, $4  }
0xe5: {  	s19 =	sor.u32 s6, s17;
	v0 =	vadd.f32 v0, v1  }
0xe6: {  	s19 =	sshrl.u32 s19, $0x3  }
0xe7: {  	s20 =	sadd.s32 s2, s19;
	[tilespmem:s18+$0x15400] =	vst v0  }
0xe8: {  	[hbm4b:s20+s0] =	stream.strided.scatter [tilespmem:s9], [sflag:$0x3], $0x800, s4, s0, $0x38;
	[tilespmem:$0x16400] =	vst v63  }
0xe9: {  	s18 =	sadd.s32 $0x2, s16  }
0xea: {  	s19 =	sshll.u32 s18, $0x7;
	s18 =	sshll.u32 s18, $0xC  }
0xeb: {  	s19 =	sand.u32 $0x300, s19;
	s18 =	sand.u32 $0x78000, s18  }
0xec: {  	s18 =	sor.u32 s18, s19  }
0xed: {  	s18 =	sor.u32 s7, s18  }
0xee: {  	s18 =	sshrl.u32 s18, $0x3  }
0xef: {  	s19 =	simm.s32 $0x0;
	s18 =	sadd.s32 s1, s18  }
0xf0: {  	[tilespmem:s19], [sflag:$0x5] =	stream.strided.gather [hbm4b:s18+s12], $0xA00, s13, s12, $0x38;
	[tilespmem:$0x16400] =	vst v63  }
0xf1: {  	_ =	swait.ge [sflag:s14], $0xA00  }
0xf2: {  	[sflag:s14] =	ssyncset.done $0x0  }
0xf3: {  	s20 =	simm.s32 $0x1400;
	[sflag:s14] =	ssyncadd.s32 $0xFFFFF600  }
0xf4: {  	[tilespmem:s20], [sflag:$0x1] =	stream.indirect.gather [hbm4b:s5+s12], $0x10, s19, s12, $0xb8;
	[tilespmem:$0x16400] =	vst v63  }
0xf5: {  	s20 =	simm.s32 $0x1C00  }
0xf6: {  	[tilespmem:s20], [sflag:$0x1] =	stream.indirect.gather [hbm4b:s5+s12], $0x10, s12, s12, $0xb8;
	[tilespmem:$0x16400] =	vst v63  }
0xf7: {  	s19 =	simm.s32 $0x100;
	s20 =	simm.s32 $0x2400  }
0xf8: {  	[tilespmem:s20], [sflag:$0x1] =	stream.indirect.gather [hbm4b:s5+s12], $0x10, s19, s12, $0xb8;
	[tilespmem:$0x16400] =	vst v63  }
0xf9: {  	s19 =	simm.s32 $0x180;
	s20 =	simm.s32 $0x2C00  }
0xfa: {  	[tilespmem:s20], [sflag:$0x1] =	stream.indirect.gather [hbm4b:s5+s12], $0x10, s19, s12, $0xb8;
	[tilespmem:$0x16400] =	vst v63  }
0xfb: {  	s19 =	simm.s32 $0x200;
	s20 =	simm.s32 $0x3400  }
0xfc: {  	[tilespmem:s20], [sflag:$0x1] =	stream.indirect.gather [hbm4b:s5+s12], $0x10, s19, s12, $0xb8;
	[tilespmem:$0x16400] =	vst v63  }
0xfd: {  	s19 =	simm.s32 $0x280;
	s20 =	simm.s32 $0x3C00  }
0xfe: {  	[tilespmem:s20], [sflag:$0x1] =	stream.indirect.gather [hbm4b:s5+s12], $0x10, s19, s12, $0xb8;
	[tilespmem:$0x16400] =	vst v63  }
0xff: {  	s19 =	simm.s32 $0x300;
	s20 =	simm.s32 $0x4400  }
0x100: {  	[tilespmem:s20], [sflag:$0x1] =	stream.indirect.gather [hbm4b:s5+s12], $0x10, s19, s12, $0xb8;
	[tilespmem:$0x16400] =	vst v63  }
0x101: {  	s19 =	simm.s32 $0x380;
	s20 =	simm.s32 $0x4C00  }
0x102: {  	[tilespmem:s20], [sflag:$0x1] =	stream.indirect.gather [hbm4b:s5+s12], $0x10, s19, s12, $0xb8;
	[tilespmem:$0x16400] =	vst v63  }
0x103: {  	s19 =	simm.s32 $0x400;
	s20 =	simm.s32 $0x5400  }
0x104: {  	[tilespmem:s20], [sflag:$0x1] =	stream.indirect.gather [hbm4b:s5+s12], $0x10, s19, s12, $0xb8;
	[tilespmem:$0x16400] =	vst v63  }
0x105: {  	s19 =	simm.s32 $0x480;
	s20 =	simm.s32 $0x5C00  }
0x106: {  	[tilespmem:s20], [sflag:$0x1] =	stream.indirect.gather [hbm4b:s5+s12], $0x10, s19, s12, $0xb8;
	[tilespmem:$0x16400] =	vst v63  }
0x107: {  	s19 =	simm.s32 $0x500;
	s20 =	simm.s32 $0x6400  }
0x108: {  	[tilespmem:s20], [sflag:$0x1] =	stream.indirect.gather [hbm4b:s5+s12], $0x10, s19, s12, $0xb8;
	[tilespmem:$0x16400] =	vst v63  }
0x109: {  	s19 =	simm.s32 $0x580;
	s20 =	simm.s32 $0x6C00  }
0x10a: {  	[tilespmem:s20], [sflag:$0x1] =	stream.indirect.gather [hbm4b:s5+s12], $0x10, s19, s12, $0xb8;
	[tilespmem:$0x16400] =	vst v63  }
0x10b: {  	s19 =	simm.s32 $0x600;
	s20 =	simm.s32 $0x7400  }
0x10c: {  	[tilespmem:s20], [sflag:$0x1] =	stream.indirect.gather [hbm4b:s5+s12], $0x10, s19, s12, $0xb8;
	[tilespmem:$0x16400] =	vst v63  }
0x10d: {  	s19 =	simm.s32 $0x680;
	s20 =	simm.s32 $0x7C00  }
0x10e: {  	[tilespmem:s20], [sflag:$0x1] =	stream.indirect.gather [hbm4b:s5+s12], $0x10, s19, s12, $0xb8;
	[tilespmem:$0x16400] =	vst v63  }
0x10f: {  	s19 =	simm.s32 $0x700;
	s20 =	simm.s32 $0x8400  }
0x110: {  	[tilespmem:s20], [sflag:$0x1] =	stream.indirect.gather [hbm4b:s5+s12], $0x10, s19, s12, $0xb8;
	[tilespmem:$0x16400] =	vst v63  }
0x111: {  	s19 =	simm.s32 $0x780;
	s20 =	simm.s32 $0x8C00  }
0x112: {  	[tilespmem:s20], [sflag:$0x1] =	stream.indirect.gather [hbm4b:s5+s12], $0x10, s19, s12, $0xb8;
	[tilespmem:$0x16400] =	vst v63  }
0x113: {  	s19 =	simm.s32 $0x800;
	s20 =	simm.s32 $0x9400  }
0x114: {  	[tilespmem:s20], [sflag:$0x1] =	stream.indirect.gather [hbm4b:s5+s12], $0x10, s19, s12, $0xb8;
	[tilespmem:$0x16400] =	vst v63  }
0x115: {  	s19 =	simm.s32 $0x880;
	s20 =	simm.s32 $0x9C00  }
0x116: {  	[tilespmem:s20], [sflag:$0x1] =	stream.indirect.gather [hbm4b:s5+s12], $0x10, s19, s12, $0xb8;
	[tilespmem:$0x16400] =	vst v63  }
0x117: {  	s19 =	simm.s32 $0x900;
	s20 =	simm.s32 $0xA400  }
0x118: {  	[tilespmem:s20], [sflag:$0x1] =	stream.indirect.gather [hbm4b:s5+s12], $0x10, s19, s12, $0xb8;
	[tilespmem:$0x16400] =	vst v63  }
0x119: {  	s19 =	simm.s32 $0x980;
	s20 =	simm.s32 $0xAC00  }
0x11a: {  	[tilespmem:s20], [sflag:$0x1] =	stream.indirect.gather [hbm4b:s5+s12], $0x10, s19, s12, $0xb8;
	[tilespmem:$0x16400] =	vst v63  }
.LBB2_6:
0x11b: {  	_ =	swait.ge [sflag:s11], $0x800  }
0x11c: {  	[sflag:s11] =	ssyncset.done $0x0  }
0x11d: {  	[sflag:s11] =	ssyncadd.s32 $0xFFFFF800  }
0x11e: {  	_ =	swait.ge [sflag:s11], $0x800  }
0x11f: {  	[sflag:s11] =	ssyncset.done $0x0  }
0x120: {  	[sflag:s11] =	ssyncadd.s32 $0xFFFFF800  }
0x121: {  	_ =	swait.ge [sflag:s11], $0x800  }
0x122: {  	[sflag:s11] =	ssyncset.done $0x0  }
0x123: {  	[sflag:s11] =	ssyncadd.s32 $0xFFFFF800  }
0x124: {  	_ =	swait.ge [sflag:s11], $0x800  }
0x125: {  	[sflag:s11] =	ssyncset.done $0x0  }
0x126: {  	[sflag:s11] =	ssyncadd.s32 $0xFFFFF800  }
0x127: {  	_ =	swait.ge [sflag:s11], $0x800  }
0x128: {  	[sflag:s11] =	ssyncset.done $0x0  }
0x129: {  	[sflag:s11] =	ssyncadd.s32 $0xFFFFF800  }
0x12a: {  	_ =	swait.ge [sflag:s11], $0x800  }
0x12b: {  	[sflag:s11] =	ssyncset.done $0x0  }
0x12c: {  	[sflag:s11] =	ssyncadd.s32 $0xFFFFF800  }
0x12d: {  	_ =	swait.ge [sflag:s11], $0x800  }
0x12e: {  	[sflag:s11] =	ssyncset.done $0x0  }
0x12f: {  	[sflag:s11] =	ssyncadd.s32 $0xFFFFF800  }
0x130: {  	_ =	swait.ge [sflag:s11], $0x800  }
0x131: {  	[sflag:s11] =	ssyncset.done $0x0  }
0x132: {  	[sflag:s11] =	ssyncadd.s32 $0xFFFFF800  }
0x133: {  	_ =	swait.ge [sflag:s11], $0x800  }
0x134: {  	[sflag:s11] =	ssyncset.done $0x0  }
0x135: {  	[sflag:s11] =	ssyncadd.s32 $0xFFFFF800  }
0x136: {  	_ =	swait.ge [sflag:s11], $0x800  }
0x137: {  	[sflag:s11] =	ssyncset.done $0x0  }
0x138: {  	[sflag:s11] =	ssyncadd.s32 $0xFFFFF800  }
0x139: {  	_ =	swait.ge [sflag:s11], $0x800  }
0x13a: {  	[sflag:s11] =	ssyncset.done $0x0  }
0x13b: {  	[sflag:s11] =	ssyncadd.s32 $0xFFFFF800  }
0x13c: {  	_ =	swait.ge [sflag:s11], $0x800  }
0x13d: {  	[sflag:s11] =	ssyncset.done $0x0  }
0x13e: {  	[sflag:s11] =	ssyncadd.s32 $0xFFFFF800  }
0x13f: {  	_ =	swait.ge [sflag:s11], $0x800  }
0x140: {  	[sflag:s11] =	ssyncset.done $0x0  }
0x141: {  	[sflag:s11] =	ssyncadd.s32 $0xFFFFF800  }
0x142: {  	_ =	swait.ge [sflag:s11], $0x800  }
0x143: {  	[sflag:s11] =	ssyncset.done $0x0  }
0x144: {  	[sflag:s11] =	ssyncadd.s32 $0xFFFFF800  }
0x145: {  	_ =	swait.ge [sflag:s11], $0x800  }
0x146: {  	[sflag:s11] =	ssyncset.done $0x0  }
0x147: {  	[sflag:s11] =	ssyncadd.s32 $0xFFFFF800  }
0x148: {  	_ =	swait.ge [sflag:s11], $0x800  }
0x149: {  	[sflag:s11] =	ssyncset.done $0x0  }
0x14a: {  	[sflag:s11] =	ssyncadd.s32 $0xFFFFF800  }
0x14b: {  	_ =	swait.ge [sflag:s11], $0x800  }
0x14c: {  	[sflag:s11] =	ssyncset.done $0x0  }
0x14d: {  	[sflag:s11] =	ssyncadd.s32 $0xFFFFF800  }
0x14e: {  	_ =	swait.ge [sflag:s11], $0x800  }
0x14f: {  	[sflag:s11] =	ssyncset.done $0x0  }
0x150: {  	[sflag:s11] =	ssyncadd.s32 $0xFFFFF800  }
0x151: {  	_ =	swait.ge [sflag:s11], $0x800  }
0x152: {  	[sflag:s11] =	ssyncset.done $0x0  }
0x153: {  	[sflag:s11] =	ssyncadd.s32 $0xFFFFF800  }
0x154: {  	_ =	swait.ge [sflag:s11], $0x800  }
0x155: {  	[sflag:s11] =	ssyncset.done $0x0  }
0x156: {  	s18 =	simm.s32 @!p0 $0x4;
	[sflag:s11] =	ssyncadd.s32 $0xFFFFF800  }
0x157: {  	_ =	swait.ge @!p0 [sflag:s18], $0x800  }
0x158: {  	[sflag:s18] =	ssyncset.done @!p0 $0x0  }
0x159: {  	[sflag:s18] =	ssyncadd.s32 @!p0 $0xFFFFF800;
	s18 =	simm.s32 $0x0  }
0x15a: {  	v0 =	vld [tilespmem:s18+$0x13400]  }
0x15b: {  	v1 =	vld [tilespmem:s18+$0xB400]  }
0x15c: {  	v2 =	vld [tilespmem:s18+$0xBC00]  }
0x15d: {  	v3 =	vld [tilespmem:s18+$0xC400]  }
0x15e: {  	v5 =	vld [tilespmem:s18+$0xCC00]  }
0x15f: {  	v4 =	vld [tilespmem:s18+$0xD400]  }
0x160: {  	v6 =	vld [tilespmem:s18+$0xDC00]  }
0x161: {  	v7 =	vld [tilespmem:s18+$0xE400]  }
0x162: {  	v9 =	vld [tilespmem:s18+$0xEC00]  }
0x163: {  	v8 =	vld [tilespmem:s18+$0xF400]  }
0x164: {  	v10 =	vld [tilespmem:s18+$0xFC00]  }
0x165: {  	v11 =	vld [tilespmem:s18+$0x10400]  }
0x166: {  	v13 =	vld [tilespmem:s18+$0x10C00]  }
0x167: {  	v12 =	vld [tilespmem:s18+$0x11400]  }
0x168: {  	v14 =	vld [tilespmem:s18+$0x11C00]  }
0x169: {  	s19 =	simm.s32 $0x40;
	v15 =	vld [tilespmem:s18+$0x12400]  }
.LBB2_7:
0x16a: {  	p0 =	sne.s32 s19, $0x1FC0;
	v16 =	vld [tilespmem:s18+$0x12C00]  }
0x16b: {  	v17 =	vld [tilespmem:s18+$0x13C00]  }
0x16c: {  	v19 =	vadd.f32 v2, v1;
	v3 =	vadd.f32 v5, v3;
	v18 =	vld [tilespmem:s18+$0x14400]  }
0x16d: {  	s20 =	sshra.s32 s19, $0x2;
	v4 =	vadd.f32 v6, v4;
	v5 =	vadd.f32 v9, v7;
	v20 =	vld [tilespmem:s18+$0x14C00]  }
0x16e: {  	v7 =	vadd.f32 v10, v8;
	v8 =	vadd.f32 v13, v11;
	v6 =	vld [tilespmem:s20+$0x13400]  }
0x16f: {  	v9 =	vadd.f32 v14, v12;
	v1 =	vld [tilespmem:s20+$0xB400];
	v10 =	vadd.f32 v16, v15  }
0x170: {  	v11 =	vadd.f32 v3, v19;
	v12 =	vadd.f32 v5, v4;
	v2 =	vld [tilespmem:s20+$0xBC00]  }
0x171: {  	v7 =	vadd.f32 v8, v7;
	v3 =	vld [tilespmem:s20+$0xC400];
	v8 =	vadd.f32 v10, v9  }
0x172: {  	v9 =	vadd.f32 v17, v0;
	v5 =	vld [tilespmem:s20+$0xCC00];
	v10 =	vadd.f32 v20, v18  }
0x173: {  	v11 =	vadd.f32 v12, v11;
	v4 =	vld [tilespmem:s20+$0xD400];
	v8 =	vadd.f32 v8, v7;
	v0 =	vmov v6  }
0x174: {  	v6 =	vld [tilespmem:s20+$0xDC00]  }
0x175: {  	v10 =	vadd.f32 v10, v9;
	v7 =	vld [tilespmem:s20+$0xE400];
	v11 =	vadd.f32 v8, v11  }
0x176: {  	v9 =	vld [tilespmem:s20+$0xEC00]  }
0x177: {  	v8 =	vld [tilespmem:s20+$0xF400];
	v12 =	vadd.f32 v10, v11  }
0x178: {  	v10 =	vld [tilespmem:s20+$0xFC00]  }
.Ltmp4:
0x179: {  	v11 =	vld [tilespmem:s20+$0x10400];
	[tilespmem:s18+$0x15C00] =	vst v12;
	s18 =	smov.u32 s20;
	(pc) =	sbr.rel @p0 .LBB2_7-.Ltmp4, $4  }
0x17a: {  	v13 =	vld [tilespmem:s18+$0x10C00]  }
0x17b: {  	v12 =	vld [tilespmem:s18+$0x11400]  }
0x17c: {  	v14 =	vld [tilespmem:s18+$0x11C00]  }
0x17d: {  	s19 =	sadd.s32 $0x40, s19;
	v15 =	vld [tilespmem:s18+$0x12400]  }
0x17e: {  	v16 =	vld [tilespmem:s18+$0x12C00];
	_ =	sdelay $0x1  }
0x17f: {  	v17 =	vld [tilespmem:s18+$0x13C00];
	v1 =	vadd.f32 v2, v1;
	v53 =	vadd.f32 v5, v3  }
0x180: {  	v18 =	vld [tilespmem:s18+$0x14400];
	v4 =	vadd.f32 v6, v4;
	v55 =	vadd.f32 v9, v7  }
0x181: {  	v54 =	vld [tilespmem:s18+$0x14C00];
	v56 =	vadd.f32 v10, v8;
	v57 =	vadd.f32 v13, v11  }
0x182: {  	v58 =	vadd.f32 v14, v12;
	v59 =	vadd.f32 v16, v15  }
0x183: {  	v1 =	vadd.f32 v53, v1;
	v60 =	vadd.f32 v55, v4  }
0x184: {  	v61 =	vadd.f32 v57, v56;
	v62 =	vadd.f32 v59, v58  }
0x185: {  	v1 =	vadd.f32 v60, v1;
	v0 =	vadd.f32 v17, v0  }
0x186: {  	v3 =	vadd.f32 v54, v18;
	v63 =	vadd.f32 v62, v61;
	_ =	sdelay $0x1  }
0x187: {  	v0 =	vadd.f32 v3, v0;
	v1 =	vadd.f32 v63, v1  }
.Ltmp5:
0x188: {  	_ = 	snop;
	(pc) =	sbr.rel @p1 .LBB2_10-.Ltmp5, $4  }
0x189: {  	s17 =	sor.u32 s10, s17;
	v0 =	vadd.f32 v0, v1  }
0x18a: {  	s17 =	sshrl.u32 s17, $0x3  }
0x18b: {  	s17 =	sadd.s32 s2, s17;
	[tilespmem:s18+$0x15C00] =	vst v0  }
0x18c: {  	[hbm4b:s17+s0] =	stream.strided.scatter [tilespmem:s8], [sflag:$0x4], $0x800, s4, s0, $0x38;
	[tilespmem:$0x16400] =	vst v63  }
0x18d: {  	s16 =	sadd.s32 $0x3, s16  }
0x18e: {  	s17 =	sshll.u32 s16, $0x7;
	s16 =	sshll.u32 s16, $0xC  }
0x18f: {  	s17 =	sand.u32 $0x380, s17;
	s16 =	sand.u32 $0x78000, s16  }
0x190: {  	s16 =	sor.u32 s16, s17  }
0x191: {  	s16 =	sor.u32 s7, s16  }
0x192: {  	s16 =	sshrl.u32 s16, $0x3  }
0x193: {  	s16 =	sadd.s32 s1, s16  }
0x194: {  	[tilespmem:s3], [sflag:$0x5] =	stream.strided.gather [hbm4b:s16+s12], $0xA00, s13, s12, $0x38;
	[tilespmem:$0x16400] =	vst v63  }
0x195: {  	_ =	swait.ge [sflag:s14], $0xA00  }
0x196: {  	[sflag:s14] =	ssyncset.done $0x0  }
0x197: {  	s18 =	simm.s32 $0xB400;
	[sflag:s14] =	ssyncadd.s32 $0xFFFFF600  }
0x198: {  	[tilespmem:s18], [sflag:$0x2] =	stream.indirect.gather [hbm4b:s5+s12], $0x10, s3, s12, $0xb8;
	[tilespmem:$0x16400] =	vst v63  }
0x199: {  	s19 =	simm.s32 $0xA80;
	s20 =	simm.s32 $0xBC00  }
0x19a: {  	[tilespmem:s20], [sflag:$0x2] =	stream.indirect.gather [hbm4b:s5+s12], $0x10, s19, s12, $0xb8;
	[tilespmem:$0x16400] =	vst v63  }
0x19b: {  	s17 =	simm.s32 $0xB00;
	s18 =	simm.s32 $0xC400  }
0x19c: {  	[tilespmem:s18], [sflag:$0x2] =	stream.indirect.gather [hbm4b:s5+s12], $0x10, s17, s12, $0xb8;
	[tilespmem:$0x16400] =	vst v63  }
0x19d: {  	s19 =	simm.s32 $0xB80;
	s20 =	simm.s32 $0xCC00  }
0x19e: {  	[tilespmem:s20], [sflag:$0x2] =	stream.indirect.gather [hbm4b:s5+s12], $0x10, s19, s12, $0xb8;
	[tilespmem:$0x16400] =	vst v63  }
0x19f: {  	s17 =	simm.s32 $0xC00;
	s18 =	simm.s32 $0xD400  }
0x1a0: {  	[tilespmem:s18], [sflag:$0x2] =	stream.indirect.gather [hbm4b:s5+s12], $0x10, s17, s12, $0xb8;
	[tilespmem:$0x16400] =	vst v63  }
0x1a1: {  	s19 =	simm.s32 $0xC80;
	s20 =	simm.s32 $0xDC00  }
0x1a2: {  	[tilespmem:s20], [sflag:$0x2] =	stream.indirect.gather [hbm4b:s5+s12], $0x10, s19, s12, $0xb8;
	[tilespmem:$0x16400] =	vst v63  }
0x1a3: {  	s17 =	simm.s32 $0xD00;
	s18 =	simm.s32 $0xE400  }
0x1a4: {  	[tilespmem:s18], [sflag:$0x2] =	stream.indirect.gather [hbm4b:s5+s12], $0x10, s17, s12, $0xb8;
	[tilespmem:$0x16400] =	vst v63  }
0x1a5: {  	s19 =	simm.s32 $0xD80;
	s20 =	simm.s32 $0xEC00  }
0x1a6: {  	[tilespmem:s20], [sflag:$0x2] =	stream.indirect.gather [hbm4b:s5+s12], $0x10, s19, s12, $0xb8;
	[tilespmem:$0x16400] =	vst v63  }
0x1a7: {  	s17 =	simm.s32 $0xE00;
	s18 =	simm.s32 $0xF400  }
0x1a8: {  	[tilespmem:s18], [sflag:$0x2] =	stream.indirect.gather [hbm4b:s5+s12], $0x10, s17, s12, $0xb8;
	[tilespmem:$0x16400] =	vst v63  }
0x1a9: {  	s19 =	simm.s32 $0xE80;
	s20 =	simm.s32 $0xFC00  }
0x1aa: {  	[tilespmem:s20], [sflag:$0x2] =	stream.indirect.gather [hbm4b:s5+s12], $0x10, s19, s12, $0xb8;
	[tilespmem:$0x16400] =	vst v63  }
0x1ab: {  	s17 =	simm.s32 $0xF00;
	s18 =	simm.s32 $0x10400  }
0x1ac: {  	[tilespmem:s18], [sflag:$0x2] =	stream.indirect.gather [hbm4b:s5+s12], $0x10, s17, s12, $0xb8;
	[tilespmem:$0x16400] =	vst v63  }
0x1ad: {  	s19 =	simm.s32 $0xF80;
	s20 =	simm.s32 $0x10C00  }
0x1ae: {  	[tilespmem:s20], [sflag:$0x2] =	stream.indirect.gather [hbm4b:s5+s12], $0x10, s19, s12, $0xb8;
	[tilespmem:$0x16400] =	vst v63  }
0x1af: {  	s17 =	simm.s32 $0x1000;
	s18 =	simm.s32 $0x11400  }
0x1b0: {  	[tilespmem:s18], [sflag:$0x2] =	stream.indirect.gather [hbm4b:s5+s12], $0x10, s17, s12, $0xb8;
	[tilespmem:$0x16400] =	vst v63  }
0x1b1: {  	s19 =	simm.s32 $0x1080;
	s20 =	simm.s32 $0x11C00  }
0x1b2: {  	[tilespmem:s20], [sflag:$0x2] =	stream.indirect.gather [hbm4b:s5+s12], $0x10, s19, s12, $0xb8;
	[tilespmem:$0x16400] =	vst v63  }
0x1b3: {  	s18 =	simm.s32 $0x1100;
	s19 =	simm.s32 $0x12400  }
0x1b4: {  	[tilespmem:s19], [sflag:$0x2] =	stream.indirect.gather [hbm4b:s5+s12], $0x10, s18, s12, $0xb8;
	[tilespmem:$0x16400] =	vst v63  }
0x1b5: {  	s20 =	simm.s32 $0x1180  }
0x1b6: {  	[tilespmem:s21], [sflag:$0x2] =	stream.indirect.gather [hbm4b:s5+s12], $0x10, s20, s12, $0xb8;
	[tilespmem:$0x16400] =	vst v63  }
0x1b7: {  	_ = 	snop  }
0x1b8: {  	[tilespmem:s23], [sflag:$0x2] =	stream.indirect.gather [hbm4b:s5+s12], $0x10, s22, s12, $0xb8;
	[tilespmem:$0x16400] =	vst v63  }
0x1b9: {  	_ = 	snop  }
0x1ba: {  	[tilespmem:s25], [sflag:$0x2] =	stream.indirect.gather [hbm4b:s5+s12], $0x10, s24, s12, $0xb8;
	[tilespmem:$0x16400] =	vst v63  }
.Ltmp6:
0x1bb: {  	_ = 	snop;
	(pc) =	sbr.rel .LBB2_2-.Ltmp6, $4  }
0x1bc: {  	_ = 	snop  }
0x1bd: {  	[tilespmem:s28], [sflag:$0x2] =	stream.indirect.gather [hbm4b:s5+s12], $0x10, s26, s12, $0xb8;
	[tilespmem:$0x16400] =	vst v63  }
0x1be: {  	s15 =	sadd.s32 $0x1, s15  }
0x1bf: {  	[tilespmem:s30], [sflag:$0x2] =	stream.indirect.gather [hbm4b:s5+s12], $0x10, s29, s12, $0xb8;
	[tilespmem:$0x16400] =	vst v63  }
.LBB2_11:
0x1c0: {  	_ =	sfence.sel $0x180000  }
0x1c1: {  	[bflag:$0x0] =	sbarrier.arrive $0xFFFF  }
0x1c2: {  	_ =	strace $0x90000047  }
0x1c3: {  	s0 =	stileid.u32;
	[bflag:$0x2] =	sbarrier.arrive $0xFFFF  }
0x1c4: {  	p0 =	sne.s32 s0, $0x0;
	s0 =	rddreg [dreg:$0x3]  }
0x1c5: {  	s0 =	sadd.s32 @!p0 $0x100000, s0  }
0x1c6: {  	[sflag:s0] =	ssyncadd.tile.s32 @!p0 $0x1;
	_ =	shalt  }
.Lfunc_end2:
_tile_overlayer_lowered:
.L_overlay_start_2:
0x1c7: {  	(tag) =	ssettag $0x2  }
0x1c8: {  	s0 =	rddreg [dreg:$0x0];
	s2 =	stileid.u32  }
0x1c9: {  	s1 =	rddreg [dreg:$0x1];
	p0 =	sne.s32 s2, $0x0  }
0x1ca: {  	s3 =	rddreg [dreg:$0x2];
	[bflag:$0x3] =	sbarrier.arrive $0xFFFF;
	s2 =	simm.s32 @!p0 $0x1C05  }
0x1cb: {  	[timem:s3], [sflag:s2] =	dma.local @!p0 [hbm:s0], s1  }
0x1cc: {  	s0 =	simm.s32 @!p0 $0x5  }
0x1cd: {  	_ =	swait.ge @!p0 [sflag:s0], s1  }
0x1ce: {  	s1 =	ssub.s32 @!p0 $0x0, s1;
	[sflag:s0] =	ssyncset.done @!p0 $0x0  }
0x1cf: {  	[sflag:s0] =	ssyncadd.s32 @!p0 s1  }
0x1d0: {  	[bflag:$0x3] =	sbarrier.arrive $0xFFFF  }
0x1d1: {  	_ =	shalt  }

</sc_bundles>
